<compile_context>
chip_gen: v7x
topology: tpu7x:2x2x1
jax: 0.10.2.dev20260603
libtpu: 0.0.44.dev20260713+nightly
codegen_flags: <defaults>
</compile_context>

<pallas_src>
import functools

import jax
import jax.numpy as jnp
from jax import lax
from jax.experimental import pallas as pl
from jax.experimental.pallas import tpu as pltpu
from jax.experimental.pallas import tpu_sc as plsc

R = 262144
C = 128
NUM_CORES = 2
NUM_SUBCORES = 16
NUM_WORKERS = NUM_CORES * NUM_SUBCORES
ROWS_PER_WORKER = R // NUM_WORKERS
BUF_ROWS = 64
N_DMA = ROWS_PER_WORKER // BUF_ROWS
LANES = 16


def _sc_body(sub_hbm, out_hbm, buf_v, sem):
    pltpu.sync_copy(sub_hbm, buf_v.at[0])
    vregs = [buf_v[0, pl.ds(LANES * j, LANES)] for j in range(C // LANES)]

    def fill(i, carry):
        for j in range(C // LANES):
            buf_v[i, pl.ds(LANES * j, LANES)] = vregs[j]
        return carry

    lax.fori_loop(1, BUF_ROWS, fill, 0)

    wid = lax.axis_index("c") * NUM_SUBCORES + lax.axis_index("s")
    base = wid * ROWS_PER_WORKER
    copies = [
        pltpu.async_copy(
            buf_v, out_hbm.at[pl.ds(base + j * BUF_ROWS, BUF_ROWS)], sem)
        for j in range(N_DMA)
    ]
    for cp in copies:
        cp.wait()


_sc_broadcast = functools.partial(
    pl.kernel,
    mesh=plsc.VectorSubcoreMesh(core_axis_name="c", subcore_axis_name="s"),
    out_type=jax.ShapeDtypeStruct((R, C), jnp.float32),
    scratch_types=[
        pltpu.VMEM((BUF_ROWS, C), jnp.float32),
        pltpu.SemaphoreType.DMA,
    ],
)(_sc_body)


def kernel(input_2d_tensor, substitution_tensor):
    del input_2d_tensor
    return _sc_broadcast(substitution_tensor)

# --- scband reference (transcript-rebuilt; emitter-appended) ---
"""Pipeline reference for scband-iteratively-modify-tensor-1889785610294 (READ-ONLY COPY).

The authoritative reference and input builder live on the scoring server;
editing this copy changes nothing except your own understanding.
"""

import jax, jax.numpy as jnp
import numpy as np

R = 262144
C = 128

def setup_inputs(seed: int = 0) -> dict:
    key = jax.random.key(seed)
    k1, k2 = jax.random.split(key)
    input_2d_tensor = jnp.zeros((R, C), dtype=jnp.int64)
    substitution_tensor = jax.random.normal(k2, (C,), dtype=jnp.float32)
    return {"input_2d_tensor": input_2d_tensor, "substitution_tensor": substitution_tensor}

def reference(input_2d_tensor, substitution_tensor):
    # Faithful translation of IterativelyModifyTensor.forward:
    # the torch loop does, for every row r, a scatter-overwrite along dim 0
    # with index filled with r and src = substitution_tensor, so after the
    # loop every row of the output equals substitution_tensor.
    # We express the same scatter-overwrite vectorized (one .at[rows].set per
    # all rows instead of a Python loop of 262144 single-row scatters).
    num_rows = input_2d_tensor.shape[0]
    num_cols = input_2d_tensor.shape[1]
    output_tensor = jnp.zeros((num_rows, num_cols), dtype=substitution_tensor.dtype)
    rows = jnp.arange(num_rows)
    src = jnp.broadcast_to(substitution_tensor[None, :], (num_rows, num_cols))
    output_tensor = output_tensor.at[rows].set(src)
    return output_tensor

if __name__ == "__main__":
    import jax
    _d = setup_inputs()
    print(jax.jit(kernel)(*tuple(_d.values())))

</pallas_src>

<mosaic_0001>
#map = affine_map<(d0, d1) -> (0)>
#map1 = affine_map<(d0, d1) -> (0, 0)>
module attributes {stable_mosaic.version = 14 : i64} {
  func.func @_sc_body(%arg0: i32, %arg1: i32, %arg2: memref<128xf32, #tpu.memory_space<hbm>>, %arg3: memref<262144x128xf32, #tpu.memory_space<hbm>>, %arg4: memref<64x128xf32, #tpu.memory_space<vmem>>, %arg5: memref<!tpu.dma_semaphore, #tpu.memory_space<semaphore_mem>>) attributes {dimension_semantics = [#tpu.dimension_semantics<core_parallel>, #tpu.dimension_semantics<subcore_parallel>], iteration_bounds = array<i64: 2, 16>, scalar_prefetch = 0 : i64, scratch_operands = 2 : i64, tpu.core_type = #tpu.core_type<sc_vector_subcore>, window_params = [{transform_indices = #map}, {transform_indices = #map1}]} {
    %run_scoped3A = arith.constant 0 : i32
    "tpu.region"() ({
      %run_scoped3A_1325 = tpu.sem_alloc : memref<!tpu.dma_semaphore, #tpu.memory_space<semaphore_mem>>
      %dma_start3A_1326 = arith.constant 0 : i32
      %dma_start3A_1327 = tpu.memref_slice %arg4[%run_scoped3A, %dma_start3A_1326] : memref<64x128xf32, #tpu.memory_space<vmem>> -> memref<1x128xf32, #tpu.memory_space<vmem>>
      %dma_start3A_1328 = tpu.memref_squeeze %dma_start3A_1327 : memref<1x128xf32, #tpu.memory_space<vmem>> -> memref<128xf32, #tpu.memory_space<vmem>>
      %dma_start3A_1329 = arith.constant 0 : i32
      %dma_start3A_1330 = tpu.memref_slice %arg4[%run_scoped3A, %dma_start3A_1329] : memref<64x128xf32, #tpu.memory_space<vmem>> -> memref<1x128xf32, #tpu.memory_space<vmem>>
      %dma_start3A_1331 = tpu.memref_squeeze %dma_start3A_1330 : memref<1x128xf32, #tpu.memory_space<vmem>> -> memref<128xf32, #tpu.memory_space<vmem>>
      tpu.enqueue_dma source(%arg2 : memref<128xf32, #tpu.memory_space<hbm>>) target(%dma_start3A_1331 : memref<128xf32, #tpu.memory_space<vmem>>) target_semaphore(%run_scoped3A_1325 : memref<!tpu.dma_semaphore, #tpu.memory_space<semaphore_mem>>)
      %dma_wait3A_1332 = arith.constant 0 : i32
      %dma_wait3A_1333 = tpu.memref_slice %arg4[%run_scoped3A, %dma_wait3A_1332] : memref<64x128xf32, #tpu.memory_space<vmem>> -> memref<1x128xf32, #tpu.memory_space<vmem>>
      %dma_wait3A_1334 = tpu.memref_squeeze %dma_wait3A_1333 : memref<1x128xf32, #tpu.memory_space<vmem>> -> memref<128xf32, #tpu.memory_space<vmem>>
      %dma_wait3A_1335 = arith.constant 0 : i32
      %dma_wait3A_1336 = tpu.memref_slice %arg4[%run_scoped3A, %dma_wait3A_1335] : memref<64x128xf32, #tpu.memory_space<vmem>> -> memref<1x128xf32, #tpu.memory_space<vmem>>
      %dma_wait3A_1337 = tpu.memref_squeeze %dma_wait3A_1336 : memref<1x128xf32, #tpu.memory_space<vmem>> -> memref<128xf32, #tpu.memory_space<vmem>>
      tpu.wait_dma2 semaphore(%run_scoped3A_1325 : memref<!tpu.dma_semaphore, #tpu.memory_space<semaphore_mem>>) src(%arg2 : memref<128xf32, #tpu.memory_space<hbm>>) dst(%dma_wait3A_1337 : memref<128xf32, #tpu.memory_space<vmem>>)
      tpu.yield
    }) : () -> ()
    %get3A = arith.constant 0 : i32
    %get3A_0 = arith.index_cast %get3A : i32 to index
    %get3A_1 = arith.constant 0 : index
    %get3A_2 = tpu.vector_load %arg4[%get3A_0, %get3A_1] {strides = array<i32>} : memref<64x128xf32, #tpu.memory_space<vmem>>, vector<1x16xf32>,
    %get3A_3 = vector.shape_cast %get3A_2 : vector<1x16xf32> to vector<16xf32>
    %get3A_4 = arith.constant 0 : i32
    %get3A_5 = arith.index_cast %get3A_4 : i32 to index
    %get3A_6 = arith.constant 16 : index
    %get3A_7 = tpu.vector_load %arg4[%get3A_5, %get3A_6] {strides = array<i32>} : memref<64x128xf32, #tpu.memory_space<vmem>>, vector<1x16xf32>,
    %get3A_8 = vector.shape_cast %get3A_7 : vector<1x16xf32> to vector<16xf32>
    %get3A_9 = arith.constant 0 : i32
    %get3A_10 = arith.index_cast %get3A_9 : i32 to index
    %get3A_11 = arith.constant 32 : index
    %get3A_12 = tpu.vector_load %arg4[%get3A_10, %get3A_11] {strides = array<i32>} : memref<64x128xf32, #tpu.memory_space<vmem>>, vector<1x16xf32>,
    %get3A_13 = vector.shape_cast %get3A_12 : vector<1x16xf32> to vector<16xf32>
    %get3A_14 = arith.constant 0 : i32
    %get3A_15 = arith.index_cast %get3A_14 : i32 to index
    %get3A_16 = arith.constant 48 : index
    %get3A_17 = tpu.vector_load %arg4[%get3A_15, %get3A_16] {strides = array<i32>} : memref<64x128xf32, #tpu.memory_space<vmem>>, vector<1x16xf32>,
    %get3A_18 = vector.shape_cast %get3A_17 : vector<1x16xf32> to vector<16xf32>
    %get3A_19 = arith.constant 0 : i32
    %get3A_20 = arith.index_cast %get3A_19 : i32 to index
    %get3A_21 = arith.constant 64 : index
    %get3A_22 = tpu.vector_load %arg4[%get3A_20, %get3A_21] {strides = array<i32>} : memref<64x128xf32, #tpu.memory_space<vmem>>, vector<1x16xf32>,
    %get3A_23 = vector.shape_cast %get3A_22 : vector<1x16xf32> to vector<16xf32>
    %get3A_24 = arith.constant 0 : i32
    %get3A_25 = arith.index_cast %get3A_24 : i32 to index
    %get3A_26 = arith.constant 80 : index
    %get3A_27 = tpu.vector_load %arg4[%get3A_25, %get3A_26] {strides = array<i32>} : memref<64x128xf32, #tpu.memory_space<vmem>>, vector<1x16xf32>,
    %get3A_28 = vector.shape_cast %get3A_27 : vector<1x16xf32> to vector<16xf32>
    %get3A_29 = arith.constant 0 : i32
    %get3A_30 = arith.index_cast %get3A_29 : i32 to index
    %get3A_31 = arith.constant 96 : index
    %get3A_32 = tpu.vector_load %arg4[%get3A_30, %get3A_31] {strides = array<i32>} : memref<64x128xf32, #tpu.memory_space<vmem>>, vector<1x16xf32>,
    %get3A_33 = vector.shape_cast %get3A_32 : vector<1x16xf32> to vector<16xf32>
    %get3A_34 = arith.constant 0 : i32
    %get3A_35 = arith.index_cast %get3A_34 : i32 to index
    %get3A_36 = arith.constant 112 : index
    %get3A_37 = tpu.vector_load %arg4[%get3A_35, %get3A_36] {strides = array<i32>} : memref<64x128xf32, #tpu.memory_space<vmem>>, vector<1x16xf32>,
    %get3A_38 = vector.shape_cast %get3A_37 : vector<1x16xf32> to vector<16xf32>
    %scan3A = arith.constant 0 : i32
    %scan3A_39 = arith.constant 1 : i32
    %scan3A_40 = arith.constant 63 : i32
    %scan3A_41 = arith.addi %scan3A_39, %scan3A_40 : i32
    %scan3A_42 = arith.constant 1 : i32
    scf.for %scan3A_1325 = %scan3A_39 to %scan3A_41 step %scan3A_42  : i32 {
      %swap3A = arith.index_cast %scan3A_1325 : i32 to index
      %swap3A_1326 = arith.constant 0 : index
      %swap3A_1327 = tpu.vector_load %arg4[%swap3A, %swap3A_1326] {strides = array<i32>} : memref<64x128xf32, #tpu.memory_space<vmem>>, vector<1x16xf32>,
      %swap3A_1328 = vector.shape_cast %swap3A_1327 : vector<1x16xf32> to vector<16xf32>
      %swap3A_1329 = vector.shape_cast %get3A_3 : vector<16xf32> to vector<1x16xf32>
      tpu.vector_store %arg4[%swap3A, %swap3A_1326], %swap3A_1329 {strides = array<i32>} : memref<64x128xf32, #tpu.memory_space<vmem>>, vector<1x16xf32>,
      %swap3A_1330 = arith.index_cast %scan3A_1325 : i32 to index
      %swap3A_1331 = arith.constant 16 : index
      %swap3A_1332 = tpu.vector_load %arg4[%swap3A_1330, %swap3A_1331] {strides = array<i32>} : memref<64x128xf32, #tpu.memory_space<vmem>>, vector<1x16xf32>,
      %swap3A_1333 = vector.shape_cast %swap3A_1332 : vector<1x16xf32> to vector<16xf32>
      %swap3A_1334 = vector.shape_cast %get3A_8 : vector<16xf32> to vector<1x16xf32>
      tpu.vector_store %arg4[%swap3A_1330, %swap3A_1331], %swap3A_1334 {strides = array<i32>} : memref<64x128xf32, #tpu.memory_space<vmem>>, vector<1x16xf32>,
      %swap3A_1335 = arith.index_cast %scan3A_1325 : i32 to index
      %swap3A_1336 = arith.constant 32 : index
      %swap3A_1337 = tpu.vector_load %arg4[%swap3A_1335, %swap3A_1336] {strides = array<i32>} : memref<64x128xf32, #tpu.memory_space<vmem>>, vector<1x16xf32>,
      %swap3A_1338 = vector.shape_cast %swap3A_1337 : vector<1x16xf32> to vector<16xf32>
      %swap3A_1339 = vector.shape_cast %get3A_13 : vector<16xf32> to vector<1x16xf32>
      tpu.vector_store %arg4[%swap3A_1335, %swap3A_1336], %swap3A_1339 {strides = array<i32>} : memref<64x128xf32, #tpu.memory_space<vmem>>, vector<1x16xf32>,
      %swap3A_1340 = arith.index_cast %scan3A_1325 : i32 to index
      %swap3A_1341 = arith.constant 48 : index
      %swap3A_1342 = tpu.vector_load %arg4[%swap3A_1340, %swap3A_1341] {strides = array<i32>} : memref<64x128xf32, #tpu.memory_space<vmem>>, vector<1x16xf32>,
      %swap3A_1343 = vector.shape_cast %swap3A_1342 : vector<1x16xf32> to vector<16xf32>
      %swap3A_1344 = vector.shape_cast %get3A_18 : vector<16xf32> to vector<1x16xf32>
      tpu.vector_store %arg4[%swap3A_1340, %swap3A_1341], %swap3A_1344 {strides = array<i32>} : memref<64x128xf32, #tpu.memory_space<vmem>>, vector<1x16xf32>,
      %swap3A_1345 = arith.index_cast %scan3A_1325 : i32 to index
      %swap3A_1346 = arith.constant 64 : index
      %swap3A_1347 = tpu.vector_load %arg4[%swap3A_1345, %swap3A_1346] {strides = array<i32>} : memref<64x128xf32, #tpu.memory_space<vmem>>, vector<1x16xf32>,
      %swap3A_1348 = vector.shape_cast %swap3A_1347 : vector<1x16xf32> to vector<16xf32>
      %swap3A_1349 = vector.shape_cast %get3A_23 : vector<16xf32> to vector<1x16xf32>
      tpu.vector_store %arg4[%swap3A_1345, %swap3A_1346], %swap3A_1349 {strides = array<i32>} : memref<64x128xf32, #tpu.memory_space<vmem>>, vector<1x16xf32>,
      %swap3A_1350 = arith.index_cast %scan3A_1325 : i32 to index
      %swap3A_1351 = arith.constant 80 : index
      %swap3A_1352 = tpu.vector_load %arg4[%swap3A_1350, %swap3A_1351] {strides = array<i32>} : memref<64x128xf32, #tpu.memory_space<vmem>>, vector<1x16xf32>,
      %swap3A_1353 = vector.shape_cast %swap3A_1352 : vector<1x16xf32> to vector<16xf32>
      %swap3A_1354 = vector.shape_cast %get3A_28 : vector<16xf32> to vector<1x16xf32>
      tpu.vector_store %arg4[%swap3A_1350, %swap3A_1351], %swap3A_1354 {strides = array<i32>} : memref<64x128xf32, #tpu.memory_space<vmem>>, vector<1x16xf32>,
      %swap3A_1355 = arith.index_cast %scan3A_1325 : i32 to index
      %swap3A_1356 = arith.constant 96 : index
      %swap3A_1357 = tpu.vector_load %arg4[%swap3A_1355, %swap3A_1356] {strides = array<i32>} : memref<64x128xf32, #tpu.memory_space<vmem>>, vector<1x16xf32>,
      %swap3A_1358 = vector.shape_cast %swap3A_1357 : vector<1x16xf32> to vector<16xf32>
      %swap3A_1359 = vector.shape_cast %get3A_33 : vector<16xf32> to vector<1x16xf32>
      tpu.vector_store %arg4[%swap3A_1355, %swap3A_1356], %swap3A_1359 {strides = array<i32>} : memref<64x128xf32, #tpu.memory_space<vmem>>, vector<1x16xf32>,
      %swap3A_1360 = arith.index_cast %scan3A_1325 : i32 to index
      %swap3A_1361 = arith.constant 112 : index
      %swap3A_1362 = tpu.vector_load %arg4[%swap3A_1360, %swap3A_1361] {strides = array<i32>} : memref<64x128xf32, #tpu.memory_space<vmem>>, vector<1x16xf32>,
      %swap3A_1363 = vector.shape_cast %swap3A_1362 : vector<1x16xf32> to vector<16xf32>
      %swap3A_1364 = vector.shape_cast %get3A_38 : vector<16xf32> to vector<1x16xf32>
      tpu.vector_store %arg4[%swap3A_1360, %swap3A_1361], %swap3A_1364 {strides = array<i32>} : memref<64x128xf32, #tpu.memory_space<vmem>>, vector<1x16xf32>,
    }
    %scan3A_43 = arith.constant 63 : i32
    %mul3A = arith.constant 16 : i32
    %mul3A_44 = arith.muli %arg0, %mul3A : i32
    %add3A = arith.addi %mul3A_44, %arg1 : i32
    %mul3A_45 = arith.constant 8192 : i32
    %mul3A_46 = arith.muli %add3A, %mul3A_45 : i32
    %add3A_47 = arith.constant 0 : i32
    %add3A_48 = arith.addi %mul3A_46, %add3A_47 : i32
    %dma_start3A = arith.constant 0 : i32
    %dma_start3A_49 = tpu.memref_slice %arg3[%add3A_48, %dma_start3A] : memref<262144x128xf32, #tpu.memory_space<hbm>> -> memref<64x128xf32, #tpu.memory_space<hbm>>
    %dma_start3A_50 = arith.constant 0 : i32
    %dma_start3A_51 = tpu.memref_slice %arg3[%add3A_48, %dma_start3A_50] : memref<262144x128xf32, #tpu.memory_space<hbm>> -> memref<64x128xf32, #tpu.memory_space<hbm>>
    tpu.enqueue_dma source(%arg4 : memref<64x128xf32, #tpu.memory_space<vmem>>) target(%dma_start3A_51 : memref<64x128xf32, #tpu.memory_space<hbm>>) target_semaphore(%arg5 : memref<!tpu.dma_semaphore, #tpu.memory_space<semaphore_mem>>)
    %add3A_52 = arith.constant 64 : i32
    %add3A_53 = arith.addi %mul3A_46, %add3A_52 : i32
    %dma_start3A_54 = arith.constant 0 : i32
    %dma_start3A_55 = tpu.memref_slice %arg3[%add3A_53, %dma_start3A_54] : memref<262144x128xf32, #tpu.memory_space<hbm>> -> memref<64x128xf32, #tpu.memory_space<hbm>>
    %dma_start3A_56 = arith.constant 0 : i32
    %dma_start3A_57 = tpu.memref_slice %arg3[%add3A_53, %dma_start3A_56] : memref<262144x128xf32, #tpu.memory_space<hbm>> -> memref<64x128xf32, #tpu.memory_space<hbm>>
    tpu.enqueue_dma source(%arg4 : memref<64x128xf32, #tpu.memory_space<vmem>>) target(%dma_start3A_57 : memref<64x128xf32, #tpu.memory_space<hbm>>) target_semaphore(%arg5 : memref<!tpu.dma_semaphore, #tpu.memory_space<semaphore_mem>>)
    %add3A_58 = arith.constant 128 : i32
    %add3A_59 = arith.addi %mul3A_46, %add3A_58 : i32
    %dma_start3A_60 = arith.constant 0 : i32
    %dma_start3A_61 = tpu.memref_slice %arg3[%add3A_59, %dma_start3A_60] : memref<262144x128xf32, #tpu.memory_space<hbm>> -> memref<64x128xf32, #tpu.memory_space<hbm>>
    %dma_start3A_62 = arith.constant 0 : i32
    %dma_start3A_63 = tpu.memref_slice %arg3[%add3A_59, %dma_start3A_62] : memref<262144x128xf32, #tpu.memory_space<hbm>> -> memref<64x128xf32, #tpu.memory_space<hbm>>
    tpu.enqueue_dma source(%arg4 : memref<64x128xf32, #tpu.memory_space<vmem>>) target(%dma_start3A_63 : memref<64x128xf32, #tpu.memory_space<hbm>>) target_semaphore(%arg5 : memref<!tpu.dma_semaphore, #tpu.memory_space<semaphore_mem>>)
    %add3A_64 = arith.constant 192 : i32
    %add3A_65 = arith.addi %mul3A_46, %add3A_64 : i32
    %dma_start3A_66 = arith.constant 0 : i32
    %dma_start3A_67 = tpu.memref_slice %arg3[%add3A_65, %dma_start3A_66] : memref<262144x128xf32, #tpu.memory_space<hbm>> -> memref<64x128xf32, #tpu.memory_space<hbm>>
    %dma_start3A_68 = arith.constant 0 : i32
    %dma_start3A_69 = tpu.memref_slice %arg3[%add3A_65, %dma_start3A_68] : memref<262144x128xf32, #tpu.memory_space<hbm>> -> memref<64x128xf32, #tpu.memory_space<hbm>>
    tpu.enqueue_dma source(%arg4 : memref<64x128xf32, #tpu.memory_space<vmem>>) target(%dma_start3A_69 : memref<64x128xf32, #tpu.memory_space<hbm>>) target_semaphore(%arg5 : memref<!tpu.dma_semaphore, #tpu.memory_space<semaphore_mem>>)
    %add3A_70 = arith.constant 256 : i32
    %add3A_71 = arith.addi %mul3A_46, %add3A_70 : i32
    %dma_start3A_72 = arith.constant 0 : i32
    %dma_start3A_73 = tpu.memref_slice %arg3[%add3A_71, %dma_start3A_72] : memref<262144x128xf32, #tpu.memory_space<hbm>> -> memref<64x128xf32, #tpu.memory_space<hbm>>
    %dma_start3A_74 = arith.constant 0 : i32
    %dma_start3A_75 = tpu.memref_slice %arg3[%add3A_71, %dma_start3A_74] : memref<262144x128xf32, #tpu.memory_space<hbm>> -> memref<64x128xf32, #tpu.memory_space<hbm>>
    tpu.enqueue_dma source(%arg4 : memref<64x128xf32, #tpu.memory_space<vmem>>) target(%dma_start3A_75 : memref<64x128xf32, #tpu.memory_space<hbm>>) target_semaphore(%arg5 : memref<!tpu.dma_semaphore, #tpu.memory_space<semaphore_mem>>)
    %add3A_76 = arith.constant 320 : i32
    %add3A_77 = arith.addi %mul3A_46, %add3A_76 : i32
    %dma_start3A_78 = arith.constant 0 : i32
    %dma_start3A_79 = tpu.memref_slice %arg3[%add3A_77, %dma_start3A_78] : memref<262144x128xf32, #tpu.memory_space<hbm>> -> memref<64x128xf32, #tpu.memory_space<hbm>>
    %dma_start3A_80 = arith.constant 0 : i32
    %dma_start3A_81 = tpu.memref_slice %arg3[%add3A_77, %dma_start3A_80] : memref<262144x128xf32, #tpu.memory_space<hbm>> -> memref<64x128xf32, #tpu.memory_space<hbm>>
    tpu.enqueue_dma source(%arg4 : memref<64x128xf32, #tpu.memory_space<vmem>>) target(%dma_start3A_81 : memref<64x128xf32, #tpu.memory_space<hbm>>) target_semaphore(%arg5 : memref<!tpu.dma_semaphore, #tpu.memory_space<semaphore_mem>>)
    %add3A_82 = arith.constant 384 : i32
    %add3A_83 = arith.addi %mul3A_46, %add3A_82 : i32
    %dma_start3A_84 = arith.constant 0 : i32
    %dma_start3A_85 = tpu.memref_slice %arg3[%add3A_83, %dma_start3A_84] : memref<262144x128xf32, #tpu.memory_space<hbm>> -> memref<64x128xf32, #tpu.memory_space<hbm>>
    %dma_start3A_86 = arith.constant 0 : i32
    %dma_start3A_87 = tpu.memref_slice %arg3[%add3A_83, %dma_start3A_86] : memref<262144x128xf32, #tpu.memory_space<hbm>> -> memref<64x128xf32, #tpu.memory_space<hbm>>
    tpu.enqueue_dma source(%arg4 : memref<64x128xf32, #tpu.memory_space<vmem>>) target(%dma_start3A_87 : memref<64x128xf32, #tpu.memory_space<hbm>>) target_semaphore(%arg5 : memref<!tpu.dma_semaphore, #tpu.memory_space<semaphore_mem>>)
    %add3A_88 = arith.constant 448 : i32
    %add3A_89 = arith.addi %mul3A_46, %add3A_88 : i32
    %dma_start3A_90 = arith.constant 0 : i32
    %dma_start3A_91 = tpu.memref_slice %arg3[%add3A_89, %dma_start3A_90] : memref<262144x128xf32, #tpu.memory_space<hbm>> -> memref<64x128xf32, #tpu.memory_space<hbm>>
    %dma_start3A_92 = arith.constant 0 : i32
    %dma_start3A_93 = tpu.memref_slice %arg3[%add3A_89, %dma_start3A_92] : memref<262144x128xf32, #tpu.memory_space<hbm>> -> memref<64x128xf32, #tpu.memory_space<hbm>>
    tpu.enqueue_dma source(%arg4 : memref<64x128xf32, #tpu.memory_space<vmem>>) target(%dma_start3A_93 : memref<64x128xf32, #tpu.memory_space<hbm>>) target_semaphore(%arg5 : memref<!tpu.dma_semaphore, #tpu.memory_space<semaphore_mem>>)
    %add3A_94 = arith.constant 512 : i32
    %add3A_95 = arith.addi %mul3A_46, %add3A_94 : i32
    %dma_start3A_96 = arith.constant 0 : i32
    %dma_start3A_97 = tpu.memref_slice %arg3[%add3A_95, %dma_start3A_96] : memref<262144x128xf32, #tpu.memory_space<hbm>> -> memref<64x128xf32, #tpu.memory_space<hbm>>
    %dma_start3A_98 = arith.constant 0 : i32
    %dma_start3A_99 = tpu.memref_slice %arg3[%add3A_95, %dma_start3A_98] : memref<262144x128xf32, #tpu.memory_space<hbm>> -> memref<64x128xf32, #tpu.memory_space<hbm>>
    tpu.enqueue_dma source(%arg4 : memref<64x128xf32, #tpu.memory_space<vmem>>) target(%dma_start3A_99 : memref<64x128xf32, #tpu.memory_space<hbm>>) target_semaphore(%arg5 : memref<!tpu.dma_semaphore, #tpu.memory_space<semaphore_mem>>)
    %add3A_100 = arith.constant 576 : i32
    %add3A_101 = arith.addi %mul3A_46, %add3A_100 : i32
    %dma_start3A_102 = arith.constant 0 : i32
    %dma_start3A_103 = tpu.memref_slice %arg3[%add3A_101, %dma_start3A_102] : memref<262144x128xf32, #tpu.memory_space<hbm>> -> memref<64x128xf32, #tpu.memory_space<hbm>>
    %dma_start3A_104 = arith.constant 0 : i32
    %dma_start3A_105 = tpu.memref_slice %arg3[%add3A_101, %dma_start3A_104] : memref<262144x128xf32, #tpu.memory_space<hbm>> -> memref<64x128xf32, #tpu.memory_space<hbm>>
    tpu.enqueue_dma source(%arg4 : memref<64x128xf32, #tpu.memory_space<vmem>>) target(%dma_start3A_105 : memref<64x128xf32, #tpu.memory_space<hbm>>) target_semaphore(%arg5 : memref<!tpu.dma_semaphore, #tpu.memory_space<semaphore_mem>>)
    %add3A_106 = arith.constant 640 : i32
    %add3A_107 = arith.addi %mul3A_46, %add3A_106 : i32
    %dma_start3A_108 = arith.constant 0 : i32
    %dma_start3A_109 = tpu.memref_slice %arg3[%add3A_107, %dma_start3A_108] : memref<262144x128xf32, #tpu.memory_space<hbm>> -> memref<64x128xf32, #tpu.memory_space<hbm>>
    %dma_start3A_110 = arith.constant 0 : i32
    %dma_start3A_111 = tpu.memref_slice %arg3[%add3A_107, %dma_start3A_110] : memref<262144x128xf32, #tpu.memory_space<hbm>> -> memref<64x128xf32, #tpu.memory_space<hbm>>
    tpu.enqueue_dma source(%arg4 : memref<64x128xf32, #tpu.memory_space<vmem>>) target(%dma_start3A_111 : memref<64x128xf32, #tpu.memory_space<hbm>>) target_semaphore(%arg5 : memref<!tpu.dma_semaphore, #tpu.memory_space<semaphore_mem>>)
    %add3A_112 = arith.constant 704 : i32
    %add3A_113 = arith.addi %mul3A_46, %add3A_112 : i32
    %dma_start3A_114 = arith.constant 0 : i32
    %dma_start3A_115 = tpu.memref_slice %arg3[%add3A_113, %dma_start3A_114] : memref<262144x128xf32, #tpu.memory_space<hbm>> -> memref<64x128xf32, #tpu.memory_space<hbm>>
    %dma_start3A_116 = arith.constant 0 : i32
    %dma_start3A_117 = tpu.memref_slice %arg3[%add3A_113, %dma_start3A_116] : memref<262144x128xf32, #tpu.memory_space<hbm>> -> memref<64x128xf32, #tpu.memory_space<hbm>>
    tpu.enqueue_dma source(%arg4 : memref<64x128xf32, #tpu.memory_space<vmem>>) target(%dma_start3A_117 : memref<64x128xf32, #tpu.memory_space<hbm>>) target_semaphore(%arg5 : memref<!tpu.dma_semaphore, #tpu.memory_space<semaphore_mem>>)
    %add3A_118 = arith.constant 768 : i32
    %add3A_119 = arith.addi %mul3A_46, %add3A_118 : i32
    %dma_start3A_120 = arith.constant 0 : i32
    %dma_start3A_121 = tpu.memref_slice %arg3[%add3A_119, %dma_start3A_120] : memref<262144x128xf32, #tpu.memory_space<hbm>> -> memref<64x128xf32, #tpu.memory_space<hbm>>
    %dma_start3A_122 = arith.constant 0 : i32
    %dma_start3A_123 = tpu.memref_slice %arg3[%add3A_119, %dma_start3A_122] : memref<262144x128xf32, #tpu.memory_space<hbm>> -> memref<64x128xf32, #tpu.memory_space<hbm>>
    tpu.enqueue_dma source(%arg4 : memref<64x128xf32, #tpu.memory_space<vmem>>) target(%dma_start3A_123 : memref<64x128xf32, #tpu.memory_space<hbm>>) target_semaphore(%arg5 : memref<!tpu.dma_semaphore, #tpu.memory_space<semaphore_mem>>)
    %add3A_124 = arith.constant 832 : i32
    %add3A_125 = arith.addi %mul3A_46, %add3A_124 : i32
    %dma_start3A_126 = arith.constant 0 : i32
    %dma_start3A_127 = tpu.memref_slice %arg3[%add3A_125, %dma_start3A_126] : memref<262144x128xf32, #tpu.memory_space<hbm>> -> memref<64x128xf32, #tpu.memory_space<hbm>>
    %dma_start3A_128 = arith.constant 0 : i32
    %dma_start3A_129 = tpu.memref_slice %arg3[%add3A_125, %dma_start3A_128] : memref<262144x128xf32, #tpu.memory_space<hbm>> -> memref<64x128xf32, #tpu.memory_space<hbm>>
    tpu.enqueue_dma source(%arg4 : memref<64x128xf32, #tpu.memory_space<vmem>>) target(%dma_start3A_129 : memref<64x128xf32, #tpu.memory_space<hbm>>) target_semaphore(%arg5 : memref<!tpu.dma_semaphore, #tpu.memory_space<semaphore_mem>>)
    %add3A_130 = arith.constant 896 : i32
    %add3A_131 = arith.addi %mul3A_46, %add3A_130 : i32
    %dma_start3A_132 = arith.constant 0 : i32
    %dma_start3A_133 = tpu.memref_slice %arg3[%add3A_131, %dma_start3A_132] : memref<262144x128xf32, #tpu.memory_space<hbm>> -> memref<64x128xf32, #tpu.memory_space<hbm>>
    %dma_start3A_134 = arith.constant 0 : i32
    %dma_start3A_135 = tpu.memref_slice %arg3[%add3A_131, %dma_start3A_134] : memref<262144x128xf32, #tpu.memory_space<hbm>> -> memref<64x128xf32, #tpu.memory_space<hbm>>
    tpu.enqueue_dma source(%arg4 : memref<64x128xf32, #tpu.memory_space<vmem>>) target(%dma_start3A_135 : memref<64x128xf32, #tpu.memory_space<hbm>>) target_semaphore(%arg5 : memref<!tpu.dma_semaphore, #tpu.memory_space<semaphore_mem>>)
    %add3A_136 = arith.constant 960 : i32
    %add3A_137 = arith.addi %mul3A_46, %add3A_136 : i32
    %dma_start3A_138 = arith.constant 0 : i32
    %dma_start3A_139 = tpu.memref_slice %arg3[%add3A_137, %dma_start3A_138] : memref<262144x128xf32, #tpu.memory_space<hbm>> -> memref<64x128xf32, #tpu.memory_space<hbm>>
    %dma_start3A_140 = arith.constant 0 : i32
    %dma_start3A_141 = tpu.memref_slice %arg3[%add3A_137, %dma_start3A_140] : memref<262144x128xf32, #tpu.memory_space<hbm>> -> memref<64x128xf32, #tpu.memory_space<hbm>>
    tpu.enqueue_dma source(%arg4 : memref<64x128xf32, #tpu.memory_space<vmem>>) target(%dma_start3A_141 : memref<64x128xf32, #tpu.memory_space<hbm>>) target_semaphore(%arg5 : memref<!tpu.dma_semaphore, #tpu.memory_space<semaphore_mem>>)
    %add3A_142 = arith.constant 1024 : i32
    %add3A_143 = arith.addi %mul3A_46, %add3A_142 : i32
    %dma_start3A_144 = arith.constant 0 : i32
    %dma_start3A_145 = tpu.memref_slice %arg3[%add3A_143, %dma_start3A_144] : memref<262144x128xf32, #tpu.memory_space<hbm>> -> memref<64x128xf32, #tpu.memory_space<hbm>>
    %dma_start3A_146 = arith.constant 0 : i32
    %dma_start3A_147 = tpu.memref_slice %arg3[%add3A_143, %dma_start3A_146] : memref<262144x128xf32, #tpu.memory_space<hbm>> -> memref<64x128xf32, #tpu.memory_space<hbm>>
    tpu.enqueue_dma source(%arg4 : memref<64x128xf32, #tpu.memory_space<vmem>>) target(%dma_start3A_147 : memref<64x128xf32, #tpu.memory_space<hbm>>) target_semaphore(%arg5 : memref<!tpu.dma_semaphore, #tpu.memory_space<semaphore_mem>>)
    %add3A_148 = arith.constant 1088 : i32
    %add3A_149 = arith.addi %mul3A_46, %add3A_148 : i32
    %dma_start3A_150 = arith.constant 0 : i32
    %dma_start3A_151 = tpu.memref_slice %arg3[%add3A_149, %dma_start3A_150] : memref<262144x128xf32, #tpu.memory_space<hbm>> -> memref<64x128xf32, #tpu.memory_space<hbm>>
    %dma_start3A_152 = arith.constant 0 : i32
    %dma_start3A_153 = tpu.memref_slice %arg3[%add3A_149, %dma_start3A_152] : memref<262144x128xf32, #tpu.memory_space<hbm>> -> memref<64x128xf32, #tpu.memory_space<hbm>>
    tpu.enqueue_dma source(%arg4 : memref<64x128xf32, #tpu.memory_space<vmem>>) target(%dma_start3A_153 : memref<64x128xf32, #tpu.memory_space<hbm>>) target_semaphore(%arg5 : memref<!tpu.dma_semaphore, #tpu.memory_space<semaphore_mem>>)
    %add3A_154 = arith.constant 1152 : i32
    %add3A_155 = arith.addi %mul3A_46, %add3A_154 : i32
    %dma_start3A_156 = arith.constant 0 : i32
    %dma_start3A_157 = tpu.memref_slice %arg3[%add3A_155, %dma_start3A_156] : memref<262144x128xf32, #tpu.memory_space<hbm>> -> memref<64x128xf32, #tpu.memory_space<hbm>>
    %dma_start3A_158 = arith.constant 0 : i32
    %dma_start3A_159 = tpu.memref_slice %arg3[%add3A_155, %dma_start3A_158] : memref<262144x128xf32, #tpu.memory_space<hbm>> -> memref<64x128xf32, #tpu.memory_space<hbm>>
    tpu.enqueue_dma source(%arg4 : memref<64x128xf32, #tpu.memory_space<vmem>>) target(%dma_start3A_159 : memref<64x128xf32, #tpu.memory_space<hbm>>) target_semaphore(%arg5 : memref<!tpu.dma_semaphore, #tpu.memory_space<semaphore_mem>>)
    %add3A_160 = arith.constant 1216 : i32
    %add3A_161 = arith.addi %mul3A_46, %add3A_160 : i32
    %dma_start3A_162 = arith.constant 0 : i32
    %dma_start3A_163 = tpu.memref_slice %arg3[%add3A_161, %dma_start3A_162] : memref<262144x128xf32, #tpu.memory_space<hbm>> -> memref<64x128xf32, #tpu.memory_space<hbm>>
    %dma_start3A_164 = arith.constant 0 : i32
    %dma_start3A_165 = tpu.memref_slice %arg3[%add3A_161, %dma_start3A_164] : memref<262144x128xf32, #tpu.memory_space<hbm>> -> memref<64x128xf32, #tpu.memory_space<hbm>>
    tpu.enqueue_dma source(%arg4 : memref<64x128xf32, #tpu.memory_space<vmem>>) target(%dma_start3A_165 : memref<64x128xf32, #tpu.memory_space<hbm>>) target_semaphore(%arg5 : memref<!tpu.dma_semaphore, #tpu.memory_space<semaphore_mem>>)
    %add3A_166 = arith.constant 1280 : i32
    %add3A_167 = arith.addi %mul3A_46, %add3A_166 : i32
    %dma_start3A_168 = arith.constant 0 : i32
    %dma_start3A_169 = tpu.memref_slice %arg3[%add3A_167, %dma_start3A_168] : memref<262144x128xf32, #tpu.memory_space<hbm>> -> memref<64x128xf32, #tpu.memory_space<hbm>>
    %dma_start3A_170 = arith.constant 0 : i32
    %dma_start3A_171 = tpu.memref_slice %arg3[%add3A_167, %dma_start3A_170] : memref<262144x128xf32, #tpu.memory_space<hbm>> -> memref<64x128xf32, #tpu.memory_space<hbm>>
    tpu.enqueue_dma source(%arg4 : memref<64x128xf32, #tpu.memory_space<vmem>>) target(%dma_start3A_171 : memref<64x128xf32, #tpu.memory_space<hbm>>) target_semaphore(%arg5 : memref<!tpu.dma_semaphore, #tpu.memory_space<semaphore_mem>>)
    %add3A_172 = arith.constant 1344 : i32
    %add3A_173 = arith.addi %mul3A_46, %add3A_172 : i32
    %dma_start3A_174 = arith.constant 0 : i32
    %dma_start3A_175 = tpu.memref_slice %arg3[%add3A_173, %dma_start3A_174] : memref<262144x128xf32, #tpu.memory_space<hbm>> -> memref<64x128xf32, #tpu.memory_space<hbm>>
    %dma_start3A_176 = arith.constant 0 : i32
    %dma_start3A_177 = tpu.memref_slice %arg3[%add3A_173, %dma_start3A_176] : memref<262144x128xf32, #tpu.memory_space<hbm>> -> memref<64x128xf32, #tpu.memory_space<hbm>>
    tpu.enqueue_dma source(%arg4 : memref<64x128xf32, #tpu.memory_space<vmem>>) target(%dma_start3A_177 : memref<64x128xf32, #tpu.memory_space<hbm>>) target_semaphore(%arg5 : memref<!tpu.dma_semaphore, #tpu.memory_space<semaphore_mem>>)
    %add3A_178 = arith.constant 1408 : i32
    %add3A_179 = arith.addi %mul3A_46, %add3A_178 : i32
    %dma_start3A_180 = arith.constant 0 : i32
    %dma_start3A_181 = tpu.memref_slice %arg3[%add3A_179, %dma_start3A_180] : memref<262144x128xf32, #tpu.memory_space<hbm>> -> memref<64x128xf32, #tpu.memory_space<hbm>>
    %dma_start3A_182 = arith.constant 0 : i32
    %dma_start3A_183 = tpu.memref_slice %arg3[%add3A_179, %dma_start3A_182] : memref<262144x128xf32, #tpu.memory_space<hbm>> -> memref<64x128xf32, #tpu.memory_space<hbm>>
    tpu.enqueue_dma source(%arg4 : memref<64x128xf32, #tpu.memory_space<vmem>>) target(%dma_start3A_183 : memref<64x128xf32, #tpu.memory_space<hbm>>) target_semaphore(%arg5 : memref<!tpu.dma_semaphore, #tpu.memory_space<semaphore_mem>>)
    %add3A_184 = arith.constant 1472 : i32
    %add3A_185 = arith.addi %mul3A_46, %add3A_184 : i32
    %dma_start3A_186 = arith.constant 0 : i32
    %dma_start3A_187 = tpu.memref_slice %arg3[%add3A_185, %dma_start3A_186] : memref<262144x128xf32, #tpu.memory_space<hbm>> -> memref<64x128xf32, #tpu.memory_space<hbm>>
    %dma_start3A_188 = arith.constant 0 : i32
    %dma_start3A_189 = tpu.memref_slice %arg3[%add3A_185, %dma_start3A_188] : memref<262144x128xf32, #tpu.memory_space<hbm>> -> memref<64x128xf32, #tpu.memory_space<hbm>>
    tpu.enqueue_dma source(%arg4 : memref<64x128xf32, #tpu.memory_space<vmem>>) target(%dma_start3A_189 : memref<64x128xf32, #tpu.memory_space<hbm>>) target_semaphore(%arg5 : memref<!tpu.dma_semaphore, #tpu.memory_space<semaphore_mem>>)
    %add3A_190 = arith.constant 1536 : i32
    %add3A_191 = arith.addi %mul3A_46, %add3A_190 : i32
    %dma_start3A_192 = arith.constant 0 : i32
    %dma_start3A_193 = tpu.memref_slice %arg3[%add3A_191, %dma_start3A_192] : memref<262144x128xf32, #tpu.memory_space<hbm>> -> memref<64x128xf32, #tpu.memory_space<hbm>>
    %dma_start3A_194 = arith.constant 0 : i32
    %dma_start3A_195 = tpu.memref_slice %arg3[%add3A_191, %dma_start3A_194] : memref<262144x128xf32, #tpu.memory_space<hbm>> -> memref<64x128xf32, #tpu.memory_space<hbm>>
    tpu.enqueue_dma source(%arg4 : memref<64x128xf32, #tpu.memory_space<vmem>>) target(%dma_start3A_195 : memref<64x128xf32, #tpu.memory_space<hbm>>) target_semaphore(%arg5 : memref<!tpu.dma_semaphore, #tpu.memory_space<semaphore_mem>>)
    %add3A_196 = arith.constant 1600 : i32
    %add3A_197 = arith.addi %mul3A_46, %add3A_196 : i32
    %dma_start3A_198 = arith.constant 0 : i32
    %dma_start3A_199 = tpu.memref_slice %arg3[%add3A_197, %dma_start3A_198] : memref<262144x128xf32, #tpu.memory_space<hbm>> -> memref<64x128xf32, #tpu.memory_space<hbm>>
    %dma_start3A_200 = arith.constant 0 : i32
    %dma_start3A_201 = tpu.memref_slice %arg3[%add3A_197, %dma_start3A_200] : memref<262144x128xf32, #tpu.memory_space<hbm>> -> memref<64x128xf32, #tpu.memory_space<hbm>>
    tpu.enqueue_dma source(%arg4 : memref<64x128xf32, #tpu.memory_space<vmem>>) target(%dma_start3A_201 : memref<64x128xf32, #tpu.memory_space<hbm>>) target_semaphore(%arg5 : memref<!tpu.dma_semaphore, #tpu.memory_space<semaphore_mem>>)
    %add3A_202 = arith.constant 1664 : i32
    %add3A_203 = arith.addi %mul3A_46, %add3A_202 : i32
    %dma_start3A_204 = arith.constant 0 : i32
    %dma_start3A_205 = tpu.memref_slice %arg3[%add3A_203, %dma_start3A_204] : memref<262144x128xf32, #tpu.memory_space<hbm>> -> memref<64x128xf32, #tpu.memory_space<hbm>>
    %dma_start3A_206 = arith.constant 0 : i32
    %dma_start3A_207 = tpu.memref_slice %arg3[%add3A_203, %dma_start3A_206] : memref<262144x128xf32, #tpu.memory_space<hbm>> -> memref<64x128xf32, #tpu.memory_space<hbm>>
    tpu.enqueue_dma source(%arg4 : memref<64x128xf32, #tpu.memory_space<vmem>>) target(%dma_start3A_207 : memref<64x128xf32, #tpu.memory_space<hbm>>) target_semaphore(%arg5 : memref<!tpu.dma_semaphore, #tpu.memory_space<semaphore_mem>>)
    %add3A_208 = arith.constant 1728 : i32
    %add3A_209 = arith.addi %mul3A_46, %add3A_208 : i32
    %dma_start3A_210 = arith.constant 0 : i32
    %dma_start3A_211 = tpu.memref_slice %arg3[%add3A_209, %dma_start3A_210] : memref<262144x128xf32, #tpu.memory_space<hbm>> -> memref<64x128xf32, #tpu.memory_space<hbm>>
    %dma_start3A_212 = arith.constant 0 : i32
    %dma_start3A_213 = tpu.memref_slice %arg3[%add3A_209, %dma_start3A_212] : memref<262144x128xf32, #tpu.memory_space<hbm>> -> memref<64x128xf32, #tpu.memory_space<hbm>>
    tpu.enqueue_dma source(%arg4 : memref<64x128xf32, #tpu.memory_space<vmem>>) target(%dma_start3A_213 : memref<64x128xf32, #tpu.memory_space<hbm>>) target_semaphore(%arg5 : memref<!tpu.dma_semaphore, #tpu.memory_space<semaphore_mem>>)
    %add3A_214 = arith.constant 1792 : i32
    %add3A_215 = arith.addi %mul3A_46, %add3A_214 : i32
    %dma_start3A_216 = arith.constant 0 : i32
    %dma_start3A_217 = tpu.memref_slice %arg3[%add3A_215, %dma_start3A_216] : memref<262144x128xf32, #tpu.memory_space<hbm>> -> memref<64x128xf32, #tpu.memory_space<hbm>>
    %dma_start3A_218 = arith.constant 0 : i32
    %dma_start3A_219 = tpu.memref_slice %arg3[%add3A_215, %dma_start3A_218] : memref<262144x128xf32, #tpu.memory_space<hbm>> -> memref<64x128xf32, #tpu.memory_space<hbm>>
    tpu.enqueue_dma source(%arg4 : memref<64x128xf32, #tpu.memory_space<vmem>>) target(%dma_start3A_219 : memref<64x128xf32, #tpu.memory_space<hbm>>) target_semaphore(%arg5 : memref<!tpu.dma_semaphore, #tpu.memory_space<semaphore_mem>>)
    %add3A_220 = arith.constant 1856 : i32
    %add3A_221 = arith.addi %mul3A_46, %add3A_220 : i32
    %dma_start3A_222 = arith.constant 0 : i32
    %dma_start3A_223 = tpu.memref_slice %arg3[%add3A_221, %dma_start3A_222] : memref<262144x128xf32, #tpu.memory_space<hbm>> -> memref<64x128xf32, #tpu.memory_space<hbm>>
    %dma_start3A_224 = arith.constant 0 : i32
    %dma_start3A_225 = tpu.memref_slice %arg3[%add3A_221, %dma_start3A_224] : memref<262144x128xf32, #tpu.memory_space<hbm>> -> memref<64x128xf32, #tpu.memory_space<hbm>>
    tpu.enqueue_dma source(%arg4 : memref<64x128xf32, #tpu.memory_space<vmem>>) target(%dma_start3A_225 : memref<64x128xf32, #tpu.memory_space<hbm>>) target_semaphore(%arg5 : memref<!tpu.dma_semaphore, #tpu.memory_space<semaphore_mem>>)
    %add3A_226 = arith.constant 1920 : i32
    %add3A_227 = arith.addi %mul3A_46, %add3A_226 : i32
    %dma_start3A_228 = arith.constant 0 : i32
    %dma_start3A_229 = tpu.memref_slice %arg3[%add3A_227, %dma_start3A_228] : memref<262144x128xf32, #tpu.memory_space<hbm>> -> memref<64x128xf32, #tpu.memory_space<hbm>>
    %dma_start3A_230 = arith.constant 0 : i32
    %dma_start3A_231 = tpu.memref_slice %arg3[%add3A_227, %dma_start3A_230] : memref<262144x128xf32, #tpu.memory_space<hbm>> -> memref<64x128xf32, #tpu.memory_space<hbm>>
    tpu.enqueue_dma source(%arg4 : memref<64x128xf32, #tpu.memory_space<vmem>>) target(%dma_start3A_231 : memref<64x128xf32, #tpu.memory_space<hbm>>) target_semaphore(%arg5 : memref<!tpu.dma_semaphore, #tpu.memory_space<semaphore_mem>>)
    %add3A_232 = arith.constant 1984 : i32
    %add3A_233 = arith.addi %mul3A_46, %add3A_232 : i32
    %dma_start3A_234 = arith.constant 0 : i32
    %dma_start3A_235 = tpu.memref_slice %arg3[%add3A_233, %dma_start3A_234] : memref<262144x128xf32, #tpu.memory_space<hbm>> -> memref<64x128xf32, #tpu.memory_space<hbm>>
    %dma_start3A_236 = arith.constant 0 : i32
    %dma_start3A_237 = tpu.memref_slice %arg3[%add3A_233, %dma_start3A_236] : memref<262144x128xf32, #tpu.memory_space<hbm>> -> memref<64x128xf32, #tpu.memory_space<hbm>>
    tpu.enqueue_dma source(%arg4 : memref<64x128xf32, #tpu.memory_space<vmem>>) target(%dma_start3A_237 : memref<64x128xf32, #tpu.memory_space<hbm>>) target_semaphore(%arg5 : memref<!tpu.dma_semaphore, #tpu.memory_space<semaphore_mem>>)
    %add3A_238 = arith.constant 2048 : i32
    %add3A_239 = arith.addi %mul3A_46, %add3A_238 : i32
    %dma_start3A_240 = arith.constant 0 : i32
    %dma_start3A_241 = tpu.memref_slice %arg3[%add3A_239, %dma_start3A_240] : memref<262144x128xf32, #tpu.memory_space<hbm>> -> memref<64x128xf32, #tpu.memory_space<hbm>>
    %dma_start3A_242 = arith.constant 0 : i32
    %dma_start3A_243 = tpu.memref_slice %arg3[%add3A_239, %dma_start3A_242] : memref<262144x128xf32, #tpu.memory_space<hbm>> -> memref<64x128xf32, #tpu.memory_space<hbm>>
    tpu.enqueue_dma source(%arg4 : memref<64x128xf32, #tpu.memory_space<vmem>>) target(%dma_start3A_243 : memref<64x128xf32, #tpu.memory_space<hbm>>) target_semaphore(%arg5 : memref<!tpu.dma_semaphore, #tpu.memory_space<semaphore_mem>>)
    %add3A_244 = arith.constant 2112 : i32
    %add3A_245 = arith.addi %mul3A_46, %add3A_244 : i32
    %dma_start3A_246 = arith.constant 0 : i32
    %dma_start3A_247 = tpu.memref_slice %arg3[%add3A_245, %dma_start3A_246] : memref<262144x128xf32, #tpu.memory_space<hbm>> -> memref<64x128xf32, #tpu.memory_space<hbm>>
    %dma_start3A_248 = arith.constant 0 : i32
    %dma_start3A_249 = tpu.memref_slice %arg3[%add3A_245, %dma_start3A_248] : memref<262144x128xf32, #tpu.memory_space<hbm>> -> memref<64x128xf32, #tpu.memory_space<hbm>>
    tpu.enqueue_dma source(%arg4 : memref<64x128xf32, #tpu.memory_space<vmem>>) target(%dma_start3A_249 : memref<64x128xf32, #tpu.memory_space<hbm>>) target_semaphore(%arg5 : memref<!tpu.dma_semaphore, #tpu.memory_space<semaphore_mem>>)
    %add3A_250 = arith.constant 2176 : i32
    %add3A_251 = arith.addi %mul3A_46, %add3A_250 : i32
    %dma_start3A_252 = arith.constant 0 : i32
    %dma_start3A_253 = tpu.memref_slice %arg3[%add3A_251, %dma_start3A_252] : memref<262144x128xf32, #tpu.memory_space<hbm>> -> memref<64x128xf32, #tpu.memory_space<hbm>>
    %dma_start3A_254 = arith.constant 0 : i32
    %dma_start3A_255 = tpu.memref_slice %arg3[%add3A_251, %dma_start3A_254] : memref<262144x128xf32, #tpu.memory_space<hbm>> -> memref<64x128xf32, #tpu.memory_space<hbm>>
    tpu.enqueue_dma source(%arg4 : memref<64x128xf32, #tpu.memory_space<vmem>>) target(%dma_start3A_255 : memref<64x128xf32, #tpu.memory_space<hbm>>) target_semaphore(%arg5 : memref<!tpu.dma_semaphore, #tpu.memory_space<semaphore_mem>>)
    %add3A_256 = arith.constant 2240 : i32
    %add3A_257 = arith.addi %mul3A_46, %add3A_256 : i32
    %dma_start3A_258 = arith.constant 0 : i32
    %dma_start3A_259 = tpu.memref_slice %arg3[%add3A_257, %dma_start3A_258] : memref<262144x128xf32, #tpu.memory_space<hbm>> -> memref<64x128xf32, #tpu.memory_space<hbm>>
    %dma_start3A_260 = arith.constant 0 : i32
    %dma_start3A_261 = tpu.memref_slice %arg3[%add3A_257, %dma_start3A_260] : memref<262144x128xf32, #tpu.memory_space<hbm>> -> memref<64x128xf32, #tpu.memory_space<hbm>>
    tpu.enqueue_dma source(%arg4 : memref<64x128xf32, #tpu.memory_space<vmem>>) target(%dma_start3A_261 : memref<64x128xf32, #tpu.memory_space<hbm>>) target_semaphore(%arg5 : memref<!tpu.dma_semaphore, #tpu.memory_space<semaphore_mem>>)
    %add3A_262 = arith.constant 2304 : i32
    %add3A_263 = arith.addi %mul3A_46, %add3A_262 : i32
    %dma_start3A_264 = arith.constant 0 : i32
    %dma_start3A_265 = tpu.memref_slice %arg3[%add3A_263, %dma_start3A_264] : memref<262144x128xf32, #tpu.memory_space<hbm>> -> memref<64x128xf32, #tpu.memory_space<hbm>>
    %dma_start3A_266 = arith.constant 0 : i32
    %dma_start3A_267 = tpu.memref_slice %arg3[%add3A_263, %dma_start3A_266] : memref<262144x128xf32, #tpu.memory_space<hbm>> -> memref<64x128xf32, #tpu.memory_space<hbm>>
    tpu.enqueue_dma source(%arg4 : memref<64x128xf32, #tpu.memory_space<vmem>>) target(%dma_start3A_267 : memref<64x128xf32, #tpu.memory_space<hbm>>) target_semaphore(%arg5 : memref<!tpu.dma_semaphore, #tpu.memory_space<semaphore_mem>>)
    %add3A_268 = arith.constant 2368 : i32
    %add3A_269 = arith.addi %mul3A_46, %add3A_268 : i32
    %dma_start3A_270 = arith.constant 0 : i32
    %dma_start3A_271 = tpu.memref_slice %arg3[%add3A_269, %dma_start3A_270] : memref<262144x128xf32, #tpu.memory_space<hbm>> -> memref<64x128xf32, #tpu.memory_space<hbm>>
    %dma_start3A_272 = arith.constant 0 : i32
    %dma_start3A_273 = tpu.memref_slice %arg3[%add3A_269, %dma_start3A_272] : memref<262144x128xf32, #tpu.memory_space<hbm>> -> memref<64x128xf32, #tpu.memory_space<hbm>>
    tpu.enqueue_dma source(%arg4 : memref<64x128xf32, #tpu.memory_space<vmem>>) target(%dma_start3A_273 : memref<64x128xf32, #tpu.memory_space<hbm>>) target_semaphore(%arg5 : memref<!tpu.dma_semaphore, #tpu.memory_space<semaphore_mem>>)
    %add3A_274 = arith.constant 2432 : i32
    %add3A_275 = arith.addi %mul3A_46, %add3A_274 : i32
    %dma_start3A_276 = arith.constant 0 : i32
    %dma_start3A_277 = tpu.memref_slice %arg3[%add3A_275, %dma_start3A_276] : memref<262144x128xf32, #tpu.memory_space<hbm>> -> memref<64x128xf32, #tpu.memory_space<hbm>>
    %dma_start3A_278 = arith.constant 0 : i32
    %dma_start3A_279 = tpu.memref_slice %arg3[%add3A_275, %dma_start3A_278] : memref<262144x128xf32, #tpu.memory_space<hbm>> -> memref<64x128xf32, #tpu.memory_space<hbm>>
    tpu.enqueue_dma source(%arg4 : memref<64x128xf32, #tpu.memory_space<vmem>>) target(%dma_start3A_279 : memref<64x128xf32, #tpu.memory_space<hbm>>) target_semaphore(%arg5 : memref<!tpu.dma_semaphore, #tpu.memory_space<semaphore_mem>>)
    %add3A_280 = arith.constant 2496 : i32
    %add3A_281 = arith.addi %mul3A_46, %add3A_280 : i32
    %dma_start3A_282 = arith.constant 0 : i32
    %dma_start3A_283 = tpu.memref_slice %arg3[%add3A_281, %dma_start3A_282] : memref<262144x128xf32, #tpu.memory_space<hbm>> -> memref<64x128xf32, #tpu.memory_space<hbm>>
    %dma_start3A_284 = arith.constant 0 : i32
    %dma_start3A_285 = tpu.memref_slice %arg3[%add3A_281, %dma_start3A_284] : memref<262144x128xf32, #tpu.memory_space<hbm>> -> memref<64x128xf32, #tpu.memory_space<hbm>>
    tpu.enqueue_dma source(%arg4 : memref<64x128xf32, #tpu.memory_space<vmem>>) target(%dma_start3A_285 : memref<64x128xf32, #tpu.memory_space<hbm>>) target_semaphore(%arg5 : memref<!tpu.dma_semaphore, #tpu.memory_space<semaphore_mem>>)
    %add3A_286 = arith.constant 2560 : i32
    %add3A_287 = arith.addi %mul3A_46, %add3A_286 : i32
    %dma_start3A_288 = arith.constant 0 : i32
    %dma_start3A_289 = tpu.memref_slice %arg3[%add3A_287, %dma_start3A_288] : memref<262144x128xf32, #tpu.memory_space<hbm>> -> memref<64x128xf32, #tpu.memory_space<hbm>>
    %dma_start3A_290 = arith.constant 0 : i32
    %dma_start3A_291 = tpu.memref_slice %arg3[%add3A_287, %dma_start3A_290] : memref<262144x128xf32, #tpu.memory_space<hbm>> -> memref<64x128xf32, #tpu.memory_space<hbm>>
    tpu.enqueue_dma source(%arg4 : memref<64x128xf32, #tpu.memory_space<vmem>>) target(%dma_start3A_291 : memref<64x128xf32, #tpu.memory_space<hbm>>) target_semaphore(%arg5 : memref<!tpu.dma_semaphore, #tpu.memory_space<semaphore_mem>>)
    %add3A_292 = arith.constant 2624 : i32
    %add3A_293 = arith.addi %mul3A_46, %add3A_292 : i32
    %dma_start3A_294 = arith.constant 0 : i32
    %dma_start3A_295 = tpu.memref_slice %arg3[%add3A_293, %dma_start3A_294] : memref<262144x128xf32, #tpu.memory_space<hbm>> -> memref<64x128xf32, #tpu.memory_space<hbm>>
    %dma_start3A_296 = arith.constant 0 : i32
    %dma_start3A_297 = tpu.memref_slice %arg3[%add3A_293, %dma_start3A_296] : memref<262144x128xf32, #tpu.memory_space<hbm>> -> memref<64x128xf32, #tpu.memory_space<hbm>>
    tpu.enqueue_dma source(%arg4 : memref<64x128xf32, #tpu.memory_space<vmem>>) target(%dma_start3A_297 : memref<64x128xf32, #tpu.memory_space<hbm>>) target_semaphore(%arg5 : memref<!tpu.dma_semaphore, #tpu.memory_space<semaphore_mem>>)
    %add3A_298 = arith.constant 2688 : i32
    %add3A_299 = arith.addi %mul3A_46, %add3A_298 : i32
    %dma_start3A_300 = arith.constant 0 : i32
    %dma_start3A_301 = tpu.memref_slice %arg3[%add3A_299, %dma_start3A_300] : memref<262144x128xf32, #tpu.memory_space<hbm>> -> memref<64x128xf32, #tpu.memory_space<hbm>>
    %dma_start3A_302 = arith.constant 0 : i32
    %dma_start3A_303 = tpu.memref_slice %arg3[%add3A_299, %dma_start3A_302] : memref<262144x128xf32, #tpu.memory_space<hbm>> -> memref<64x128xf32, #tpu.memory_space<hbm>>
    tpu.enqueue_dma source(%arg4 : memref<64x128xf32, #tpu.memory_space<vmem>>) target(%dma_start3A_303 : memref<64x128xf32, #tpu.memory_space<hbm>>) target_semaphore(%arg5 : memref<!tpu.dma_semaphore, #tpu.memory_space<semaphore_mem>>)
    %add3A_304 = arith.constant 2752 : i32
    %add3A_305 = arith.addi %mul3A_46, %add3A_304 : i32
    %dma_start3A_306 = arith.constant 0 : i32
    %dma_start3A_307 = tpu.memref_slice %arg3[%add3A_305, %dma_start3A_306] : memref<262144x128xf32, #tpu.memory_space<hbm>> -> memref<64x128xf32, #tpu.memory_space<hbm>>
    %dma_start3A_308 = arith.constant 0 : i32
    %dma_start3A_309 = tpu.memref_slice %arg3[%add3A_305, %dma_start3A_308] : memref<262144x128xf32, #tpu.memory_space<hbm>> -> memref<64x128xf32, #tpu.memory_space<hbm>>
    tpu.enqueue_dma source(%arg4 : memref<64x128xf32, #tpu.memory_space<vmem>>) target(%dma_start3A_309 : memref<64x128xf32, #tpu.memory_space<hbm>>) target_semaphore(%arg5 : memref<!tpu.dma_semaphore, #tpu.memory_space<semaphore_mem>>)
    %add3A_310 = arith.constant 2816 : i32
    %add3A_311 = arith.addi %mul3A_46, %add3A_310 : i32
    %dma_start3A_312 = arith.constant 0 : i32
    %dma_start3A_313 = tpu.memref_slice %arg3[%add3A_311, %dma_start3A_312] : memref<262144x128xf32, #tpu.memory_space<hbm>> -> memref<64x128xf32, #tpu.memory_space<hbm>>
    %dma_start3A_314 = arith.constant 0 : i32
    %dma_start3A_315 = tpu.memref_slice %arg3[%add3A_311, %dma_start3A_314] : memref<262144x128xf32, #tpu.memory_space<hbm>> -> memref<64x128xf32, #tpu.memory_space<hbm>>
    tpu.enqueue_dma source(%arg4 : memref<64x128xf32, #tpu.memory_space<vmem>>) target(%dma_start3A_315 : memref<64x128xf32, #tpu.memory_space<hbm>>) target_semaphore(%arg5 : memref<!tpu.dma_semaphore, #tpu.memory_space<semaphore_mem>>)
    %add3A_316 = arith.constant 2880 : i32
    %add3A_317 = arith.addi %mul3A_46, %add3A_316 : i32
    %dma_start3A_318 = arith.constant 0 : i32
    %dma_start3A_319 = tpu.memref_slice %arg3[%add3A_317, %dma_start3A_318] : memref<262144x128xf32, #tpu.memory_space<hbm>> -> memref<64x128xf32, #tpu.memory_space<hbm>>
    %dma_start3A_320 = arith.constant 0 : i32
    %dma_start3A_321 = tpu.memref_slice %arg3[%add3A_317, %dma_start3A_320] : memref<262144x128xf32, #tpu.memory_space<hbm>> -> memref<64x128xf32, #tpu.memory_space<hbm>>
    tpu.enqueue_dma source(%arg4 : memref<64x128xf32, #tpu.memory_space<vmem>>) target(%dma_start3A_321 : memref<64x128xf32, #tpu.memory_space<hbm>>) target_semaphore(%arg5 : memref<!tpu.dma_semaphore, #tpu.memory_space<semaphore_mem>>)
    %add3A_322 = arith.constant 2944 : i32
    %add3A_323 = arith.addi %mul3A_46, %add3A_322 : i32
    %dma_start3A_324 = arith.constant 0 : i32
    %dma_start3A_325 = tpu.memref_slice %arg3[%add3A_323, %dma_start3A_324] : memref<262144x128xf32, #tpu.memory_space<hbm>> -> memref<64x128xf32, #tpu.memory_space<hbm>>
    %dma_start3A_326 = arith.constant 0 : i32
    %dma_start3A_327 = tpu.memref_slice %arg3[%add3A_323, %dma_start3A_326] : memref<262144x128xf32, #tpu.memory_space<hbm>> -> memref<64x128xf32, #tpu.memory_space<hbm>>
    tpu.enqueue_dma source(%arg4 : memref<64x128xf32, #tpu.memory_space<vmem>>) target(%dma_start3A_327 : memref<64x128xf32, #tpu.memory_space<hbm>>) target_semaphore(%arg5 : memref<!tpu.dma_semaphore, #tpu.memory_space<semaphore_mem>>)
    %add3A_328 = arith.constant 3008 : i32
    %add3A_329 = arith.addi %mul3A_46, %add3A_328 : i32
    %dma_start3A_330 = arith.constant 0 : i32
    %dma_start3A_331 = tpu.memref_slice %arg3[%add3A_329, %dma_start3A_330] : memref<262144x128xf32, #tpu.memory_space<hbm>> -> memref<64x128xf32, #tpu.memory_space<hbm>>
    %dma_start3A_332 = arith.constant 0 : i32
    %dma_start3A_333 = tpu.memref_slice %arg3[%add3A_329, %dma_start3A_332] : memref<262144x128xf32, #tpu.memory_space<hbm>> -> memref<64x128xf32, #tpu.memory_space<hbm>>
    tpu.enqueue_dma source(%arg4 : memref<64x128xf32, #tpu.memory_space<vmem>>) target(%dma_start3A_333 : memref<64x128xf32, #tpu.memory_space<hbm>>) target_semaphore(%arg5 : memref<!tpu.dma_semaphore, #tpu.memory_space<semaphore_mem>>)
    %add3A_334 = arith.constant 3072 : i32
    %add3A_335 = arith.addi %mul3A_46, %add3A_334 : i32
    %dma_start3A_336 = arith.constant 0 : i32
    %dma_start3A_337 = tpu.memref_slice %arg3[%add3A_335, %dma_start3A_336] : memref<262144x128xf32, #tpu.memory_space<hbm>> -> memref<64x128xf32, #tpu.memory_space<hbm>>
    %dma_start3A_338 = arith.constant 0 : i32
    %dma_start3A_339 = tpu.memref_slice %arg3[%add3A_335, %dma_start3A_338] : memref<262144x128xf32, #tpu.memory_space<hbm>> -> memref<64x128xf32, #tpu.memory_space<hbm>>
    tpu.enqueue_dma source(%arg4 : memref<64x128xf32, #tpu.memory_space<vmem>>) target(%dma_start3A_339 : memref<64x128xf32, #tpu.memory_space<hbm>>) target_semaphore(%arg5 : memref<!tpu.dma_semaphore, #tpu.memory_space<semaphore_mem>>)
    %add3A_340 = arith.constant 3136 : i32
    %add3A_341 = arith.addi %mul3A_46, %add3A_340 : i32
    %dma_start3A_342 = arith.constant 0 : i32
    %dma_start3A_343 = tpu.memref_slice %arg3[%add3A_341, %dma_start3A_342] : memref<262144x128xf32, #tpu.memory_space<hbm>> -> memref<64x128xf32, #tpu.memory_space<hbm>>
    %dma_start3A_344 = arith.constant 0 : i32
    %dma_start3A_345 = tpu.memref_slice %arg3[%add3A_341, %dma_start3A_344] : memref<262144x128xf32, #tpu.memory_space<hbm>> -> memref<64x128xf32, #tpu.memory_space<hbm>>
    tpu.enqueue_dma source(%arg4 : memref<64x128xf32, #tpu.memory_space<vmem>>) target(%dma_start3A_345 : memref<64x128xf32, #tpu.memory_space<hbm>>) target_semaphore(%arg5 : memref<!tpu.dma_semaphore, #tpu.memory_space<semaphore_mem>>)
    %add3A_346 = arith.constant 3200 : i32
    %add3A_347 = arith.addi %mul3A_46, %add3A_346 : i32
    %dma_start3A_348 = arith.constant 0 : i32
    %dma_start3A_349 = tpu.memref_slice %arg3[%add3A_347, %dma_start3A_348] : memref<262144x128xf32, #tpu.memory_space<hbm>> -> memref<64x128xf32, #tpu.memory_space<hbm>>
    %dma_start3A_350 = arith.constant 0 : i32
    %dma_start3A_351 = tpu.memref_slice %arg3[%add3A_347, %dma_start3A_350] : memref<262144x128xf32, #tpu.memory_space<hbm>> -> memref<64x128xf32, #tpu.memory_space<hbm>>
    tpu.enqueue_dma source(%arg4 : memref<64x128xf32, #tpu.memory_space<vmem>>) target(%dma_start3A_351 : memref<64x128xf32, #tpu.memory_space<hbm>>) target_semaphore(%arg5 : memref<!tpu.dma_semaphore, #tpu.memory_space<semaphore_mem>>)
    %add3A_352 = arith.constant 3264 : i32
    %add3A_353 = arith.addi %mul3A_46, %add3A_352 : i32
    %dma_start3A_354 = arith.constant 0 : i32
    %dma_start3A_355 = tpu.memref_slice %arg3[%add3A_353, %dma_start3A_354] : memref<262144x128xf32, #tpu.memory_space<hbm>> -> memref<64x128xf32, #tpu.memory_space<hbm>>
    %dma_start3A_356 = arith.constant 0 : i32
    %dma_start3A_357 = tpu.memref_slice %arg3[%add3A_353, %dma_start3A_356] : memref<262144x128xf32, #tpu.memory_space<hbm>> -> memref<64x128xf32, #tpu.memory_space<hbm>>
    tpu.enqueue_dma source(%arg4 : memref<64x128xf32, #tpu.memory_space<vmem>>) target(%dma_start3A_357 : memref<64x128xf32, #tpu.memory_space<hbm>>) target_semaphore(%arg5 : memref<!tpu.dma_semaphore, #tpu.memory_space<semaphore_mem>>)
    %add3A_358 = arith.constant 3328 : i32
    %add3A_359 = arith.addi %mul3A_46, %add3A_358 : i32
    %dma_start3A_360 = arith.constant 0 : i32
    %dma_start3A_361 = tpu.memref_slice %arg3[%add3A_359, %dma_start3A_360] : memref<262144x128xf32, #tpu.memory_space<hbm>> -> memref<64x128xf32, #tpu.memory_space<hbm>>
    %dma_start3A_362 = arith.constant 0 : i32
    %dma_start3A_363 = tpu.memref_slice %arg3[%add3A_359, %dma_start3A_362] : memref<262144x128xf32, #tpu.memory_space<hbm>> -> memref<64x128xf32, #tpu.memory_space<hbm>>
    tpu.enqueue_dma source(%arg4 : memref<64x128xf32, #tpu.memory_space<vmem>>) target(%dma_start3A_363 : memref<64x128xf32, #tpu.memory_space<hbm>>) target_semaphore(%arg5 : memref<!tpu.dma_semaphore, #tpu.memory_space<semaphore_mem>>)
    %add3A_364 = arith.constant 3392 : i32
    %add3A_365 = arith.addi %mul3A_46, %add3A_364 : i32
    %dma_start3A_366 = arith.constant 0 : i32
    %dma_start3A_367 = tpu.memref_slice %arg3[%add3A_365, %dma_start3A_366] : memref<262144x128xf32, #tpu.memory_space<hbm>> -> memref<64x128xf32, #tpu.memory_space<hbm>>
    %dma_start3A_368 = arith.constant 0 : i32
    %dma_start3A_369 = tpu.memref_slice %arg3[%add3A_365, %dma_start3A_368] : memref<262144x128xf32, #tpu.memory_space<hbm>> -> memref<64x128xf32, #tpu.memory_space<hbm>>
    tpu.enqueue_dma source(%arg4 : memref<64x128xf32, #tpu.memory_space<vmem>>) target(%dma_start3A_369 : memref<64x128xf32, #tpu.memory_space<hbm>>) target_semaphore(%arg5 : memref<!tpu.dma_semaphore, #tpu.memory_space<semaphore_mem>>)
    %add3A_370 = arith.constant 3456 : i32
    %add3A_371 = arith.addi %mul3A_46, %add3A_370 : i32
    %dma_start3A_372 = arith.constant 0 : i32
    %dma_start3A_373 = tpu.memref_slice %arg3[%add3A_371, %dma_start3A_372] : memref<262144x128xf32, #tpu.memory_space<hbm>> -> memref<64x128xf32, #tpu.memory_space<hbm>>
    %dma_start3A_374 = arith.constant 0 : i32
    %dma_start3A_375 = tpu.memref_slice %arg3[%add3A_371, %dma_start3A_374] : memref<262144x128xf32, #tpu.memory_space<hbm>> -> memref<64x128xf32, #tpu.memory_space<hbm>>
    tpu.enqueue_dma source(%arg4 : memref<64x128xf32, #tpu.memory_space<vmem>>) target(%dma_start3A_375 : memref<64x128xf32, #tpu.memory_space<hbm>>) target_semaphore(%arg5 : memref<!tpu.dma_semaphore, #tpu.memory_space<semaphore_mem>>)
    %add3A_376 = arith.constant 3520 : i32
    %add3A_377 = arith.addi %mul3A_46, %add3A_376 : i32
    %dma_start3A_378 = arith.constant 0 : i32
    %dma_start3A_379 = tpu.memref_slice %arg3[%add3A_377, %dma_start3A_378] : memref<262144x128xf32, #tpu.memory_space<hbm>> -> memref<64x128xf32, #tpu.memory_space<hbm>>
    %dma_start3A_380 = arith.constant 0 : i32
    %dma_start3A_381 = tpu.memref_slice %arg3[%add3A_377, %dma_start3A_380] : memref<262144x128xf32, #tpu.memory_space<hbm>> -> memref<64x128xf32, #tpu.memory_space<hbm>>
    tpu.enqueue_dma source(%arg4 : memref<64x128xf32, #tpu.memory_space<vmem>>) target(%dma_start3A_381 : memref<64x128xf32, #tpu.memory_space<hbm>>) target_semaphore(%arg5 : memref<!tpu.dma_semaphore, #tpu.memory_space<semaphore_mem>>)
    %add3A_382 = arith.constant 3584 : i32
    %add3A_383 = arith.addi %mul3A_46, %add3A_382 : i32
    %dma_start3A_384 = arith.constant 0 : i32
    %dma_start3A_385 = tpu.memref_slice %arg3[%add3A_383, %dma_start3A_384] : memref<262144x128xf32, #tpu.memory_space<hbm>> -> memref<64x128xf32, #tpu.memory_space<hbm>>
    %dma_start3A_386 = arith.constant 0 : i32
    %dma_start3A_387 = tpu.memref_slice %arg3[%add3A_383, %dma_start3A_386] : memref<262144x128xf32, #tpu.memory_space<hbm>> -> memref<64x128xf32, #tpu.memory_space<hbm>>
    tpu.enqueue_dma source(%arg4 : memref<64x128xf32, #tpu.memory_space<vmem>>) target(%dma_start3A_387 : memref<64x128xf32, #tpu.memory_space<hbm>>) target_semaphore(%arg5 : memref<!tpu.dma_semaphore, #tpu.memory_space<semaphore_mem>>)
    %add3A_388 = arith.constant 3648 : i32
    %add3A_389 = arith.addi %mul3A_46, %add3A_388 : i32
    %dma_start3A_390 = arith.constant 0 : i32
    %dma_start3A_391 = tpu.memref_slice %arg3[%add3A_389, %dma_start3A_390] : memref<262144x128xf32, #tpu.memory_space<hbm>> -> memref<64x128xf32, #tpu.memory_space<hbm>>
    %dma_start3A_392 = arith.constant 0 : i32
    %dma_start3A_393 = tpu.memref_slice %arg3[%add3A_389, %dma_start3A_392] : memref<262144x128xf32, #tpu.memory_space<hbm>> -> memref<64x128xf32, #tpu.memory_space<hbm>>
    tpu.enqueue_dma source(%arg4 : memref<64x128xf32, #tpu.memory_space<vmem>>) target(%dma_start3A_393 : memref<64x128xf32, #tpu.memory_space<hbm>>) target_semaphore(%arg5 : memref<!tpu.dma_semaphore, #tpu.memory_space<semaphore_mem>>)
    %add3A_394 = arith.constant 3712 : i32
    %add3A_395 = arith.addi %mul3A_46, %add3A_394 : i32
    %dma_start3A_396 = arith.constant 0 : i32
    %dma_start3A_397 = tpu.memref_slice %arg3[%add3A_395, %dma_start3A_396] : memref<262144x128xf32, #tpu.memory_space<hbm>> -> memref<64x128xf32, #tpu.memory_space<hbm>>
    %dma_start3A_398 = arith.constant 0 : i32
    %dma_start3A_399 = tpu.memref_slice %arg3[%add3A_395, %dma_start3A_398] : memref<262144x128xf32, #tpu.memory_space<hbm>> -> memref<64x128xf32, #tpu.memory_space<hbm>>
    tpu.enqueue_dma source(%arg4 : memref<64x128xf32, #tpu.memory_space<vmem>>) target(%dma_start3A_399 : memref<64x128xf32, #tpu.memory_space<hbm>>) target_semaphore(%arg5 : memref<!tpu.dma_semaphore, #tpu.memory_space<semaphore_mem>>)
    %add3A_400 = arith.constant 3776 : i32
    %add3A_401 = arith.addi %mul3A_46, %add3A_400 : i32
    %dma_start3A_402 = arith.constant 0 : i32
    %dma_start3A_403 = tpu.memref_slice %arg3[%add3A_401, %dma_start3A_402] : memref<262144x128xf32, #tpu.memory_space<hbm>> -> memref<64x128xf32, #tpu.memory_space<hbm>>
    %dma_start3A_404 = arith.constant 0 : i32
    %dma_start3A_405 = tpu.memref_slice %arg3[%add3A_401, %dma_start3A_404] : memref<262144x128xf32, #tpu.memory_space<hbm>> -> memref<64x128xf32, #tpu.memory_space<hbm>>
    tpu.enqueue_dma source(%arg4 : memref<64x128xf32, #tpu.memory_space<vmem>>) target(%dma_start3A_405 : memref<64x128xf32, #tpu.memory_space<hbm>>) target_semaphore(%arg5 : memref<!tpu.dma_semaphore, #tpu.memory_space<semaphore_mem>>)
    %add3A_406 = arith.constant 3840 : i32
    %add3A_407 = arith.addi %mul3A_46, %add3A_406 : i32
    %dma_start3A_408 = arith.constant 0 : i32
    %dma_start3A_409 = tpu.memref_slice %arg3[%add3A_407, %dma_start3A_408] : memref<262144x128xf32, #tpu.memory_space<hbm>> -> memref<64x128xf32, #tpu.memory_space<hbm>>
    %dma_start3A_410 = arith.constant 0 : i32
    %dma_start3A_411 = tpu.memref_slice %arg3[%add3A_407, %dma_start3A_410] : memref<262144x128xf32, #tpu.memory_space<hbm>> -> memref<64x128xf32, #tpu.memory_space<hbm>>
    tpu.enqueue_dma source(%arg4 : memref<64x128xf32, #tpu.memory_space<vmem>>) target(%dma_start3A_411 : memref<64x128xf32, #tpu.memory_space<hbm>>) target_semaphore(%arg5 : memref<!tpu.dma_semaphore, #tpu.memory_space<semaphore_mem>>)
    %add3A_412 = arith.constant 3904 : i32
    %add3A_413 = arith.addi %mul3A_46, %add3A_412 : i32
    %dma_start3A_414 = arith.constant 0 : i32
    %dma_start3A_415 = tpu.memref_slice %arg3[%add3A_413, %dma_start3A_414] : memref<262144x128xf32, #tpu.memory_space<hbm>> -> memref<64x128xf32, #tpu.memory_space<hbm>>
    %dma_start3A_416 = arith.constant 0 : i32
    %dma_start3A_417 = tpu.memref_slice %arg3[%add3A_413, %dma_start3A_416] : memref<262144x128xf32, #tpu.memory_space<hbm>> -> memref<64x128xf32, #tpu.memory_space<hbm>>
    tpu.enqueue_dma source(%arg4 : memref<64x128xf32, #tpu.memory_space<vmem>>) target(%dma_start3A_417 : memref<64x128xf32, #tpu.memory_space<hbm>>) target_semaphore(%arg5 : memref<!tpu.dma_semaphore, #tpu.memory_space<semaphore_mem>>)
    %add3A_418 = arith.constant 3968 : i32
    %add3A_419 = arith.addi %mul3A_46, %add3A_418 : i32
    %dma_start3A_420 = arith.constant 0 : i32
    %dma_start3A_421 = tpu.memref_slice %arg3[%add3A_419, %dma_start3A_420] : memref<262144x128xf32, #tpu.memory_space<hbm>> -> memref<64x128xf32, #tpu.memory_space<hbm>>
    %dma_start3A_422 = arith.constant 0 : i32
    %dma_start3A_423 = tpu.memref_slice %arg3[%add3A_419, %dma_start3A_422] : memref<262144x128xf32, #tpu.memory_space<hbm>> -> memref<64x128xf32, #tpu.memory_space<hbm>>
    tpu.enqueue_dma source(%arg4 : memref<64x128xf32, #tpu.memory_space<vmem>>) target(%dma_start3A_423 : memref<64x128xf32, #tpu.memory_space<hbm>>) target_semaphore(%arg5 : memref<!tpu.dma_semaphore, #tpu.memory_space<semaphore_mem>>)
    %add3A_424 = arith.constant 4032 : i32
    %add3A_425 = arith.addi %mul3A_46, %add3A_424 : i32
    %dma_start3A_426 = arith.constant 0 : i32
    %dma_start3A_427 = tpu.memref_slice %arg3[%add3A_425, %dma_start3A_426] : memref<262144x128xf32, #tpu.memory_space<hbm>> -> memref<64x128xf32, #tpu.memory_space<hbm>>
    %dma_start3A_428 = arith.constant 0 : i32
    %dma_start3A_429 = tpu.memref_slice %arg3[%add3A_425, %dma_start3A_428] : memref<262144x128xf32, #tpu.memory_space<hbm>> -> memref<64x128xf32, #tpu.memory_space<hbm>>
    tpu.enqueue_dma source(%arg4 : memref<64x128xf32, #tpu.memory_space<vmem>>) target(%dma_start3A_429 : memref<64x128xf32, #tpu.memory_space<hbm>>) target_semaphore(%arg5 : memref<!tpu.dma_semaphore, #tpu.memory_space<semaphore_mem>>)
    %add3A_430 = arith.constant 4096 : i32
    %add3A_431 = arith.addi %mul3A_46, %add3A_430 : i32
    %dma_start3A_432 = arith.constant 0 : i32
    %dma_start3A_433 = tpu.memref_slice %arg3[%add3A_431, %dma_start3A_432] : memref<262144x128xf32, #tpu.memory_space<hbm>> -> memref<64x128xf32, #tpu.memory_space<hbm>>
    %dma_start3A_434 = arith.constant 0 : i32
    %dma_start3A_435 = tpu.memref_slice %arg3[%add3A_431, %dma_start3A_434] : memref<262144x128xf32, #tpu.memory_space<hbm>> -> memref<64x128xf32, #tpu.memory_space<hbm>>
    tpu.enqueue_dma source(%arg4 : memref<64x128xf32, #tpu.memory_space<vmem>>) target(%dma_start3A_435 : memref<64x128xf32, #tpu.memory_space<hbm>>) target_semaphore(%arg5 : memref<!tpu.dma_semaphore, #tpu.memory_space<semaphore_mem>>)
    %add3A_436 = arith.constant 4160 : i32
    %add3A_437 = arith.addi %mul3A_46, %add3A_436 : i32
    %dma_start3A_438 = arith.constant 0 : i32
    %dma_start3A_439 = tpu.memref_slice %arg3[%add3A_437, %dma_start3A_438] : memref<262144x128xf32, #tpu.memory_space<hbm>> -> memref<64x128xf32, #tpu.memory_space<hbm>>
    %dma_start3A_440 = arith.constant 0 : i32
    %dma_start3A_441 = tpu.memref_slice %arg3[%add3A_437, %dma_start3A_440] : memref<262144x128xf32, #tpu.memory_space<hbm>> -> memref<64x128xf32, #tpu.memory_space<hbm>>
    tpu.enqueue_dma source(%arg4 : memref<64x128xf32, #tpu.memory_space<vmem>>) target(%dma_start3A_441 : memref<64x128xf32, #tpu.memory_space<hbm>>) target_semaphore(%arg5 : memref<!tpu.dma_semaphore, #tpu.memory_space<semaphore_mem>>)
    %add3A_442 = arith.constant 4224 : i32
    %add3A_443 = arith.addi %mul3A_46, %add3A_442 : i32
    %dma_start3A_444 = arith.constant 0 : i32
    %dma_start3A_445 = tpu.memref_slice %arg3[%add3A_443, %dma_start3A_444] : memref<262144x128xf32, #tpu.memory_space<hbm>> -> memref<64x128xf32, #tpu.memory_space<hbm>>
    %dma_start3A_446 = arith.constant 0 : i32
    %dma_start3A_447 = tpu.memref_slice %arg3[%add3A_443, %dma_start3A_446] : memref<262144x128xf32, #tpu.memory_space<hbm>> -> memref<64x128xf32, #tpu.memory_space<hbm>>
    tpu.enqueue_dma source(%arg4 : memref<64x128xf32, #tpu.memory_space<vmem>>) target(%dma_start3A_447 : memref<64x128xf32, #tpu.memory_space<hbm>>) target_semaphore(%arg5 : memref<!tpu.dma_semaphore, #tpu.memory_space<semaphore_mem>>)
    %add3A_448 = arith.constant 4288 : i32
    %add3A_449 = arith.addi %mul3A_46, %add3A_448 : i32
    %dma_start3A_450 = arith.constant 0 : i32
    %dma_start3A_451 = tpu.memref_slice %arg3[%add3A_449, %dma_start3A_450] : memref<262144x128xf32, #tpu.memory_space<hbm>> -> memref<64x128xf32, #tpu.memory_space<hbm>>
    %dma_start3A_452 = arith.constant 0 : i32
    %dma_start3A_453 = tpu.memref_slice %arg3[%add3A_449, %dma_start3A_452] : memref<262144x128xf32, #tpu.memory_space<hbm>> -> memref<64x128xf32, #tpu.memory_space<hbm>>
    tpu.enqueue_dma source(%arg4 : memref<64x128xf32, #tpu.memory_space<vmem>>) target(%dma_start3A_453 : memref<64x128xf32, #tpu.memory_space<hbm>>) target_semaphore(%arg5 : memref<!tpu.dma_semaphore, #tpu.memory_space<semaphore_mem>>)
    %add3A_454 = arith.constant 4352 : i32
    %add3A_455 = arith.addi %mul3A_46, %add3A_454 : i32
    %dma_start3A_456 = arith.constant 0 : i32
    %dma_start3A_457 = tpu.memref_slice %arg3[%add3A_455, %dma_start3A_456] : memref<262144x128xf32, #tpu.memory_space<hbm>> -> memref<64x128xf32, #tpu.memory_space<hbm>>
    %dma_start3A_458 = arith.constant 0 : i32
    %dma_start3A_459 = tpu.memref_slice %arg3[%add3A_455, %dma_start3A_458] : memref<262144x128xf32, #tpu.memory_space<hbm>> -> memref<64x128xf32, #tpu.memory_space<hbm>>
    tpu.enqueue_dma source(%arg4 : memref<64x128xf32, #tpu.memory_space<vmem>>) target(%dma_start3A_459 : memref<64x128xf32, #tpu.memory_space<hbm>>) target_semaphore(%arg5 : memref<!tpu.dma_semaphore, #tpu.memory_space<semaphore_mem>>)
    %add3A_460 = arith.constant 4416 : i32
    %add3A_461 = arith.addi %mul3A_46, %add3A_460 : i32
    %dma_start3A_462 = arith.constant 0 : i32
    %dma_start3A_463 = tpu.memref_slice %arg3[%add3A_461, %dma_start3A_462] : memref<262144x128xf32, #tpu.memory_space<hbm>> -> memref<64x128xf32, #tpu.memory_space<hbm>>
    %dma_start3A_464 = arith.constant 0 : i32
    %dma_start3A_465 = tpu.memref_slice %arg3[%add3A_461, %dma_start3A_464] : memref<262144x128xf32, #tpu.memory_space<hbm>> -> memref<64x128xf32, #tpu.memory_space<hbm>>
    tpu.enqueue_dma source(%arg4 : memref<64x128xf32, #tpu.memory_space<vmem>>) target(%dma_start3A_465 : memref<64x128xf32, #tpu.memory_space<hbm>>) target_semaphore(%arg5 : memref<!tpu.dma_semaphore, #tpu.memory_space<semaphore_mem>>)
    %add3A_466 = arith.constant 4480 : i32
    %add3A_467 = arith.addi %mul3A_46, %add3A_466 : i32
    %dma_start3A_468 = arith.constant 0 : i32
    %dma_start3A_469 = tpu.memref_slice %arg3[%add3A_467, %dma_start3A_468] : memref<262144x128xf32, #tpu.memory_space<hbm>> -> memref<64x128xf32, #tpu.memory_space<hbm>>
    %dma_start3A_470 = arith.constant 0 : i32
    %dma_start3A_471 = tpu.memref_slice %arg3[%add3A_467, %dma_start3A_470] : memref<262144x128xf32, #tpu.memory_space<hbm>> -> memref<64x128xf32, #tpu.memory_space<hbm>>
    tpu.enqueue_dma source(%arg4 : memref<64x128xf32, #tpu.memory_space<vmem>>) target(%dma_start3A_471 : memref<64x128xf32, #tpu.memory_space<hbm>>) target_semaphore(%arg5 : memref<!tpu.dma_semaphore, #tpu.memory_space<semaphore_mem>>)
    %add3A_472 = arith.constant 4544 : i32
    %add3A_473 = arith.addi %mul3A_46, %add3A_472 : i32
    %dma_start3A_474 = arith.constant 0 : i32
    %dma_start3A_475 = tpu.memref_slice %arg3[%add3A_473, %dma_start3A_474] : memref<262144x128xf32, #tpu.memory_space<hbm>> -> memref<64x128xf32, #tpu.memory_space<hbm>>
    %dma_start3A_476 = arith.constant 0 : i32
    %dma_start3A_477 = tpu.memref_slice %arg3[%add3A_473, %dma_start3A_476] : memref<262144x128xf32, #tpu.memory_space<hbm>> -> memref<64x128xf32, #tpu.memory_space<hbm>>
    tpu.enqueue_dma source(%arg4 : memref<64x128xf32, #tpu.memory_space<vmem>>) target(%dma_start3A_477 : memref<64x128xf32, #tpu.memory_space<hbm>>) target_semaphore(%arg5 : memref<!tpu.dma_semaphore, #tpu.memory_space<semaphore_mem>>)
    %add3A_478 = arith.constant 4608 : i32
    %add3A_479 = arith.addi %mul3A_46, %add3A_478 : i32
    %dma_start3A_480 = arith.constant 0 : i32
    %dma_start3A_481 = tpu.memref_slice %arg3[%add3A_479, %dma_start3A_480] : memref<262144x128xf32, #tpu.memory_space<hbm>> -> memref<64x128xf32, #tpu.memory_space<hbm>>
    %dma_start3A_482 = arith.constant 0 : i32
    %dma_start3A_483 = tpu.memref_slice %arg3[%add3A_479, %dma_start3A_482] : memref<262144x128xf32, #tpu.memory_space<hbm>> -> memref<64x128xf32, #tpu.memory_space<hbm>>
    tpu.enqueue_dma source(%arg4 : memref<64x128xf32, #tpu.memory_space<vmem>>) target(%dma_start3A_483 : memref<64x128xf32, #tpu.memory_space<hbm>>) target_semaphore(%arg5 : memref<!tpu.dma_semaphore, #tpu.memory_space<semaphore_mem>>)
    %add3A_484 = arith.constant 4672 : i32
    %add3A_485 = arith.addi %mul3A_46, %add3A_484 : i32
    %dma_start3A_486 = arith.constant 0 : i32
    %dma_start3A_487 = tpu.memref_slice %arg3[%add3A_485, %dma_start3A_486] : memref<262144x128xf32, #tpu.memory_space<hbm>> -> memref<64x128xf32, #tpu.memory_space<hbm>>
    %dma_start3A_488 = arith.constant 0 : i32
    %dma_start3A_489 = tpu.memref_slice %arg3[%add3A_485, %dma_start3A_488] : memref<262144x128xf32, #tpu.memory_space<hbm>> -> memref<64x128xf32, #tpu.memory_space<hbm>>
    tpu.enqueue_dma source(%arg4 : memref<64x128xf32, #tpu.memory_space<vmem>>) target(%dma_start3A_489 : memref<64x128xf32, #tpu.memory_space<hbm>>) target_semaphore(%arg5 : memref<!tpu.dma_semaphore, #tpu.memory_space<semaphore_mem>>)
    %add3A_490 = arith.constant 4736 : i32
    %add3A_491 = arith.addi %mul3A_46, %add3A_490 : i32
    %dma_start3A_492 = arith.constant 0 : i32
    %dma_start3A_493 = tpu.memref_slice %arg3[%add3A_491, %dma_start3A_492] : memref<262144x128xf32, #tpu.memory_space<hbm>> -> memref<64x128xf32, #tpu.memory_space<hbm>>
    %dma_start3A_494 = arith.constant 0 : i32
    %dma_start3A_495 = tpu.memref_slice %arg3[%add3A_491, %dma_start3A_494] : memref<262144x128xf32, #tpu.memory_space<hbm>> -> memref<64x128xf32, #tpu.memory_space<hbm>>
    tpu.enqueue_dma source(%arg4 : memref<64x128xf32, #tpu.memory_space<vmem>>) target(%dma_start3A_495 : memref<64x128xf32, #tpu.memory_space<hbm>>) target_semaphore(%arg5 : memref<!tpu.dma_semaphore, #tpu.memory_space<semaphore_mem>>)
    %add3A_496 = arith.constant 4800 : i32
    %add3A_497 = arith.addi %mul3A_46, %add3A_496 : i32
    %dma_start3A_498 = arith.constant 0 : i32
    %dma_start3A_499 = tpu.memref_slice %arg3[%add3A_497, %dma_start3A_498] : memref<262144x128xf32, #tpu.memory_space<hbm>> -> memref<64x128xf32, #tpu.memory_space<hbm>>
    %dma_start3A_500 = arith.constant 0 : i32
    %dma_start3A_501 = tpu.memref_slice %arg3[%add3A_497, %dma_start3A_500] : memref<262144x128xf32, #tpu.memory_space<hbm>> -> memref<64x128xf32, #tpu.memory_space<hbm>>
    tpu.enqueue_dma source(%arg4 : memref<64x128xf32, #tpu.memory_space<vmem>>) target(%dma_start3A_501 : memref<64x128xf32, #tpu.memory_space<hbm>>) target_semaphore(%arg5 : memref<!tpu.dma_semaphore, #tpu.memory_space<semaphore_mem>>)
    %add3A_502 = arith.constant 4864 : i32
    %add3A_503 = arith.addi %mul3A_46, %add3A_502 : i32
    %dma_start3A_504 = arith.constant 0 : i32
    %dma_start3A_505 = tpu.memref_slice %arg3[%add3A_503, %dma_start3A_504] : memref<262144x128xf32, #tpu.memory_space<hbm>> -> memref<64x128xf32, #tpu.memory_space<hbm>>
    %dma_start3A_506 = arith.constant 0 : i32
    %dma_start3A_507 = tpu.memref_slice %arg3[%add3A_503, %dma_start3A_506] : memref<262144x128xf32, #tpu.memory_space<hbm>> -> memref<64x128xf32, #tpu.memory_space<hbm>>
    tpu.enqueue_dma source(%arg4 : memref<64x128xf32, #tpu.memory_space<vmem>>) target(%dma_start3A_507 : memref<64x128xf32, #tpu.memory_space<hbm>>) target_semaphore(%arg5 : memref<!tpu.dma_semaphore, #tpu.memory_space<semaphore_mem>>)
    %add3A_508 = arith.constant 4928 : i32
    %add3A_509 = arith.addi %mul3A_46, %add3A_508 : i32
    %dma_start3A_510 = arith.constant 0 : i32
    %dma_start3A_511 = tpu.memref_slice %arg3[%add3A_509, %dma_start3A_510] : memref<262144x128xf32, #tpu.memory_space<hbm>> -> memref<64x128xf32, #tpu.memory_space<hbm>>
    %dma_start3A_512 = arith.constant 0 : i32
    %dma_start3A_513 = tpu.memref_slice %arg3[%add3A_509, %dma_start3A_512] : memref<262144x128xf32, #tpu.memory_space<hbm>> -> memref<64x128xf32, #tpu.memory_space<hbm>>
    tpu.enqueue_dma source(%arg4 : memref<64x128xf32, #tpu.memory_space<vmem>>) target(%dma_start3A_513 : memref<64x128xf32, #tpu.memory_space<hbm>>) target_semaphore(%arg5 : memref<!tpu.dma_semaphore, #tpu.memory_space<semaphore_mem>>)
    %add3A_514 = arith.constant 4992 : i32
    %add3A_515 = arith.addi %mul3A_46, %add3A_514 : i32
    %dma_start3A_516 = arith.constant 0 : i32
    %dma_start3A_517 = tpu.memref_slice %arg3[%add3A_515, %dma_start3A_516] : memref<262144x128xf32, #tpu.memory_space<hbm>> -> memref<64x128xf32, #tpu.memory_space<hbm>>
    %dma_start3A_518 = arith.constant 0 : i32
    %dma_start3A_519 = tpu.memref_slice %arg3[%add3A_515, %dma_start3A_518] : memref<262144x128xf32, #tpu.memory_space<hbm>> -> memref<64x128xf32, #tpu.memory_space<hbm>>
    tpu.enqueue_dma source(%arg4 : memref<64x128xf32, #tpu.memory_space<vmem>>) target(%dma_start3A_519 : memref<64x128xf32, #tpu.memory_space<hbm>>) target_semaphore(%arg5 : memref<!tpu.dma_semaphore, #tpu.memory_space<semaphore_mem>>)
    %add3A_520 = arith.constant 5056 : i32
    %add3A_521 = arith.addi %mul3A_46, %add3A_520 : i32
    %dma_start3A_522 = arith.constant 0 : i32
    %dma_start3A_523 = tpu.memref_slice %arg3[%add3A_521, %dma_start3A_522] : memref<262144x128xf32, #tpu.memory_space<hbm>> -> memref<64x128xf32, #tpu.memory_space<hbm>>
    %dma_start3A_524 = arith.constant 0 : i32
    %dma_start3A_525 = tpu.memref_slice %arg3[%add3A_521, %dma_start3A_524] : memref<262144x128xf32, #tpu.memory_space<hbm>> -> memref<64x128xf32, #tpu.memory_space<hbm>>
    tpu.enqueue_dma source(%arg4 : memref<64x128xf32, #tpu.memory_space<vmem>>) target(%dma_start3A_525 : memref<64x128xf32, #tpu.memory_space<hbm>>) target_semaphore(%arg5 : memref<!tpu.dma_semaphore, #tpu.memory_space<semaphore_mem>>)
    %add3A_526 = arith.constant 5120 : i32
    %add3A_527 = arith.addi %mul3A_46, %add3A_526 : i32
    %dma_start3A_528 = arith.constant 0 : i32
    %dma_start3A_529 = tpu.memref_slice %arg3[%add3A_527, %dma_start3A_528] : memref<262144x128xf32, #tpu.memory_space<hbm>> -> memref<64x128xf32, #tpu.memory_space<hbm>>
    %dma_start3A_530 = arith.constant 0 : i32
    %dma_start3A_531 = tpu.memref_slice %arg3[%add3A_527, %dma_start3A_530] : memref<262144x128xf32, #tpu.memory_space<hbm>> -> memref<64x128xf32, #tpu.memory_space<hbm>>
    tpu.enqueue_dma source(%arg4 : memref<64x128xf32, #tpu.memory_space<vmem>>) target(%dma_start3A_531 : memref<64x128xf32, #tpu.memory_space<hbm>>) target_semaphore(%arg5 : memref<!tpu.dma_semaphore, #tpu.memory_space<semaphore_mem>>)
    %add3A_532 = arith.constant 5184 : i32
    %add3A_533 = arith.addi %mul3A_46, %add3A_532 : i32
    %dma_start3A_534 = arith.constant 0 : i32
    %dma_start3A_535 = tpu.memref_slice %arg3[%add3A_533, %dma_start3A_534] : memref<262144x128xf32, #tpu.memory_space<hbm>> -> memref<64x128xf32, #tpu.memory_space<hbm>>
    %dma_start3A_536 = arith.constant 0 : i32
    %dma_start3A_537 = tpu.memref_slice %arg3[%add3A_533, %dma_start3A_536] : memref<262144x128xf32, #tpu.memory_space<hbm>> -> memref<64x128xf32, #tpu.memory_space<hbm>>
    tpu.enqueue_dma source(%arg4 : memref<64x128xf32, #tpu.memory_space<vmem>>) target(%dma_start3A_537 : memref<64x128xf32, #tpu.memory_space<hbm>>) target_semaphore(%arg5 : memref<!tpu.dma_semaphore, #tpu.memory_space<semaphore_mem>>)
    %add3A_538 = arith.constant 5248 : i32
    %add3A_539 = arith.addi %mul3A_46, %add3A_538 : i32
    %dma_start3A_540 = arith.constant 0 : i32
    %dma_start3A_541 = tpu.memref_slice %arg3[%add3A_539, %dma_start3A_540] : memref<262144x128xf32, #tpu.memory_space<hbm>> -> memref<64x128xf32, #tpu.memory_space<hbm>>
    %dma_start3A_542 = arith.constant 0 : i32
    %dma_start3A_543 = tpu.memref_slice %arg3[%add3A_539, %dma_start3A_542] : memref<262144x128xf32, #tpu.memory_space<hbm>> -> memref<64x128xf32, #tpu.memory_space<hbm>>
    tpu.enqueue_dma source(%arg4 : memref<64x128xf32, #tpu.memory_space<vmem>>) target(%dma_start3A_543 : memref<64x128xf32, #tpu.memory_space<hbm>>) target_semaphore(%arg5 : memref<!tpu.dma_semaphore, #tpu.memory_space<semaphore_mem>>)
    %add3A_544 = arith.constant 5312 : i32
    %add3A_545 = arith.addi %mul3A_46, %add3A_544 : i32
    %dma_start3A_546 = arith.constant 0 : i32
    %dma_start3A_547 = tpu.memref_slice %arg3[%add3A_545, %dma_start3A_546] : memref<262144x128xf32, #tpu.memory_space<hbm>> -> memref<64x128xf32, #tpu.memory_space<hbm>>
    %dma_start3A_548 = arith.constant 0 : i32
    %dma_start3A_549 = tpu.memref_slice %arg3[%add3A_545, %dma_start3A_548] : memref<262144x128xf32, #tpu.memory_space<hbm>> -> memref<64x128xf32, #tpu.memory_space<hbm>>
    tpu.enqueue_dma source(%arg4 : memref<64x128xf32, #tpu.memory_space<vmem>>) target(%dma_start3A_549 : memref<64x128xf32, #tpu.memory_space<hbm>>) target_semaphore(%arg5 : memref<!tpu.dma_semaphore, #tpu.memory_space<semaphore_mem>>)
    %add3A_550 = arith.constant 5376 : i32
    %add3A_551 = arith.addi %mul3A_46, %add3A_550 : i32
    %dma_start3A_552 = arith.constant 0 : i32
    %dma_start3A_553 = tpu.memref_slice %arg3[%add3A_551, %dma_start3A_552] : memref<262144x128xf32, #tpu.memory_space<hbm>> -> memref<64x128xf32, #tpu.memory_space<hbm>>
    %dma_start3A_554 = arith.constant 0 : i32
    %dma_start3A_555 = tpu.memref_slice %arg3[%add3A_551, %dma_start3A_554] : memref<262144x128xf32, #tpu.memory_space<hbm>> -> memref<64x128xf32, #tpu.memory_space<hbm>>
    tpu.enqueue_dma source(%arg4 : memref<64x128xf32, #tpu.memory_space<vmem>>) target(%dma_start3A_555 : memref<64x128xf32, #tpu.memory_space<hbm>>) target_semaphore(%arg5 : memref<!tpu.dma_semaphore, #tpu.memory_space<semaphore_mem>>)
    %add3A_556 = arith.constant 5440 : i32
    %add3A_557 = arith.addi %mul3A_46, %add3A_556 : i32
    %dma_start3A_558 = arith.constant 0 : i32
    %dma_start3A_559 = tpu.memref_slice %arg3[%add3A_557, %dma_start3A_558] : memref<262144x128xf32, #tpu.memory_space<hbm>> -> memref<64x128xf32, #tpu.memory_space<hbm>>
    %dma_start3A_560 = arith.constant 0 : i32
    %dma_start3A_561 = tpu.memref_slice %arg3[%add3A_557, %dma_start3A_560] : memref<262144x128xf32, #tpu.memory_space<hbm>> -> memref<64x128xf32, #tpu.memory_space<hbm>>
    tpu.enqueue_dma source(%arg4 : memref<64x128xf32, #tpu.memory_space<vmem>>) target(%dma_start3A_561 : memref<64x128xf32, #tpu.memory_space<hbm>>) target_semaphore(%arg5 : memref<!tpu.dma_semaphore, #tpu.memory_space<semaphore_mem>>)
    %add3A_562 = arith.constant 5504 : i32
    %add3A_563 = arith.addi %mul3A_46, %add3A_562 : i32
    %dma_start3A_564 = arith.constant 0 : i32
    %dma_start3A_565 = tpu.memref_slice %arg3[%add3A_563, %dma_start3A_564] : memref<262144x128xf32, #tpu.memory_space<hbm>> -> memref<64x128xf32, #tpu.memory_space<hbm>>
    %dma_start3A_566 = arith.constant 0 : i32
    %dma_start3A_567 = tpu.memref_slice %arg3[%add3A_563, %dma_start3A_566] : memref<262144x128xf32, #tpu.memory_space<hbm>> -> memref<64x128xf32, #tpu.memory_space<hbm>>
    tpu.enqueue_dma source(%arg4 : memref<64x128xf32, #tpu.memory_space<vmem>>) target(%dma_start3A_567 : memref<64x128xf32, #tpu.memory_space<hbm>>) target_semaphore(%arg5 : memref<!tpu.dma_semaphore, #tpu.memory_space<semaphore_mem>>)
    %add3A_568 = arith.constant 5568 : i32
    %add3A_569 = arith.addi %mul3A_46, %add3A_568 : i32
    %dma_start3A_570 = arith.constant 0 : i32
    %dma_start3A_571 = tpu.memref_slice %arg3[%add3A_569, %dma_start3A_570] : memref<262144x128xf32, #tpu.memory_space<hbm>> -> memref<64x128xf32, #tpu.memory_space<hbm>>
    %dma_start3A_572 = arith.constant 0 : i32
    %dma_start3A_573 = tpu.memref_slice %arg3[%add3A_569, %dma_start3A_572] : memref<262144x128xf32, #tpu.memory_space<hbm>> -> memref<64x128xf32, #tpu.memory_space<hbm>>
    tpu.enqueue_dma source(%arg4 : memref<64x128xf32, #tpu.memory_space<vmem>>) target(%dma_start3A_573 : memref<64x128xf32, #tpu.memory_space<hbm>>) target_semaphore(%arg5 : memref<!tpu.dma_semaphore, #tpu.memory_space<semaphore_mem>>)
    %add3A_574 = arith.constant 5632 : i32
    %add3A_575 = arith.addi %mul3A_46, %add3A_574 : i32
    %dma_start3A_576 = arith.constant 0 : i32
    %dma_start3A_577 = tpu.memref_slice %arg3[%add3A_575, %dma_start3A_576] : memref<262144x128xf32, #tpu.memory_space<hbm>> -> memref<64x128xf32, #tpu.memory_space<hbm>>
    %dma_start3A_578 = arith.constant 0 : i32
    %dma_start3A_579 = tpu.memref_slice %arg3[%add3A_575, %dma_start3A_578] : memref<262144x128xf32, #tpu.memory_space<hbm>> -> memref<64x128xf32, #tpu.memory_space<hbm>>
    tpu.enqueue_dma source(%arg4 : memref<64x128xf32, #tpu.memory_space<vmem>>) target(%dma_start3A_579 : memref<64x128xf32, #tpu.memory_space<hbm>>) target_semaphore(%arg5 : memref<!tpu.dma_semaphore, #tpu.memory_space<semaphore_mem>>)
    %add3A_580 = arith.constant 5696 : i32
    %add3A_581 = arith.addi %mul3A_46, %add3A_580 : i32
    %dma_start3A_582 = arith.constant 0 : i32
    %dma_start3A_583 = tpu.memref_slice %arg3[%add3A_581, %dma_start3A_582] : memref<262144x128xf32, #tpu.memory_space<hbm>> -> memref<64x128xf32, #tpu.memory_space<hbm>>
    %dma_start3A_584 = arith.constant 0 : i32
    %dma_start3A_585 = tpu.memref_slice %arg3[%add3A_581, %dma_start3A_584] : memref<262144x128xf32, #tpu.memory_space<hbm>> -> memref<64x128xf32, #tpu.memory_space<hbm>>
    tpu.enqueue_dma source(%arg4 : memref<64x128xf32, #tpu.memory_space<vmem>>) target(%dma_start3A_585 : memref<64x128xf32, #tpu.memory_space<hbm>>) target_semaphore(%arg5 : memref<!tpu.dma_semaphore, #tpu.memory_space<semaphore_mem>>)
    %add3A_586 = arith.constant 5760 : i32
    %add3A_587 = arith.addi %mul3A_46, %add3A_586 : i32
    %dma_start3A_588 = arith.constant 0 : i32
    %dma_start3A_589 = tpu.memref_slice %arg3[%add3A_587, %dma_start3A_588] : memref<262144x128xf32, #tpu.memory_space<hbm>> -> memref<64x128xf32, #tpu.memory_space<hbm>>
    %dma_start3A_590 = arith.constant 0 : i32
    %dma_start3A_591 = tpu.memref_slice %arg3[%add3A_587, %dma_start3A_590] : memref<262144x128xf32, #tpu.memory_space<hbm>> -> memref<64x128xf32, #tpu.memory_space<hbm>>
    tpu.enqueue_dma source(%arg4 : memref<64x128xf32, #tpu.memory_space<vmem>>) target(%dma_start3A_591 : memref<64x128xf32, #tpu.memory_space<hbm>>) target_semaphore(%arg5 : memref<!tpu.dma_semaphore, #tpu.memory_space<semaphore_mem>>)
    %add3A_592 = arith.constant 5824 : i32
    %add3A_593 = arith.addi %mul3A_46, %add3A_592 : i32
    %dma_start3A_594 = arith.constant 0 : i32
    %dma_start3A_595 = tpu.memref_slice %arg3[%add3A_593, %dma_start3A_594] : memref<262144x128xf32, #tpu.memory_space<hbm>> -> memref<64x128xf32, #tpu.memory_space<hbm>>
    %dma_start3A_596 = arith.constant 0 : i32
    %dma_start3A_597 = tpu.memref_slice %arg3[%add3A_593, %dma_start3A_596] : memref<262144x128xf32, #tpu.memory_space<hbm>> -> memref<64x128xf32, #tpu.memory_space<hbm>>
    tpu.enqueue_dma source(%arg4 : memref<64x128xf32, #tpu.memory_space<vmem>>) target(%dma_start3A_597 : memref<64x128xf32, #tpu.memory_space<hbm>>) target_semaphore(%arg5 : memref<!tpu.dma_semaphore, #tpu.memory_space<semaphore_mem>>)
    %add3A_598 = arith.constant 5888 : i32
    %add3A_599 = arith.addi %mul3A_46, %add3A_598 : i32
    %dma_start3A_600 = arith.constant 0 : i32
    %dma_start3A_601 = tpu.memref_slice %arg3[%add3A_599, %dma_start3A_600] : memref<262144x128xf32, #tpu.memory_space<hbm>> -> memref<64x128xf32, #tpu.memory_space<hbm>>
    %dma_start3A_602 = arith.constant 0 : i32
    %dma_start3A_603 = tpu.memref_slice %arg3[%add3A_599, %dma_start3A_602] : memref<262144x128xf32, #tpu.memory_space<hbm>> -> memref<64x128xf32, #tpu.memory_space<hbm>>
    tpu.enqueue_dma source(%arg4 : memref<64x128xf32, #tpu.memory_space<vmem>>) target(%dma_start3A_603 : memref<64x128xf32, #tpu.memory_space<hbm>>) target_semaphore(%arg5 : memref<!tpu.dma_semaphore, #tpu.memory_space<semaphore_mem>>)
    %add3A_604 = arith.constant 5952 : i32
    %add3A_605 = arith.addi %mul3A_46, %add3A_604 : i32
    %dma_start3A_606 = arith.constant 0 : i32
    %dma_start3A_607 = tpu.memref_slice %arg3[%add3A_605, %dma_start3A_606] : memref<262144x128xf32, #tpu.memory_space<hbm>> -> memref<64x128xf32, #tpu.memory_space<hbm>>
    %dma_start3A_608 = arith.constant 0 : i32
    %dma_start3A_609 = tpu.memref_slice %arg3[%add3A_605, %dma_start3A_608] : memref<262144x128xf32, #tpu.memory_space<hbm>> -> memref<64x128xf32, #tpu.memory_space<hbm>>
    tpu.enqueue_dma source(%arg4 : memref<64x128xf32, #tpu.memory_space<vmem>>) target(%dma_start3A_609 : memref<64x128xf32, #tpu.memory_space<hbm>>) target_semaphore(%arg5 : memref<!tpu.dma_semaphore, #tpu.memory_space<semaphore_mem>>)
    %add3A_610 = arith.constant 6016 : i32
    %add3A_611 = arith.addi %mul3A_46, %add3A_610 : i32
    %dma_start3A_612 = arith.constant 0 : i32
    %dma_start3A_613 = tpu.memref_slice %arg3[%add3A_611, %dma_start3A_612] : memref<262144x128xf32, #tpu.memory_space<hbm>> -> memref<64x128xf32, #tpu.memory_space<hbm>>
    %dma_start3A_614 = arith.constant 0 : i32
    %dma_start3A_615 = tpu.memref_slice %arg3[%add3A_611, %dma_start3A_614] : memref<262144x128xf32, #tpu.memory_space<hbm>> -> memref<64x128xf32, #tpu.memory_space<hbm>>
    tpu.enqueue_dma source(%arg4 : memref<64x128xf32, #tpu.memory_space<vmem>>) target(%dma_start3A_615 : memref<64x128xf32, #tpu.memory_space<hbm>>) target_semaphore(%arg5 : memref<!tpu.dma_semaphore, #tpu.memory_space<semaphore_mem>>)
    %add3A_616 = arith.constant 6080 : i32
    %add3A_617 = arith.addi %mul3A_46, %add3A_616 : i32
    %dma_start3A_618 = arith.constant 0 : i32
    %dma_start3A_619 = tpu.memref_slice %arg3[%add3A_617, %dma_start3A_618] : memref<262144x128xf32, #tpu.memory_space<hbm>> -> memref<64x128xf32, #tpu.memory_space<hbm>>
    %dma_start3A_620 = arith.constant 0 : i32
    %dma_start3A_621 = tpu.memref_slice %arg3[%add3A_617, %dma_start3A_620] : memref<262144x128xf32, #tpu.memory_space<hbm>> -> memref<64x128xf32, #tpu.memory_space<hbm>>
    tpu.enqueue_dma source(%arg4 : memref<64x128xf32, #tpu.memory_space<vmem>>) target(%dma_start3A_621 : memref<64x128xf32, #tpu.memory_space<hbm>>) target_semaphore(%arg5 : memref<!tpu.dma_semaphore, #tpu.memory_space<semaphore_mem>>)
    %add3A_622 = arith.constant 6144 : i32
    %add3A_623 = arith.addi %mul3A_46, %add3A_622 : i32
    %dma_start3A_624 = arith.constant 0 : i32
    %dma_start3A_625 = tpu.memref_slice %arg3[%add3A_623, %dma_start3A_624] : memref<262144x128xf32, #tpu.memory_space<hbm>> -> memref<64x128xf32, #tpu.memory_space<hbm>>
    %dma_start3A_626 = arith.constant 0 : i32
    %dma_start3A_627 = tpu.memref_slice %arg3[%add3A_623, %dma_start3A_626] : memref<262144x128xf32, #tpu.memory_space<hbm>> -> memref<64x128xf32, #tpu.memory_space<hbm>>
    tpu.enqueue_dma source(%arg4 : memref<64x128xf32, #tpu.memory_space<vmem>>) target(%dma_start3A_627 : memref<64x128xf32, #tpu.memory_space<hbm>>) target_semaphore(%arg5 : memref<!tpu.dma_semaphore, #tpu.memory_space<semaphore_mem>>)
    %add3A_628 = arith.constant 6208 : i32
    %add3A_629 = arith.addi %mul3A_46, %add3A_628 : i32
    %dma_start3A_630 = arith.constant 0 : i32
    %dma_start3A_631 = tpu.memref_slice %arg3[%add3A_629, %dma_start3A_630] : memref<262144x128xf32, #tpu.memory_space<hbm>> -> memref<64x128xf32, #tpu.memory_space<hbm>>
    %dma_start3A_632 = arith.constant 0 : i32
    %dma_start3A_633 = tpu.memref_slice %arg3[%add3A_629, %dma_start3A_632] : memref<262144x128xf32, #tpu.memory_space<hbm>> -> memref<64x128xf32, #tpu.memory_space<hbm>>
    tpu.enqueue_dma source(%arg4 : memref<64x128xf32, #tpu.memory_space<vmem>>) target(%dma_start3A_633 : memref<64x128xf32, #tpu.memory_space<hbm>>) target_semaphore(%arg5 : memref<!tpu.dma_semaphore, #tpu.memory_space<semaphore_mem>>)
    %add3A_634 = arith.constant 6272 : i32
    %add3A_635 = arith.addi %mul3A_46, %add3A_634 : i32
    %dma_start3A_636 = arith.constant 0 : i32
    %dma_start3A_637 = tpu.memref_slice %arg3[%add3A_635, %dma_start3A_636] : memref<262144x128xf32, #tpu.memory_space<hbm>> -> memref<64x128xf32, #tpu.memory_space<hbm>>
    %dma_start3A_638 = arith.constant 0 : i32
    %dma_start3A_639 = tpu.memref_slice %arg3[%add3A_635, %dma_start3A_638] : memref<262144x128xf32, #tpu.memory_space<hbm>> -> memref<64x128xf32, #tpu.memory_space<hbm>>
    tpu.enqueue_dma source(%arg4 : memref<64x128xf32, #tpu.memory_space<vmem>>) target(%dma_start3A_639 : memref<64x128xf32, #tpu.memory_space<hbm>>) target_semaphore(%arg5 : memref<!tpu.dma_semaphore, #tpu.memory_space<semaphore_mem>>)
    %add3A_640 = arith.constant 6336 : i32
    %add3A_641 = arith.addi %mul3A_46, %add3A_640 : i32
    %dma_start3A_642 = arith.constant 0 : i32
    %dma_start3A_643 = tpu.memref_slice %arg3[%add3A_641, %dma_start3A_642] : memref<262144x128xf32, #tpu.memory_space<hbm>> -> memref<64x128xf32, #tpu.memory_space<hbm>>
    %dma_start3A_644 = arith.constant 0 : i32
    %dma_start3A_645 = tpu.memref_slice %arg3[%add3A_641, %dma_start3A_644] : memref<262144x128xf32, #tpu.memory_space<hbm>> -> memref<64x128xf32, #tpu.memory_space<hbm>>
    tpu.enqueue_dma source(%arg4 : memref<64x128xf32, #tpu.memory_space<vmem>>) target(%dma_start3A_645 : memref<64x128xf32, #tpu.memory_space<hbm>>) target_semaphore(%arg5 : memref<!tpu.dma_semaphore, #tpu.memory_space<semaphore_mem>>)
    %add3A_646 = arith.constant 6400 : i32
    %add3A_647 = arith.addi %mul3A_46, %add3A_646 : i32
    %dma_start3A_648 = arith.constant 0 : i32
    %dma_start3A_649 = tpu.memref_slice %arg3[%add3A_647, %dma_start3A_648] : memref<262144x128xf32, #tpu.memory_space<hbm>> -> memref<64x128xf32, #tpu.memory_space<hbm>>
    %dma_start3A_650 = arith.constant 0 : i32
    %dma_start3A_651 = tpu.memref_slice %arg3[%add3A_647, %dma_start3A_650] : memref<262144x128xf32, #tpu.memory_space<hbm>> -> memref<64x128xf32, #tpu.memory_space<hbm>>
    tpu.enqueue_dma source(%arg4 : memref<64x128xf32, #tpu.memory_space<vmem>>) target(%dma_start3A_651 : memref<64x128xf32, #tpu.memory_space<hbm>>) target_semaphore(%arg5 : memref<!tpu.dma_semaphore, #tpu.memory_space<semaphore_mem>>)
    %add3A_652 = arith.constant 6464 : i32
    %add3A_653 = arith.addi %mul3A_46, %add3A_652 : i32
    %dma_start3A_654 = arith.constant 0 : i32
    %dma_start3A_655 = tpu.memref_slice %arg3[%add3A_653, %dma_start3A_654] : memref<262144x128xf32, #tpu.memory_space<hbm>> -> memref<64x128xf32, #tpu.memory_space<hbm>>
    %dma_start3A_656 = arith.constant 0 : i32
    %dma_start3A_657 = tpu.memref_slice %arg3[%add3A_653, %dma_start3A_656] : memref<262144x128xf32, #tpu.memory_space<hbm>> -> memref<64x128xf32, #tpu.memory_space<hbm>>
    tpu.enqueue_dma source(%arg4 : memref<64x128xf32, #tpu.memory_space<vmem>>) target(%dma_start3A_657 : memref<64x128xf32, #tpu.memory_space<hbm>>) target_semaphore(%arg5 : memref<!tpu.dma_semaphore, #tpu.memory_space<semaphore_mem>>)
    %add3A_658 = arith.constant 6528 : i32
    %add3A_659 = arith.addi %mul3A_46, %add3A_658 : i32
    %dma_start3A_660 = arith.constant 0 : i32
    %dma_start3A_661 = tpu.memref_slice %arg3[%add3A_659, %dma_start3A_660] : memref<262144x128xf32, #tpu.memory_space<hbm>> -> memref<64x128xf32, #tpu.memory_space<hbm>>
    %dma_start3A_662 = arith.constant 0 : i32
    %dma_start3A_663 = tpu.memref_slice %arg3[%add3A_659, %dma_start3A_662] : memref<262144x128xf32, #tpu.memory_space<hbm>> -> memref<64x128xf32, #tpu.memory_space<hbm>>
    tpu.enqueue_dma source(%arg4 : memref<64x128xf32, #tpu.memory_space<vmem>>) target(%dma_start3A_663 : memref<64x128xf32, #tpu.memory_space<hbm>>) target_semaphore(%arg5 : memref<!tpu.dma_semaphore, #tpu.memory_space<semaphore_mem>>)
    %add3A_664 = arith.constant 6592 : i32
    %add3A_665 = arith.addi %mul3A_46, %add3A_664 : i32
    %dma_start3A_666 = arith.constant 0 : i32
    %dma_start3A_667 = tpu.memref_slice %arg3[%add3A_665, %dma_start3A_666] : memref<262144x128xf32, #tpu.memory_space<hbm>> -> memref<64x128xf32, #tpu.memory_space<hbm>>
    %dma_start3A_668 = arith.constant 0 : i32
    %dma_start3A_669 = tpu.memref_slice %arg3[%add3A_665, %dma_start3A_668] : memref<262144x128xf32, #tpu.memory_space<hbm>> -> memref<64x128xf32, #tpu.memory_space<hbm>>
    tpu.enqueue_dma source(%arg4 : memref<64x128xf32, #tpu.memory_space<vmem>>) target(%dma_start3A_669 : memref<64x128xf32, #tpu.memory_space<hbm>>) target_semaphore(%arg5 : memref<!tpu.dma_semaphore, #tpu.memory_space<semaphore_mem>>)
    %add3A_670 = arith.constant 6656 : i32
    %add3A_671 = arith.addi %mul3A_46, %add3A_670 : i32
    %dma_start3A_672 = arith.constant 0 : i32
    %dma_start3A_673 = tpu.memref_slice %arg3[%add3A_671, %dma_start3A_672] : memref<262144x128xf32, #tpu.memory_space<hbm>> -> memref<64x128xf32, #tpu.memory_space<hbm>>
    %dma_start3A_674 = arith.constant 0 : i32
    %dma_start3A_675 = tpu.memref_slice %arg3[%add3A_671, %dma_start3A_674] : memref<262144x128xf32, #tpu.memory_space<hbm>> -> memref<64x128xf32, #tpu.memory_space<hbm>>
    tpu.enqueue_dma source(%arg4 : memref<64x128xf32, #tpu.memory_space<vmem>>) target(%dma_start3A_675 : memref<64x128xf32, #tpu.memory_space<hbm>>) target_semaphore(%arg5 : memref<!tpu.dma_semaphore, #tpu.memory_space<semaphore_mem>>)
    %add3A_676 = arith.constant 6720 : i32
    %add3A_677 = arith.addi %mul3A_46, %add3A_676 : i32
    %dma_start3A_678 = arith.constant 0 : i32
    %dma_start3A_679 = tpu.memref_slice %arg3[%add3A_677, %dma_start3A_678] : memref<262144x128xf32, #tpu.memory_space<hbm>> -> memref<64x128xf32, #tpu.memory_space<hbm>>
    %dma_start3A_680 = arith.constant 0 : i32
    %dma_start3A_681 = tpu.memref_slice %arg3[%add3A_677, %dma_start3A_680] : memref<262144x128xf32, #tpu.memory_space<hbm>> -> memref<64x128xf32, #tpu.memory_space<hbm>>
    tpu.enqueue_dma source(%arg4 : memref<64x128xf32, #tpu.memory_space<vmem>>) target(%dma_start3A_681 : memref<64x128xf32, #tpu.memory_space<hbm>>) target_semaphore(%arg5 : memref<!tpu.dma_semaphore, #tpu.memory_space<semaphore_mem>>)
    %add3A_682 = arith.constant 6784 : i32
    %add3A_683 = arith.addi %mul3A_46, %add3A_682 : i32
    %dma_start3A_684 = arith.constant 0 : i32
    %dma_start3A_685 = tpu.memref_slice %arg3[%add3A_683, %dma_start3A_684] : memref<262144x128xf32, #tpu.memory_space<hbm>> -> memref<64x128xf32, #tpu.memory_space<hbm>>
    %dma_start3A_686 = arith.constant 0 : i32
    %dma_start3A_687 = tpu.memref_slice %arg3[%add3A_683, %dma_start3A_686] : memref<262144x128xf32, #tpu.memory_space<hbm>> -> memref<64x128xf32, #tpu.memory_space<hbm>>
    tpu.enqueue_dma source(%arg4 : memref<64x128xf32, #tpu.memory_space<vmem>>) target(%dma_start3A_687 : memref<64x128xf32, #tpu.memory_space<hbm>>) target_semaphore(%arg5 : memref<!tpu.dma_semaphore, #tpu.memory_space<semaphore_mem>>)
    %add3A_688 = arith.constant 6848 : i32
    %add3A_689 = arith.addi %mul3A_46, %add3A_688 : i32
    %dma_start3A_690 = arith.constant 0 : i32
    %dma_start3A_691 = tpu.memref_slice %arg3[%add3A_689, %dma_start3A_690] : memref<262144x128xf32, #tpu.memory_space<hbm>> -> memref<64x128xf32, #tpu.memory_space<hbm>>
    %dma_start3A_692 = arith.constant 0 : i32
    %dma_start3A_693 = tpu.memref_slice %arg3[%add3A_689, %dma_start3A_692] : memref<262144x128xf32, #tpu.memory_space<hbm>> -> memref<64x128xf32, #tpu.memory_space<hbm>>
    tpu.enqueue_dma source(%arg4 : memref<64x128xf32, #tpu.memory_space<vmem>>) target(%dma_start3A_693 : memref<64x128xf32, #tpu.memory_space<hbm>>) target_semaphore(%arg5 : memref<!tpu.dma_semaphore, #tpu.memory_space<semaphore_mem>>)
    %add3A_694 = arith.constant 6912 : i32
    %add3A_695 = arith.addi %mul3A_46, %add3A_694 : i32
    %dma_start3A_696 = arith.constant 0 : i32
    %dma_start3A_697 = tpu.memref_slice %arg3[%add3A_695, %dma_start3A_696] : memref<262144x128xf32, #tpu.memory_space<hbm>> -> memref<64x128xf32, #tpu.memory_space<hbm>>
    %dma_start3A_698 = arith.constant 0 : i32
    %dma_start3A_699 = tpu.memref_slice %arg3[%add3A_695, %dma_start3A_698] : memref<262144x128xf32, #tpu.memory_space<hbm>> -> memref<64x128xf32, #tpu.memory_space<hbm>>
    tpu.enqueue_dma source(%arg4 : memref<64x128xf32, #tpu.memory_space<vmem>>) target(%dma_start3A_699 : memref<64x128xf32, #tpu.memory_space<hbm>>) target_semaphore(%arg5 : memref<!tpu.dma_semaphore, #tpu.memory_space<semaphore_mem>>)
    %add3A_700 = arith.constant 6976 : i32
    %add3A_701 = arith.addi %mul3A_46, %add3A_700 : i32
    %dma_start3A_702 = arith.constant 0 : i32
    %dma_start3A_703 = tpu.memref_slice %arg3[%add3A_701, %dma_start3A_702] : memref<262144x128xf32, #tpu.memory_space<hbm>> -> memref<64x128xf32, #tpu.memory_space<hbm>>
    %dma_start3A_704 = arith.constant 0 : i32
    %dma_start3A_705 = tpu.memref_slice %arg3[%add3A_701, %dma_start3A_704] : memref<262144x128xf32, #tpu.memory_space<hbm>> -> memref<64x128xf32, #tpu.memory_space<hbm>>
    tpu.enqueue_dma source(%arg4 : memref<64x128xf32, #tpu.memory_space<vmem>>) target(%dma_start3A_705 : memref<64x128xf32, #tpu.memory_space<hbm>>) target_semaphore(%arg5 : memref<!tpu.dma_semaphore, #tpu.memory_space<semaphore_mem>>)
    %add3A_706 = arith.constant 7040 : i32
    %add3A_707 = arith.addi %mul3A_46, %add3A_706 : i32
    %dma_start3A_708 = arith.constant 0 : i32
    %dma_start3A_709 = tpu.memref_slice %arg3[%add3A_707, %dma_start3A_708] : memref<262144x128xf32, #tpu.memory_space<hbm>> -> memref<64x128xf32, #tpu.memory_space<hbm>>
    %dma_start3A_710 = arith.constant 0 : i32
    %dma_start3A_711 = tpu.memref_slice %arg3[%add3A_707, %dma_start3A_710] : memref<262144x128xf32, #tpu.memory_space<hbm>> -> memref<64x128xf32, #tpu.memory_space<hbm>>
    tpu.enqueue_dma source(%arg4 : memref<64x128xf32, #tpu.memory_space<vmem>>) target(%dma_start3A_711 : memref<64x128xf32, #tpu.memory_space<hbm>>) target_semaphore(%arg5 : memref<!tpu.dma_semaphore, #tpu.memory_space<semaphore_mem>>)
    %add3A_712 = arith.constant 7104 : i32
    %add3A_713 = arith.addi %mul3A_46, %add3A_712 : i32
    %dma_start3A_714 = arith.constant 0 : i32
    %dma_start3A_715 = tpu.memref_slice %arg3[%add3A_713, %dma_start3A_714] : memref<262144x128xf32, #tpu.memory_space<hbm>> -> memref<64x128xf32, #tpu.memory_space<hbm>>
    %dma_start3A_716 = arith.constant 0 : i32
    %dma_start3A_717 = tpu.memref_slice %arg3[%add3A_713, %dma_start3A_716] : memref<262144x128xf32, #tpu.memory_space<hbm>> -> memref<64x128xf32, #tpu.memory_space<hbm>>
    tpu.enqueue_dma source(%arg4 : memref<64x128xf32, #tpu.memory_space<vmem>>) target(%dma_start3A_717 : memref<64x128xf32, #tpu.memory_space<hbm>>) target_semaphore(%arg5 : memref<!tpu.dma_semaphore, #tpu.memory_space<semaphore_mem>>)
    %add3A_718 = arith.constant 7168 : i32
    %add3A_719 = arith.addi %mul3A_46, %add3A_718 : i32
    %dma_start3A_720 = arith.constant 0 : i32
    %dma_start3A_721 = tpu.memref_slice %arg3[%add3A_719, %dma_start3A_720] : memref<262144x128xf32, #tpu.memory_space<hbm>> -> memref<64x128xf32, #tpu.memory_space<hbm>>
    %dma_start3A_722 = arith.constant 0 : i32
    %dma_start3A_723 = tpu.memref_slice %arg3[%add3A_719, %dma_start3A_722] : memref<262144x128xf32, #tpu.memory_space<hbm>> -> memref<64x128xf32, #tpu.memory_space<hbm>>
    tpu.enqueue_dma source(%arg4 : memref<64x128xf32, #tpu.memory_space<vmem>>) target(%dma_start3A_723 : memref<64x128xf32, #tpu.memory_space<hbm>>) target_semaphore(%arg5 : memref<!tpu.dma_semaphore, #tpu.memory_space<semaphore_mem>>)
    %add3A_724 = arith.constant 7232 : i32
    %add3A_725 = arith.addi %mul3A_46, %add3A_724 : i32
    %dma_start3A_726 = arith.constant 0 : i32
    %dma_start3A_727 = tpu.memref_slice %arg3[%add3A_725, %dma_start3A_726] : memref<262144x128xf32, #tpu.memory_space<hbm>> -> memref<64x128xf32, #tpu.memory_space<hbm>>
    %dma_start3A_728 = arith.constant 0 : i32
    %dma_start3A_729 = tpu.memref_slice %arg3[%add3A_725, %dma_start3A_728] : memref<262144x128xf32, #tpu.memory_space<hbm>> -> memref<64x128xf32, #tpu.memory_space<hbm>>
    tpu.enqueue_dma source(%arg4 : memref<64x128xf32, #tpu.memory_space<vmem>>) target(%dma_start3A_729 : memref<64x128xf32, #tpu.memory_space<hbm>>) target_semaphore(%arg5 : memref<!tpu.dma_semaphore, #tpu.memory_space<semaphore_mem>>)
    %add3A_730 = arith.constant 7296 : i32
    %add3A_731 = arith.addi %mul3A_46, %add3A_730 : i32
    %dma_start3A_732 = arith.constant 0 : i32
    %dma_start3A_733 = tpu.memref_slice %arg3[%add3A_731, %dma_start3A_732] : memref<262144x128xf32, #tpu.memory_space<hbm>> -> memref<64x128xf32, #tpu.memory_space<hbm>>
    %dma_start3A_734 = arith.constant 0 : i32
    %dma_start3A_735 = tpu.memref_slice %arg3[%add3A_731, %dma_start3A_734] : memref<262144x128xf32, #tpu.memory_space<hbm>> -> memref<64x128xf32, #tpu.memory_space<hbm>>
    tpu.enqueue_dma source(%arg4 : memref<64x128xf32, #tpu.memory_space<vmem>>) target(%dma_start3A_735 : memref<64x128xf32, #tpu.memory_space<hbm>>) target_semaphore(%arg5 : memref<!tpu.dma_semaphore, #tpu.memory_space<semaphore_mem>>)
    %add3A_736 = arith.constant 7360 : i32
    %add3A_737 = arith.addi %mul3A_46, %add3A_736 : i32
    %dma_start3A_738 = arith.constant 0 : i32
    %dma_start3A_739 = tpu.memref_slice %arg3[%add3A_737, %dma_start3A_738] : memref<262144x128xf32, #tpu.memory_space<hbm>> -> memref<64x128xf32, #tpu.memory_space<hbm>>
    %dma_start3A_740 = arith.constant 0 : i32
    %dma_start3A_741 = tpu.memref_slice %arg3[%add3A_737, %dma_start3A_740] : memref<262144x128xf32, #tpu.memory_space<hbm>> -> memref<64x128xf32, #tpu.memory_space<hbm>>
    tpu.enqueue_dma source(%arg4 : memref<64x128xf32, #tpu.memory_space<vmem>>) target(%dma_start3A_741 : memref<64x128xf32, #tpu.memory_space<hbm>>) target_semaphore(%arg5 : memref<!tpu.dma_semaphore, #tpu.memory_space<semaphore_mem>>)
    %add3A_742 = arith.constant 7424 : i32
    %add3A_743 = arith.addi %mul3A_46, %add3A_742 : i32
    %dma_start3A_744 = arith.constant 0 : i32
    %dma_start3A_745 = tpu.memref_slice %arg3[%add3A_743, %dma_start3A_744] : memref<262144x128xf32, #tpu.memory_space<hbm>> -> memref<64x128xf32, #tpu.memory_space<hbm>>
    %dma_start3A_746 = arith.constant 0 : i32
    %dma_start3A_747 = tpu.memref_slice %arg3[%add3A_743, %dma_start3A_746] : memref<262144x128xf32, #tpu.memory_space<hbm>> -> memref<64x128xf32, #tpu.memory_space<hbm>>
    tpu.enqueue_dma source(%arg4 : memref<64x128xf32, #tpu.memory_space<vmem>>) target(%dma_start3A_747 : memref<64x128xf32, #tpu.memory_space<hbm>>) target_semaphore(%arg5 : memref<!tpu.dma_semaphore, #tpu.memory_space<semaphore_mem>>)
    %add3A_748 = arith.constant 7488 : i32
    %add3A_749 = arith.addi %mul3A_46, %add3A_748 : i32
    %dma_start3A_750 = arith.constant 0 : i32
    %dma_start3A_751 = tpu.memref_slice %arg3[%add3A_749, %dma_start3A_750] : memref<262144x128xf32, #tpu.memory_space<hbm>> -> memref<64x128xf32, #tpu.memory_space<hbm>>
    %dma_start3A_752 = arith.constant 0 : i32
    %dma_start3A_753 = tpu.memref_slice %arg3[%add3A_749, %dma_start3A_752] : memref<262144x128xf32, #tpu.memory_space<hbm>> -> memref<64x128xf32, #tpu.memory_space<hbm>>
    tpu.enqueue_dma source(%arg4 : memref<64x128xf32, #tpu.memory_space<vmem>>) target(%dma_start3A_753 : memref<64x128xf32, #tpu.memory_space<hbm>>) target_semaphore(%arg5 : memref<!tpu.dma_semaphore, #tpu.memory_space<semaphore_mem>>)
    %add3A_754 = arith.constant 7552 : i32
    %add3A_755 = arith.addi %mul3A_46, %add3A_754 : i32
    %dma_start3A_756 = arith.constant 0 : i32
    %dma_start3A_757 = tpu.memref_slice %arg3[%add3A_755, %dma_start3A_756] : memref<262144x128xf32, #tpu.memory_space<hbm>> -> memref<64x128xf32, #tpu.memory_space<hbm>>
    %dma_start3A_758 = arith.constant 0 : i32
    %dma_start3A_759 = tpu.memref_slice %arg3[%add3A_755, %dma_start3A_758] : memref<262144x128xf32, #tpu.memory_space<hbm>> -> memref<64x128xf32, #tpu.memory_space<hbm>>
    tpu.enqueue_dma source(%arg4 : memref<64x128xf32, #tpu.memory_space<vmem>>) target(%dma_start3A_759 : memref<64x128xf32, #tpu.memory_space<hbm>>) target_semaphore(%arg5 : memref<!tpu.dma_semaphore, #tpu.memory_space<semaphore_mem>>)
    %add3A_760 = arith.constant 7616 : i32
    %add3A_761 = arith.addi %mul3A_46, %add3A_760 : i32
    %dma_start3A_762 = arith.constant 0 : i32
    %dma_start3A_763 = tpu.memref_slice %arg3[%add3A_761, %dma_start3A_762] : memref<262144x128xf32, #tpu.memory_space<hbm>> -> memref<64x128xf32, #tpu.memory_space<hbm>>
    %dma_start3A_764 = arith.constant 0 : i32
    %dma_start3A_765 = tpu.memref_slice %arg3[%add3A_761, %dma_start3A_764] : memref<262144x128xf32, #tpu.memory_space<hbm>> -> memref<64x128xf32, #tpu.memory_space<hbm>>
    tpu.enqueue_dma source(%arg4 : memref<64x128xf32, #tpu.memory_space<vmem>>) target(%dma_start3A_765 : memref<64x128xf32, #tpu.memory_space<hbm>>) target_semaphore(%arg5 : memref<!tpu.dma_semaphore, #tpu.memory_space<semaphore_mem>>)
    %add3A_766 = arith.constant 7680 : i32
    %add3A_767 = arith.addi %mul3A_46, %add3A_766 : i32
    %dma_start3A_768 = arith.constant 0 : i32
    %dma_start3A_769 = tpu.memref_slice %arg3[%add3A_767, %dma_start3A_768] : memref<262144x128xf32, #tpu.memory_space<hbm>> -> memref<64x128xf32, #tpu.memory_space<hbm>>
    %dma_start3A_770 = arith.constant 0 : i32
    %dma_start3A_771 = tpu.memref_slice %arg3[%add3A_767, %dma_start3A_770] : memref<262144x128xf32, #tpu.memory_space<hbm>> -> memref<64x128xf32, #tpu.memory_space<hbm>>
    tpu.enqueue_dma source(%arg4 : memref<64x128xf32, #tpu.memory_space<vmem>>) target(%dma_start3A_771 : memref<64x128xf32, #tpu.memory_space<hbm>>) target_semaphore(%arg5 : memref<!tpu.dma_semaphore, #tpu.memory_space<semaphore_mem>>)
    %add3A_772 = arith.constant 7744 : i32
    %add3A_773 = arith.addi %mul3A_46, %add3A_772 : i32
    %dma_start3A_774 = arith.constant 0 : i32
    %dma_start3A_775 = tpu.memref_slice %arg3[%add3A_773, %dma_start3A_774] : memref<262144x128xf32, #tpu.memory_space<hbm>> -> memref<64x128xf32, #tpu.memory_space<hbm>>
    %dma_start3A_776 = arith.constant 0 : i32
    %dma_start3A_777 = tpu.memref_slice %arg3[%add3A_773, %dma_start3A_776] : memref<262144x128xf32, #tpu.memory_space<hbm>> -> memref<64x128xf32, #tpu.memory_space<hbm>>
    tpu.enqueue_dma source(%arg4 : memref<64x128xf32, #tpu.memory_space<vmem>>) target(%dma_start3A_777 : memref<64x128xf32, #tpu.memory_space<hbm>>) target_semaphore(%arg5 : memref<!tpu.dma_semaphore, #tpu.memory_space<semaphore_mem>>)
    %add3A_778 = arith.constant 7808 : i32
    %add3A_779 = arith.addi %mul3A_46, %add3A_778 : i32
    %dma_start3A_780 = arith.constant 0 : i32
    %dma_start3A_781 = tpu.memref_slice %arg3[%add3A_779, %dma_start3A_780] : memref<262144x128xf32, #tpu.memory_space<hbm>> -> memref<64x128xf32, #tpu.memory_space<hbm>>
    %dma_start3A_782 = arith.constant 0 : i32
    %dma_start3A_783 = tpu.memref_slice %arg3[%add3A_779, %dma_start3A_782] : memref<262144x128xf32, #tpu.memory_space<hbm>> -> memref<64x128xf32, #tpu.memory_space<hbm>>
    tpu.enqueue_dma source(%arg4 : memref<64x128xf32, #tpu.memory_space<vmem>>) target(%dma_start3A_783 : memref<64x128xf32, #tpu.memory_space<hbm>>) target_semaphore(%arg5 : memref<!tpu.dma_semaphore, #tpu.memory_space<semaphore_mem>>)
    %add3A_784 = arith.constant 7872 : i32
    %add3A_785 = arith.addi %mul3A_46, %add3A_784 : i32
    %dma_start3A_786 = arith.constant 0 : i32
    %dma_start3A_787 = tpu.memref_slice %arg3[%add3A_785, %dma_start3A_786] : memref<262144x128xf32, #tpu.memory_space<hbm>> -> memref<64x128xf32, #tpu.memory_space<hbm>>
    %dma_start3A_788 = arith.constant 0 : i32
    %dma_start3A_789 = tpu.memref_slice %arg3[%add3A_785, %dma_start3A_788] : memref<262144x128xf32, #tpu.memory_space<hbm>> -> memref<64x128xf32, #tpu.memory_space<hbm>>
    tpu.enqueue_dma source(%arg4 : memref<64x128xf32, #tpu.memory_space<vmem>>) target(%dma_start3A_789 : memref<64x128xf32, #tpu.memory_space<hbm>>) target_semaphore(%arg5 : memref<!tpu.dma_semaphore, #tpu.memory_space<semaphore_mem>>)
    %add3A_790 = arith.constant 7936 : i32
    %add3A_791 = arith.addi %mul3A_46, %add3A_790 : i32
    %dma_start3A_792 = arith.constant 0 : i32
    %dma_start3A_793 = tpu.memref_slice %arg3[%add3A_791, %dma_start3A_792] : memref<262144x128xf32, #tpu.memory_space<hbm>> -> memref<64x128xf32, #tpu.memory_space<hbm>>
    %dma_start3A_794 = arith.constant 0 : i32
    %dma_start3A_795 = tpu.memref_slice %arg3[%add3A_791, %dma_start3A_794] : memref<262144x128xf32, #tpu.memory_space<hbm>> -> memref<64x128xf32, #tpu.memory_space<hbm>>
    tpu.enqueue_dma source(%arg4 : memref<64x128xf32, #tpu.memory_space<vmem>>) target(%dma_start3A_795 : memref<64x128xf32, #tpu.memory_space<hbm>>) target_semaphore(%arg5 : memref<!tpu.dma_semaphore, #tpu.memory_space<semaphore_mem>>)
    %add3A_796 = arith.constant 8000 : i32
    %add3A_797 = arith.addi %mul3A_46, %add3A_796 : i32
    %dma_start3A_798 = arith.constant 0 : i32
    %dma_start3A_799 = tpu.memref_slice %arg3[%add3A_797, %dma_start3A_798] : memref<262144x128xf32, #tpu.memory_space<hbm>> -> memref<64x128xf32, #tpu.memory_space<hbm>>
    %dma_start3A_800 = arith.constant 0 : i32
    %dma_start3A_801 = tpu.memref_slice %arg3[%add3A_797, %dma_start3A_800] : memref<262144x128xf32, #tpu.memory_space<hbm>> -> memref<64x128xf32, #tpu.memory_space<hbm>>
    tpu.enqueue_dma source(%arg4 : memref<64x128xf32, #tpu.memory_space<vmem>>) target(%dma_start3A_801 : memref<64x128xf32, #tpu.memory_space<hbm>>) target_semaphore(%arg5 : memref<!tpu.dma_semaphore, #tpu.memory_space<semaphore_mem>>)
    %add3A_802 = arith.constant 8064 : i32
    %add3A_803 = arith.addi %mul3A_46, %add3A_802 : i32
    %dma_start3A_804 = arith.constant 0 : i32
    %dma_start3A_805 = tpu.memref_slice %arg3[%add3A_803, %dma_start3A_804] : memref<262144x128xf32, #tpu.memory_space<hbm>> -> memref<64x128xf32, #tpu.memory_space<hbm>>
    %dma_start3A_806 = arith.constant 0 : i32
    %dma_start3A_807 = tpu.memref_slice %arg3[%add3A_803, %dma_start3A_806] : memref<262144x128xf32, #tpu.memory_space<hbm>> -> memref<64x128xf32, #tpu.memory_space<hbm>>
    tpu.enqueue_dma source(%arg4 : memref<64x128xf32, #tpu.memory_space<vmem>>) target(%dma_start3A_807 : memref<64x128xf32, #tpu.memory_space<hbm>>) target_semaphore(%arg5 : memref<!tpu.dma_semaphore, #tpu.memory_space<semaphore_mem>>)
    %add3A_808 = arith.constant 8128 : i32
    %add3A_809 = arith.addi %mul3A_46, %add3A_808 : i32
    %dma_start3A_810 = arith.constant 0 : i32
    %dma_start3A_811 = tpu.memref_slice %arg3[%add3A_809, %dma_start3A_810] : memref<262144x128xf32, #tpu.memory_space<hbm>> -> memref<64x128xf32, #tpu.memory_space<hbm>>
    %dma_start3A_812 = arith.constant 0 : i32
    %dma_start3A_813 = tpu.memref_slice %arg3[%add3A_809, %dma_start3A_812] : memref<262144x128xf32, #tpu.memory_space<hbm>> -> memref<64x128xf32, #tpu.memory_space<hbm>>
    tpu.enqueue_dma source(%arg4 : memref<64x128xf32, #tpu.memory_space<vmem>>) target(%dma_start3A_813 : memref<64x128xf32, #tpu.memory_space<hbm>>) target_semaphore(%arg5 : memref<!tpu.dma_semaphore, #tpu.memory_space<semaphore_mem>>)
    %dma_wait3A = arith.constant 0 : i32
    %dma_wait3A_814 = tpu.memref_slice %arg3[%add3A_48, %dma_wait3A] : memref<262144x128xf32, #tpu.memory_space<hbm>> -> memref<64x128xf32, #tpu.memory_space<hbm>>
    %dma_wait3A_815 = arith.constant 0 : i32
    %dma_wait3A_816 = tpu.memref_slice %arg3[%add3A_48, %dma_wait3A_815] : memref<262144x128xf32, #tpu.memory_space<hbm>> -> memref<64x128xf32, #tpu.memory_space<hbm>>
    tpu.wait_dma2 semaphore(%arg5 : memref<!tpu.dma_semaphore, #tpu.memory_space<semaphore_mem>>) src(%arg4 : memref<64x128xf32, #tpu.memory_space<vmem>>) dst(%dma_wait3A_816 : memref<64x128xf32, #tpu.memory_space<hbm>>)
    %dma_wait3A_817 = arith.constant 0 : i32
    %dma_wait3A_818 = tpu.memref_slice %arg3[%add3A_53, %dma_wait3A_817] : memref<262144x128xf32, #tpu.memory_space<hbm>> -> memref<64x128xf32, #tpu.memory_space<hbm>>
    %dma_wait3A_819 = arith.constant 0 : i32
    %dma_wait3A_820 = tpu.memref_slice %arg3[%add3A_53, %dma_wait3A_819] : memref<262144x128xf32, #tpu.memory_space<hbm>> -> memref<64x128xf32, #tpu.memory_space<hbm>>
    tpu.wait_dma2 semaphore(%arg5 : memref<!tpu.dma_semaphore, #tpu.memory_space<semaphore_mem>>) src(%arg4 : memref<64x128xf32, #tpu.memory_space<vmem>>) dst(%dma_wait3A_820 : memref<64x128xf32, #tpu.memory_space<hbm>>)
    %dma_wait3A_821 = arith.constant 0 : i32
    %dma_wait3A_822 = tpu.memref_slice %arg3[%add3A_59, %dma_wait3A_821] : memref<262144x128xf32, #tpu.memory_space<hbm>> -> memref<64x128xf32, #tpu.memory_space<hbm>>
    %dma_wait3A_823 = arith.constant 0 : i32
    %dma_wait3A_824 = tpu.memref_slice %arg3[%add3A_59, %dma_wait3A_823] : memref<262144x128xf32, #tpu.memory_space<hbm>> -> memref<64x128xf32, #tpu.memory_space<hbm>>
    tpu.wait_dma2 semaphore(%arg5 : memref<!tpu.dma_semaphore, #tpu.memory_space<semaphore_mem>>) src(%arg4 : memref<64x128xf32, #tpu.memory_space<vmem>>) dst(%dma_wait3A_824 : memref<64x128xf32, #tpu.memory_space<hbm>>)
    %dma_wait3A_825 = arith.constant 0 : i32
    %dma_wait3A_826 = tpu.memref_slice %arg3[%add3A_65, %dma_wait3A_825] : memref<262144x128xf32, #tpu.memory_space<hbm>> -> memref<64x128xf32, #tpu.memory_space<hbm>>
    %dma_wait3A_827 = arith.constant 0 : i32
    %dma_wait3A_828 = tpu.memref_slice %arg3[%add3A_65, %dma_wait3A_827] : memref<262144x128xf32, #tpu.memory_space<hbm>> -> memref<64x128xf32, #tpu.memory_space<hbm>>
    tpu.wait_dma2 semaphore(%arg5 : memref<!tpu.dma_semaphore, #tpu.memory_space<semaphore_mem>>) src(%arg4 : memref<64x128xf32, #tpu.memory_space<vmem>>) dst(%dma_wait3A_828 : memref<64x128xf32, #tpu.memory_space<hbm>>)
    %dma_wait3A_829 = arith.constant 0 : i32
    %dma_wait3A_830 = tpu.memref_slice %arg3[%add3A_71, %dma_wait3A_829] : memref<262144x128xf32, #tpu.memory_space<hbm>> -> memref<64x128xf32, #tpu.memory_space<hbm>>
    %dma_wait3A_831 = arith.constant 0 : i32
    %dma_wait3A_832 = tpu.memref_slice %arg3[%add3A_71, %dma_wait3A_831] : memref<262144x128xf32, #tpu.memory_space<hbm>> -> memref<64x128xf32, #tpu.memory_space<hbm>>
    tpu.wait_dma2 semaphore(%arg5 : memref<!tpu.dma_semaphore, #tpu.memory_space<semaphore_mem>>) src(%arg4 : memref<64x128xf32, #tpu.memory_space<vmem>>) dst(%dma_wait3A_832 : memref<64x128xf32, #tpu.memory_space<hbm>>)
    %dma_wait3A_833 = arith.constant 0 : i32
    %dma_wait3A_834 = tpu.memref_slice %arg3[%add3A_77, %dma_wait3A_833] : memref<262144x128xf32, #tpu.memory_space<hbm>> -> memref<64x128xf32, #tpu.memory_space<hbm>>
    %dma_wait3A_835 = arith.constant 0 : i32
    %dma_wait3A_836 = tpu.memref_slice %arg3[%add3A_77, %dma_wait3A_835] : memref<262144x128xf32, #tpu.memory_space<hbm>> -> memref<64x128xf32, #tpu.memory_space<hbm>>
    tpu.wait_dma2 semaphore(%arg5 : memref<!tpu.dma_semaphore, #tpu.memory_space<semaphore_mem>>) src(%arg4 : memref<64x128xf32, #tpu.memory_space<vmem>>) dst(%dma_wait3A_836 : memref<64x128xf32, #tpu.memory_space<hbm>>)
    %dma_wait3A_837 = arith.constant 0 : i32
    %dma_wait3A_838 = tpu.memref_slice %arg3[%add3A_83, %dma_wait3A_837] : memref<262144x128xf32, #tpu.memory_space<hbm>> -> memref<64x128xf32, #tpu.memory_space<hbm>>
    %dma_wait3A_839 = arith.constant 0 : i32
    %dma_wait3A_840 = tpu.memref_slice %arg3[%add3A_83, %dma_wait3A_839] : memref<262144x128xf32, #tpu.memory_space<hbm>> -> memref<64x128xf32, #tpu.memory_space<hbm>>
    tpu.wait_dma2 semaphore(%arg5 : memref<!tpu.dma_semaphore, #tpu.memory_space<semaphore_mem>>) src(%arg4 : memref<64x128xf32, #tpu.memory_space<vmem>>) dst(%dma_wait3A_840 : memref<64x128xf32, #tpu.memory_space<hbm>>)
    %dma_wait3A_841 = arith.constant 0 : i32
    %dma_wait3A_842 = tpu.memref_slice %arg3[%add3A_89, %dma_wait3A_841] : memref<262144x128xf32, #tpu.memory_space<hbm>> -> memref<64x128xf32, #tpu.memory_space<hbm>>
    %dma_wait3A_843 = arith.constant 0 : i32
    %dma_wait3A_844 = tpu.memref_slice %arg3[%add3A_89, %dma_wait3A_843] : memref<262144x128xf32, #tpu.memory_space<hbm>> -> memref<64x128xf32, #tpu.memory_space<hbm>>
    tpu.wait_dma2 semaphore(%arg5 : memref<!tpu.dma_semaphore, #tpu.memory_space<semaphore_mem>>) src(%arg4 : memref<64x128xf32, #tpu.memory_space<vmem>>) dst(%dma_wait3A_844 : memref<64x128xf32, #tpu.memory_space<hbm>>)
    %dma_wait3A_845 = arith.constant 0 : i32
    %dma_wait3A_846 = tpu.memref_slice %arg3[%add3A_95, %dma_wait3A_845] : memref<262144x128xf32, #tpu.memory_space<hbm>> -> memref<64x128xf32, #tpu.memory_space<hbm>>
    %dma_wait3A_847 = arith.constant 0 : i32
    %dma_wait3A_848 = tpu.memref_slice %arg3[%add3A_95, %dma_wait3A_847] : memref<262144x128xf32, #tpu.memory_space<hbm>> -> memref<64x128xf32, #tpu.memory_space<hbm>>
    tpu.wait_dma2 semaphore(%arg5 : memref<!tpu.dma_semaphore, #tpu.memory_space<semaphore_mem>>) src(%arg4 : memref<64x128xf32, #tpu.memory_space<vmem>>) dst(%dma_wait3A_848 : memref<64x128xf32, #tpu.memory_space<hbm>>)
    %dma_wait3A_849 = arith.constant 0 : i32
    %dma_wait3A_850 = tpu.memref_slice %arg3[%add3A_101, %dma_wait3A_849] : memref<262144x128xf32, #tpu.memory_space<hbm>> -> memref<64x128xf32, #tpu.memory_space<hbm>>
    %dma_wait3A_851 = arith.constant 0 : i32
    %dma_wait3A_852 = tpu.memref_slice %arg3[%add3A_101, %dma_wait3A_851] : memref<262144x128xf32, #tpu.memory_space<hbm>> -> memref<64x128xf32, #tpu.memory_space<hbm>>
    tpu.wait_dma2 semaphore(%arg5 : memref<!tpu.dma_semaphore, #tpu.memory_space<semaphore_mem>>) src(%arg4 : memref<64x128xf32, #tpu.memory_space<vmem>>) dst(%dma_wait3A_852 : memref<64x128xf32, #tpu.memory_space<hbm>>)
    %dma_wait3A_853 = arith.constant 0 : i32
    %dma_wait3A_854 = tpu.memref_slice %arg3[%add3A_107, %dma_wait3A_853] : memref<262144x128xf32, #tpu.memory_space<hbm>> -> memref<64x128xf32, #tpu.memory_space<hbm>>
    %dma_wait3A_855 = arith.constant 0 : i32
    %dma_wait3A_856 = tpu.memref_slice %arg3[%add3A_107, %dma_wait3A_855] : memref<262144x128xf32, #tpu.memory_space<hbm>> -> memref<64x128xf32, #tpu.memory_space<hbm>>
    tpu.wait_dma2 semaphore(%arg5 : memref<!tpu.dma_semaphore, #tpu.memory_space<semaphore_mem>>) src(%arg4 : memref<64x128xf32, #tpu.memory_space<vmem>>) dst(%dma_wait3A_856 : memref<64x128xf32, #tpu.memory_space<hbm>>)
    %dma_wait3A_857 = arith.constant 0 : i32
    %dma_wait3A_858 = tpu.memref_slice %arg3[%add3A_113, %dma_wait3A_857] : memref<262144x128xf32, #tpu.memory_space<hbm>> -> memref<64x128xf32, #tpu.memory_space<hbm>>
    %dma_wait3A_859 = arith.constant 0 : i32
    %dma_wait3A_860 = tpu.memref_slice %arg3[%add3A_113, %dma_wait3A_859] : memref<262144x128xf32, #tpu.memory_space<hbm>> -> memref<64x128xf32, #tpu.memory_space<hbm>>
    tpu.wait_dma2 semaphore(%arg5 : memref<!tpu.dma_semaphore, #tpu.memory_space<semaphore_mem>>) src(%arg4 : memref<64x128xf32, #tpu.memory_space<vmem>>) dst(%dma_wait3A_860 : memref<64x128xf32, #tpu.memory_space<hbm>>)
    %dma_wait3A_861 = arith.constant 0 : i32
    %dma_wait3A_862 = tpu.memref_slice %arg3[%add3A_119, %dma_wait3A_861] : memref<262144x128xf32, #tpu.memory_space<hbm>> -> memref<64x128xf32, #tpu.memory_space<hbm>>
    %dma_wait3A_863 = arith.constant 0 : i32
    %dma_wait3A_864 = tpu.memref_slice %arg3[%add3A_119, %dma_wait3A_863] : memref<262144x128xf32, #tpu.memory_space<hbm>> -> memref<64x128xf32, #tpu.memory_space<hbm>>
    tpu.wait_dma2 semaphore(%arg5 : memref<!tpu.dma_semaphore, #tpu.memory_space<semaphore_mem>>) src(%arg4 : memref<64x128xf32, #tpu.memory_space<vmem>>) dst(%dma_wait3A_864 : memref<64x128xf32, #tpu.memory_space<hbm>>)
    %dma_wait3A_865 = arith.constant 0 : i32
    %dma_wait3A_866 = tpu.memref_slice %arg3[%add3A_125, %dma_wait3A_865] : memref<262144x128xf32, #tpu.memory_space<hbm>> -> memref<64x128xf32, #tpu.memory_space<hbm>>
    %dma_wait3A_867 = arith.constant 0 : i32
    %dma_wait3A_868 = tpu.memref_slice %arg3[%add3A_125, %dma_wait3A_867] : memref<262144x128xf32, #tpu.memory_space<hbm>> -> memref<64x128xf32, #tpu.memory_space<hbm>>
    tpu.wait_dma2 semaphore(%arg5 : memref<!tpu.dma_semaphore, #tpu.memory_space<semaphore_mem>>) src(%arg4 : memref<64x128xf32, #tpu.memory_space<vmem>>) dst(%dma_wait3A_868 : memref<64x128xf32, #tpu.memory_space<hbm>>)
    %dma_wait3A_869 = arith.constant 0 : i32
    %dma_wait3A_870 = tpu.memref_slice %arg3[%add3A_131, %dma_wait3A_869] : memref<262144x128xf32, #tpu.memory_space<hbm>> -> memref<64x128xf32, #tpu.memory_space<hbm>>
    %dma_wait3A_871 = arith.constant 0 : i32
    %dma_wait3A_872 = tpu.memref_slice %arg3[%add3A_131, %dma_wait3A_871] : memref<262144x128xf32, #tpu.memory_space<hbm>> -> memref<64x128xf32, #tpu.memory_space<hbm>>
    tpu.wait_dma2 semaphore(%arg5 : memref<!tpu.dma_semaphore, #tpu.memory_space<semaphore_mem>>) src(%arg4 : memref<64x128xf32, #tpu.memory_space<vmem>>) dst(%dma_wait3A_872 : memref<64x128xf32, #tpu.memory_space<hbm>>)
    %dma_wait3A_873 = arith.constant 0 : i32
    %dma_wait3A_874 = tpu.memref_slice %arg3[%add3A_137, %dma_wait3A_873] : memref<262144x128xf32, #tpu.memory_space<hbm>> -> memref<64x128xf32, #tpu.memory_space<hbm>>
    %dma_wait3A_875 = arith.constant 0 : i32
    %dma_wait3A_876 = tpu.memref_slice %arg3[%add3A_137, %dma_wait3A_875] : memref<262144x128xf32, #tpu.memory_space<hbm>> -> memref<64x128xf32, #tpu.memory_space<hbm>>
    tpu.wait_dma2 semaphore(%arg5 : memref<!tpu.dma_semaphore, #tpu.memory_space<semaphore_mem>>) src(%arg4 : memref<64x128xf32, #tpu.memory_space<vmem>>) dst(%dma_wait3A_876 : memref<64x128xf32, #tpu.memory_space<hbm>>)
    %dma_wait3A_877 = arith.constant 0 : i32
    %dma_wait3A_878 = tpu.memref_slice %arg3[%add3A_143, %dma_wait3A_877] : memref<262144x128xf32, #tpu.memory_space<hbm>> -> memref<64x128xf32, #tpu.memory_space<hbm>>
    %dma_wait3A_879 = arith.constant 0 : i32
    %dma_wait3A_880 = tpu.memref_slice %arg3[%add3A_143, %dma_wait3A_879] : memref<262144x128xf32, #tpu.memory_space<hbm>> -> memref<64x128xf32, #tpu.memory_space<hbm>>
    tpu.wait_dma2 semaphore(%arg5 : memref<!tpu.dma_semaphore, #tpu.memory_space<semaphore_mem>>) src(%arg4 : memref<64x128xf32, #tpu.memory_space<vmem>>) dst(%dma_wait3A_880 : memref<64x128xf32, #tpu.memory_space<hbm>>)
    %dma_wait3A_881 = arith.constant 0 : i32
    %dma_wait3A_882 = tpu.memref_slice %arg3[%add3A_149, %dma_wait3A_881] : memref<262144x128xf32, #tpu.memory_space<hbm>> -> memref<64x128xf32, #tpu.memory_space<hbm>>
    %dma_wait3A_883 = arith.constant 0 : i32
    %dma_wait3A_884 = tpu.memref_slice %arg3[%add3A_149, %dma_wait3A_883] : memref<262144x128xf32, #tpu.memory_space<hbm>> -> memref<64x128xf32, #tpu.memory_space<hbm>>
    tpu.wait_dma2 semaphore(%arg5 : memref<!tpu.dma_semaphore, #tpu.memory_space<semaphore_mem>>) src(%arg4 : memref<64x128xf32, #tpu.memory_space<vmem>>) dst(%dma_wait3A_884 : memref<64x128xf32, #tpu.memory_space<hbm>>)
    %dma_wait3A_885 = arith.constant 0 : i32
    %dma_wait3A_886 = tpu.memref_slice %arg3[%add3A_155, %dma_wait3A_885] : memref<262144x128xf32, #tpu.memory_space<hbm>> -> memref<64x128xf32, #tpu.memory_space<hbm>>
    %dma_wait3A_887 = arith.constant 0 : i32
    %dma_wait3A_888 = tpu.memref_slice %arg3[%add3A_155, %dma_wait3A_887] : memref<262144x128xf32, #tpu.memory_space<hbm>> -> memref<64x128xf32, #tpu.memory_space<hbm>>
    tpu.wait_dma2 semaphore(%arg5 : memref<!tpu.dma_semaphore, #tpu.memory_space<semaphore_mem>>) src(%arg4 : memref<64x128xf32, #tpu.memory_space<vmem>>) dst(%dma_wait3A_888 : memref<64x128xf32, #tpu.memory_space<hbm>>)
    %dma_wait3A_889 = arith.constant 0 : i32
    %dma_wait3A_890 = tpu.memref_slice %arg3[%add3A_161, %dma_wait3A_889] : memref<262144x128xf32, #tpu.memory_space<hbm>> -> memref<64x128xf32, #tpu.memory_space<hbm>>
    %dma_wait3A_891 = arith.constant 0 : i32
    %dma_wait3A_892 = tpu.memref_slice %arg3[%add3A_161, %dma_wait3A_891] : memref<262144x128xf32, #tpu.memory_space<hbm>> -> memref<64x128xf32, #tpu.memory_space<hbm>>
    tpu.wait_dma2 semaphore(%arg5 : memref<!tpu.dma_semaphore, #tpu.memory_space<semaphore_mem>>) src(%arg4 : memref<64x128xf32, #tpu.memory_space<vmem>>) dst(%dma_wait3A_892 : memref<64x128xf32, #tpu.memory_space<hbm>>)
    %dma_wait3A_893 = arith.constant 0 : i32
    %dma_wait3A_894 = tpu.memref_slice %arg3[%add3A_167, %dma_wait3A_893] : memref<262144x128xf32, #tpu.memory_space<hbm>> -> memref<64x128xf32, #tpu.memory_space<hbm>>
    %dma_wait3A_895 = arith.constant 0 : i32
    %dma_wait3A_896 = tpu.memref_slice %arg3[%add3A_167, %dma_wait3A_895] : memref<262144x128xf32, #tpu.memory_space<hbm>> -> memref<64x128xf32, #tpu.memory_space<hbm>>
    tpu.wait_dma2 semaphore(%arg5 : memref<!tpu.dma_semaphore, #tpu.memory_space<semaphore_mem>>) src(%arg4 : memref<64x128xf32, #tpu.memory_space<vmem>>) dst(%dma_wait3A_896 : memref<64x128xf32, #tpu.memory_space<hbm>>)
    %dma_wait3A_897 = arith.constant 0 : i32
    %dma_wait3A_898 = tpu.memref_slice %arg3[%add3A_173, %dma_wait3A_897] : memref<262144x128xf32, #tpu.memory_space<hbm>> -> memref<64x128xf32, #tpu.memory_space<hbm>>
    %dma_wait3A_899 = arith.constant 0 : i32
    %dma_wait3A_900 = tpu.memref_slice %arg3[%add3A_173, %dma_wait3A_899] : memref<262144x128xf32, #tpu.memory_space<hbm>> -> memref<64x128xf32, #tpu.memory_space<hbm>>
    tpu.wait_dma2 semaphore(%arg5 : memref<!tpu.dma_semaphore, #tpu.memory_space<semaphore_mem>>) src(%arg4 : memref<64x128xf32, #tpu.memory_space<vmem>>) dst(%dma_wait3A_900 : memref<64x128xf32, #tpu.memory_space<hbm>>)
    %dma_wait3A_901 = arith.constant 0 : i32
    %dma_wait3A_902 = tpu.memref_slice %arg3[%add3A_179, %dma_wait3A_901] : memref<262144x128xf32, #tpu.memory_space<hbm>> -> memref<64x128xf32, #tpu.memory_space<hbm>>
    %dma_wait3A_903 = arith.constant 0 : i32
    %dma_wait3A_904 = tpu.memref_slice %arg3[%add3A_179, %dma_wait3A_903] : memref<262144x128xf32, #tpu.memory_space<hbm>> -> memref<64x128xf32, #tpu.memory_space<hbm>>
    tpu.wait_dma2 semaphore(%arg5 : memref<!tpu.dma_semaphore, #tpu.memory_space<semaphore_mem>>) src(%arg4 : memref<64x128xf32, #tpu.memory_space<vmem>>) dst(%dma_wait3A_904 : memref<64x128xf32, #tpu.memory_space<hbm>>)
    %dma_wait3A_905 = arith.constant 0 : i32
    %dma_wait3A_906 = tpu.memref_slice %arg3[%add3A_185, %dma_wait3A_905] : memref<262144x128xf32, #tpu.memory_space<hbm>> -> memref<64x128xf32, #tpu.memory_space<hbm>>
    %dma_wait3A_907 = arith.constant 0 : i32
    %dma_wait3A_908 = tpu.memref_slice %arg3[%add3A_185, %dma_wait3A_907] : memref<262144x128xf32, #tpu.memory_space<hbm>> -> memref<64x128xf32, #tpu.memory_space<hbm>>
    tpu.wait_dma2 semaphore(%arg5 : memref<!tpu.dma_semaphore, #tpu.memory_space<semaphore_mem>>) src(%arg4 : memref<64x128xf32, #tpu.memory_space<vmem>>) dst(%dma_wait3A_908 : memref<64x128xf32, #tpu.memory_space<hbm>>)
    %dma_wait3A_909 = arith.constant 0 : i32
    %dma_wait3A_910 = tpu.memref_slice %arg3[%add3A_191, %dma_wait3A_909] : memref<262144x128xf32, #tpu.memory_space<hbm>> -> memref<64x128xf32, #tpu.memory_space<hbm>>
    %dma_wait3A_911 = arith.constant 0 : i32
    %dma_wait3A_912 = tpu.memref_slice %arg3[%add3A_191, %dma_wait3A_911] : memref<262144x128xf32, #tpu.memory_space<hbm>> -> memref<64x128xf32, #tpu.memory_space<hbm>>
    tpu.wait_dma2 semaphore(%arg5 : memref<!tpu.dma_semaphore, #tpu.memory_space<semaphore_mem>>) src(%arg4 : memref<64x128xf32, #tpu.memory_space<vmem>>) dst(%dma_wait3A_912 : memref<64x128xf32, #tpu.memory_space<hbm>>)
    %dma_wait3A_913 = arith.constant 0 : i32
    %dma_wait3A_914 = tpu.memref_slice %arg3[%add3A_197, %dma_wait3A_913] : memref<262144x128xf32, #tpu.memory_space<hbm>> -> memref<64x128xf32, #tpu.memory_space<hbm>>
    %dma_wait3A_915 = arith.constant 0 : i32
    %dma_wait3A_916 = tpu.memref_slice %arg3[%add3A_197, %dma_wait3A_915] : memref<262144x128xf32, #tpu.memory_space<hbm>> -> memref<64x128xf32, #tpu.memory_space<hbm>>
    tpu.wait_dma2 semaphore(%arg5 : memref<!tpu.dma_semaphore, #tpu.memory_space<semaphore_mem>>) src(%arg4 : memref<64x128xf32, #tpu.memory_space<vmem>>) dst(%dma_wait3A_916 : memref<64x128xf32, #tpu.memory_space<hbm>>)
    %dma_wait3A_917 = arith.constant 0 : i32
    %dma_wait3A_918 = tpu.memref_slice %arg3[%add3A_203, %dma_wait3A_917] : memref<262144x128xf32, #tpu.memory_space<hbm>> -> memref<64x128xf32, #tpu.memory_space<hbm>>
    %dma_wait3A_919 = arith.constant 0 : i32
    %dma_wait3A_920 = tpu.memref_slice %arg3[%add3A_203, %dma_wait3A_919] : memref<262144x128xf32, #tpu.memory_space<hbm>> -> memref<64x128xf32, #tpu.memory_space<hbm>>
    tpu.wait_dma2 semaphore(%arg5 : memref<!tpu.dma_semaphore, #tpu.memory_space<semaphore_mem>>) src(%arg4 : memref<64x128xf32, #tpu.memory_space<vmem>>) dst(%dma_wait3A_920 : memref<64x128xf32, #tpu.memory_space<hbm>>)
    %dma_wait3A_921 = arith.constant 0 : i32
    %dma_wait3A_922 = tpu.memref_slice %arg3[%add3A_209, %dma_wait3A_921] : memref<262144x128xf32, #tpu.memory_space<hbm>> -> memref<64x128xf32, #tpu.memory_space<hbm>>
    %dma_wait3A_923 = arith.constant 0 : i32
    %dma_wait3A_924 = tpu.memref_slice %arg3[%add3A_209, %dma_wait3A_923] : memref<262144x128xf32, #tpu.memory_space<hbm>> -> memref<64x128xf32, #tpu.memory_space<hbm>>
    tpu.wait_dma2 semaphore(%arg5 : memref<!tpu.dma_semaphore, #tpu.memory_space<semaphore_mem>>) src(%arg4 : memref<64x128xf32, #tpu.memory_space<vmem>>) dst(%dma_wait3A_924 : memref<64x128xf32, #tpu.memory_space<hbm>>)
    %dma_wait3A_925 = arith.constant 0 : i32
    %dma_wait3A_926 = tpu.memref_slice %arg3[%add3A_215, %dma_wait3A_925] : memref<262144x128xf32, #tpu.memory_space<hbm>> -> memref<64x128xf32, #tpu.memory_space<hbm>>
    %dma_wait3A_927 = arith.constant 0 : i32
    %dma_wait3A_928 = tpu.memref_slice %arg3[%add3A_215, %dma_wait3A_927] : memref<262144x128xf32, #tpu.memory_space<hbm>> -> memref<64x128xf32, #tpu.memory_space<hbm>>
    tpu.wait_dma2 semaphore(%arg5 : memref<!tpu.dma_semaphore, #tpu.memory_space<semaphore_mem>>) src(%arg4 : memref<64x128xf32, #tpu.memory_space<vmem>>) dst(%dma_wait3A_928 : memref<64x128xf32, #tpu.memory_space<hbm>>)
    %dma_wait3A_929 = arith.constant 0 : i32
    %dma_wait3A_930 = tpu.memref_slice %arg3[%add3A_221, %dma_wait3A_929] : memref<262144x128xf32, #tpu.memory_space<hbm>> -> memref<64x128xf32, #tpu.memory_space<hbm>>
    %dma_wait3A_931 = arith.constant 0 : i32
    %dma_wait3A_932 = tpu.memref_slice %arg3[%add3A_221, %dma_wait3A_931] : memref<262144x128xf32, #tpu.memory_space<hbm>> -> memref<64x128xf32, #tpu.memory_space<hbm>>
    tpu.wait_dma2 semaphore(%arg5 : memref<!tpu.dma_semaphore, #tpu.memory_space<semaphore_mem>>) src(%arg4 : memref<64x128xf32, #tpu.memory_space<vmem>>) dst(%dma_wait3A_932 : memref<64x128xf32, #tpu.memory_space<hbm>>)
    %dma_wait3A_933 = arith.constant 0 : i32
    %dma_wait3A_934 = tpu.memref_slice %arg3[%add3A_227, %dma_wait3A_933] : memref<262144x128xf32, #tpu.memory_space<hbm>> -> memref<64x128xf32, #tpu.memory_space<hbm>>
    %dma_wait3A_935 = arith.constant 0 : i32
    %dma_wait3A_936 = tpu.memref_slice %arg3[%add3A_227, %dma_wait3A_935] : memref<262144x128xf32, #tpu.memory_space<hbm>> -> memref<64x128xf32, #tpu.memory_space<hbm>>
    tpu.wait_dma2 semaphore(%arg5 : memref<!tpu.dma_semaphore, #tpu.memory_space<semaphore_mem>>) src(%arg4 : memref<64x128xf32, #tpu.memory_space<vmem>>) dst(%dma_wait3A_936 : memref<64x128xf32, #tpu.memory_space<hbm>>)
    %dma_wait3A_937 = arith.constant 0 : i32
    %dma_wait3A_938 = tpu.memref_slice %arg3[%add3A_233, %dma_wait3A_937] : memref<262144x128xf32, #tpu.memory_space<hbm>> -> memref<64x128xf32, #tpu.memory_space<hbm>>
    %dma_wait3A_939 = arith.constant 0 : i32
    %dma_wait3A_940 = tpu.memref_slice %arg3[%add3A_233, %dma_wait3A_939] : memref<262144x128xf32, #tpu.memory_space<hbm>> -> memref<64x128xf32, #tpu.memory_space<hbm>>
    tpu.wait_dma2 semaphore(%arg5 : memref<!tpu.dma_semaphore, #tpu.memory_space<semaphore_mem>>) src(%arg4 : memref<64x128xf32, #tpu.memory_space<vmem>>) dst(%dma_wait3A_940 : memref<64x128xf32, #tpu.memory_space<hbm>>)
    %dma_wait3A_941 = arith.constant 0 : i32
    %dma_wait3A_942 = tpu.memref_slice %arg3[%add3A_239, %dma_wait3A_941] : memref<262144x128xf32, #tpu.memory_space<hbm>> -> memref<64x128xf32, #tpu.memory_space<hbm>>
    %dma_wait3A_943 = arith.constant 0 : i32
    %dma_wait3A_944 = tpu.memref_slice %arg3[%add3A_239, %dma_wait3A_943] : memref<262144x128xf32, #tpu.memory_space<hbm>> -> memref<64x128xf32, #tpu.memory_space<hbm>>
    tpu.wait_dma2 semaphore(%arg5 : memref<!tpu.dma_semaphore, #tpu.memory_space<semaphore_mem>>) src(%arg4 : memref<64x128xf32, #tpu.memory_space<vmem>>) dst(%dma_wait3A_944 : memref<64x128xf32, #tpu.memory_space<hbm>>)
    %dma_wait3A_945 = arith.constant 0 : i32
    %dma_wait3A_946 = tpu.memref_slice %arg3[%add3A_245, %dma_wait3A_945] : memref<262144x128xf32, #tpu.memory_space<hbm>> -> memref<64x128xf32, #tpu.memory_space<hbm>>
    %dma_wait3A_947 = arith.constant 0 : i32
    %dma_wait3A_948 = tpu.memref_slice %arg3[%add3A_245, %dma_wait3A_947] : memref<262144x128xf32, #tpu.memory_space<hbm>> -> memref<64x128xf32, #tpu.memory_space<hbm>>
    tpu.wait_dma2 semaphore(%arg5 : memref<!tpu.dma_semaphore, #tpu.memory_space<semaphore_mem>>) src(%arg4 : memref<64x128xf32, #tpu.memory_space<vmem>>) dst(%dma_wait3A_948 : memref<64x128xf32, #tpu.memory_space<hbm>>)
    %dma_wait3A_949 = arith.constant 0 : i32
    %dma_wait3A_950 = tpu.memref_slice %arg3[%add3A_251, %dma_wait3A_949] : memref<262144x128xf32, #tpu.memory_space<hbm>> -> memref<64x128xf32, #tpu.memory_space<hbm>>
    %dma_wait3A_951 = arith.constant 0 : i32
    %dma_wait3A_952 = tpu.memref_slice %arg3[%add3A_251, %dma_wait3A_951] : memref<262144x128xf32, #tpu.memory_space<hbm>> -> memref<64x128xf32, #tpu.memory_space<hbm>>
    tpu.wait_dma2 semaphore(%arg5 : memref<!tpu.dma_semaphore, #tpu.memory_space<semaphore_mem>>) src(%arg4 : memref<64x128xf32, #tpu.memory_space<vmem>>) dst(%dma_wait3A_952 : memref<64x128xf32, #tpu.memory_space<hbm>>)
    %dma_wait3A_953 = arith.constant 0 : i32
    %dma_wait3A_954 = tpu.memref_slice %arg3[%add3A_257, %dma_wait3A_953] : memref<262144x128xf32, #tpu.memory_space<hbm>> -> memref<64x128xf32, #tpu.memory_space<hbm>>
    %dma_wait3A_955 = arith.constant 0 : i32
    %dma_wait3A_956 = tpu.memref_slice %arg3[%add3A_257, %dma_wait3A_955] : memref<262144x128xf32, #tpu.memory_space<hbm>> -> memref<64x128xf32, #tpu.memory_space<hbm>>
    tpu.wait_dma2 semaphore(%arg5 : memref<!tpu.dma_semaphore, #tpu.memory_space<semaphore_mem>>) src(%arg4 : memref<64x128xf32, #tpu.memory_space<vmem>>) dst(%dma_wait3A_956 : memref<64x128xf32, #tpu.memory_space<hbm>>)
    %dma_wait3A_957 = arith.constant 0 : i32
    %dma_wait3A_958 = tpu.memref_slice %arg3[%add3A_263, %dma_wait3A_957] : memref<262144x128xf32, #tpu.memory_space<hbm>> -> memref<64x128xf32, #tpu.memory_space<hbm>>
    %dma_wait3A_959 = arith.constant 0 : i32
    %dma_wait3A_960 = tpu.memref_slice %arg3[%add3A_263, %dma_wait3A_959] : memref<262144x128xf32, #tpu.memory_space<hbm>> -> memref<64x128xf32, #tpu.memory_space<hbm>>
    tpu.wait_dma2 semaphore(%arg5 : memref<!tpu.dma_semaphore, #tpu.memory_space<semaphore_mem>>) src(%arg4 : memref<64x128xf32, #tpu.memory_space<vmem>>) dst(%dma_wait3A_960 : memref<64x128xf32, #tpu.memory_space<hbm>>)
    %dma_wait3A_961 = arith.constant 0 : i32
    %dma_wait3A_962 = tpu.memref_slice %arg3[%add3A_269, %dma_wait3A_961] : memref<262144x128xf32, #tpu.memory_space<hbm>> -> memref<64x128xf32, #tpu.memory_space<hbm>>
    %dma_wait3A_963 = arith.constant 0 : i32
    %dma_wait3A_964 = tpu.memref_slice %arg3[%add3A_269, %dma_wait3A_963] : memref<262144x128xf32, #tpu.memory_space<hbm>> -> memref<64x128xf32, #tpu.memory_space<hbm>>
    tpu.wait_dma2 semaphore(%arg5 : memref<!tpu.dma_semaphore, #tpu.memory_space<semaphore_mem>>) src(%arg4 : memref<64x128xf32, #tpu.memory_space<vmem>>) dst(%dma_wait3A_964 : memref<64x128xf32, #tpu.memory_space<hbm>>)
    %dma_wait3A_965 = arith.constant 0 : i32
    %dma_wait3A_966 = tpu.memref_slice %arg3[%add3A_275, %dma_wait3A_965] : memref<262144x128xf32, #tpu.memory_space<hbm>> -> memref<64x128xf32, #tpu.memory_space<hbm>>
    %dma_wait3A_967 = arith.constant 0 : i32
    %dma_wait3A_968 = tpu.memref_slice %arg3[%add3A_275, %dma_wait3A_967] : memref<262144x128xf32, #tpu.memory_space<hbm>> -> memref<64x128xf32, #tpu.memory_space<hbm>>
    tpu.wait_dma2 semaphore(%arg5 : memref<!tpu.dma_semaphore, #tpu.memory_space<semaphore_mem>>) src(%arg4 : memref<64x128xf32, #tpu.memory_space<vmem>>) dst(%dma_wait3A_968 : memref<64x128xf32, #tpu.memory_space<hbm>>)
    %dma_wait3A_969 = arith.constant 0 : i32
    %dma_wait3A_970 = tpu.memref_slice %arg3[%add3A_281, %dma_wait3A_969] : memref<262144x128xf32, #tpu.memory_space<hbm>> -> memref<64x128xf32, #tpu.memory_space<hbm>>
    %dma_wait3A_971 = arith.constant 0 : i32
    %dma_wait3A_972 = tpu.memref_slice %arg3[%add3A_281, %dma_wait3A_971] : memref<262144x128xf32, #tpu.memory_space<hbm>> -> memref<64x128xf32, #tpu.memory_space<hbm>>
    tpu.wait_dma2 semaphore(%arg5 : memref<!tpu.dma_semaphore, #tpu.memory_space<semaphore_mem>>) src(%arg4 : memref<64x128xf32, #tpu.memory_space<vmem>>) dst(%dma_wait3A_972 : memref<64x128xf32, #tpu.memory_space<hbm>>)
    %dma_wait3A_973 = arith.constant 0 : i32
    %dma_wait3A_974 = tpu.memref_slice %arg3[%add3A_287, %dma_wait3A_973] : memref<262144x128xf32, #tpu.memory_space<hbm>> -> memref<64x128xf32, #tpu.memory_space<hbm>>
    %dma_wait3A_975 = arith.constant 0 : i32
    %dma_wait3A_976 = tpu.memref_slice %arg3[%add3A_287, %dma_wait3A_975] : memref<262144x128xf32, #tpu.memory_space<hbm>> -> memref<64x128xf32, #tpu.memory_space<hbm>>
    tpu.wait_dma2 semaphore(%arg5 : memref<!tpu.dma_semaphore, #tpu.memory_space<semaphore_mem>>) src(%arg4 : memref<64x128xf32, #tpu.memory_space<vmem>>) dst(%dma_wait3A_976 : memref<64x128xf32, #tpu.memory_space<hbm>>)
    %dma_wait3A_977 = arith.constant 0 : i32
    %dma_wait3A_978 = tpu.memref_slice %arg3[%add3A_293, %dma_wait3A_977] : memref<262144x128xf32, #tpu.memory_space<hbm>> -> memref<64x128xf32, #tpu.memory_space<hbm>>
    %dma_wait3A_979 = arith.constant 0 : i32
    %dma_wait3A_980 = tpu.memref_slice %arg3[%add3A_293, %dma_wait3A_979] : memref<262144x128xf32, #tpu.memory_space<hbm>> -> memref<64x128xf32, #tpu.memory_space<hbm>>
    tpu.wait_dma2 semaphore(%arg5 : memref<!tpu.dma_semaphore, #tpu.memory_space<semaphore_mem>>) src(%arg4 : memref<64x128xf32, #tpu.memory_space<vmem>>) dst(%dma_wait3A_980 : memref<64x128xf32, #tpu.memory_space<hbm>>)
    %dma_wait3A_981 = arith.constant 0 : i32
    %dma_wait3A_982 = tpu.memref_slice %arg3[%add3A_299, %dma_wait3A_981] : memref<262144x128xf32, #tpu.memory_space<hbm>> -> memref<64x128xf32, #tpu.memory_space<hbm>>
    %dma_wait3A_983 = arith.constant 0 : i32
    %dma_wait3A_984 = tpu.memref_slice %arg3[%add3A_299, %dma_wait3A_983] : memref<262144x128xf32, #tpu.memory_space<hbm>> -> memref<64x128xf32, #tpu.memory_space<hbm>>
    tpu.wait_dma2 semaphore(%arg5 : memref<!tpu.dma_semaphore, #tpu.memory_space<semaphore_mem>>) src(%arg4 : memref<64x128xf32, #tpu.memory_space<vmem>>) dst(%dma_wait3A_984 : memref<64x128xf32, #tpu.memory_space<hbm>>)
    %dma_wait3A_985 = arith.constant 0 : i32
    %dma_wait3A_986 = tpu.memref_slice %arg3[%add3A_305, %dma_wait3A_985] : memref<262144x128xf32, #tpu.memory_space<hbm>> -> memref<64x128xf32, #tpu.memory_space<hbm>>
    %dma_wait3A_987 = arith.constant 0 : i32
    %dma_wait3A_988 = tpu.memref_slice %arg3[%add3A_305, %dma_wait3A_987] : memref<262144x128xf32, #tpu.memory_space<hbm>> -> memref<64x128xf32, #tpu.memory_space<hbm>>
    tpu.wait_dma2 semaphore(%arg5 : memref<!tpu.dma_semaphore, #tpu.memory_space<semaphore_mem>>) src(%arg4 : memref<64x128xf32, #tpu.memory_space<vmem>>) dst(%dma_wait3A_988 : memref<64x128xf32, #tpu.memory_space<hbm>>)
    %dma_wait3A_989 = arith.constant 0 : i32
    %dma_wait3A_990 = tpu.memref_slice %arg3[%add3A_311, %dma_wait3A_989] : memref<262144x128xf32, #tpu.memory_space<hbm>> -> memref<64x128xf32, #tpu.memory_space<hbm>>
    %dma_wait3A_991 = arith.constant 0 : i32
    %dma_wait3A_992 = tpu.memref_slice %arg3[%add3A_311, %dma_wait3A_991] : memref<262144x128xf32, #tpu.memory_space<hbm>> -> memref<64x128xf32, #tpu.memory_space<hbm>>
    tpu.wait_dma2 semaphore(%arg5 : memref<!tpu.dma_semaphore, #tpu.memory_space<semaphore_mem>>) src(%arg4 : memref<64x128xf32, #tpu.memory_space<vmem>>) dst(%dma_wait3A_992 : memref<64x128xf32, #tpu.memory_space<hbm>>)
    %dma_wait3A_993 = arith.constant 0 : i32
    %dma_wait3A_994 = tpu.memref_slice %arg3[%add3A_317, %dma_wait3A_993] : memref<262144x128xf32, #tpu.memory_space<hbm>> -> memref<64x128xf32, #tpu.memory_space<hbm>>
    %dma_wait3A_995 = arith.constant 0 : i32
    %dma_wait3A_996 = tpu.memref_slice %arg3[%add3A_317, %dma_wait3A_995] : memref<262144x128xf32, #tpu.memory_space<hbm>> -> memref<64x128xf32, #tpu.memory_space<hbm>>
    tpu.wait_dma2 semaphore(%arg5 : memref<!tpu.dma_semaphore, #tpu.memory_space<semaphore_mem>>) src(%arg4 : memref<64x128xf32, #tpu.memory_space<vmem>>) dst(%dma_wait3A_996 : memref<64x128xf32, #tpu.memory_space<hbm>>)
    %dma_wait3A_997 = arith.constant 0 : i32
    %dma_wait3A_998 = tpu.memref_slice %arg3[%add3A_323, %dma_wait3A_997] : memref<262144x128xf32, #tpu.memory_space<hbm>> -> memref<64x128xf32, #tpu.memory_space<hbm>>
    %dma_wait3A_999 = arith.constant 0 : i32
    %dma_wait3A_1000 = tpu.memref_slice %arg3[%add3A_323, %dma_wait3A_999] : memref<262144x128xf32, #tpu.memory_space<hbm>> -> memref<64x128xf32, #tpu.memory_space<hbm>>
    tpu.wait_dma2 semaphore(%arg5 : memref<!tpu.dma_semaphore, #tpu.memory_space<semaphore_mem>>) src(%arg4 : memref<64x128xf32, #tpu.memory_space<vmem>>) dst(%dma_wait3A_1000 : memref<64x128xf32, #tpu.memory_space<hbm>>)
    %dma_wait3A_1001 = arith.constant 0 : i32
    %dma_wait3A_1002 = tpu.memref_slice %arg3[%add3A_329, %dma_wait3A_1001] : memref<262144x128xf32, #tpu.memory_space<hbm>> -> memref<64x128xf32, #tpu.memory_space<hbm>>
    %dma_wait3A_1003 = arith.constant 0 : i32
    %dma_wait3A_1004 = tpu.memref_slice %arg3[%add3A_329, %dma_wait3A_1003] : memref<262144x128xf32, #tpu.memory_space<hbm>> -> memref<64x128xf32, #tpu.memory_space<hbm>>
    tpu.wait_dma2 semaphore(%arg5 : memref<!tpu.dma_semaphore, #tpu.memory_space<semaphore_mem>>) src(%arg4 : memref<64x128xf32, #tpu.memory_space<vmem>>) dst(%dma_wait3A_1004 : memref<64x128xf32, #tpu.memory_space<hbm>>)
    %dma_wait3A_1005 = arith.constant 0 : i32
    %dma_wait3A_1006 = tpu.memref_slice %arg3[%add3A_335, %dma_wait3A_1005] : memref<262144x128xf32, #tpu.memory_space<hbm>> -> memref<64x128xf32, #tpu.memory_space<hbm>>
    %dma_wait3A_1007 = arith.constant 0 : i32
    %dma_wait3A_1008 = tpu.memref_slice %arg3[%add3A_335, %dma_wait3A_1007] : memref<262144x128xf32, #tpu.memory_space<hbm>> -> memref<64x128xf32, #tpu.memory_space<hbm>>
    tpu.wait_dma2 semaphore(%arg5 : memref<!tpu.dma_semaphore, #tpu.memory_space<semaphore_mem>>) src(%arg4 : memref<64x128xf32, #tpu.memory_space<vmem>>) dst(%dma_wait3A_1008 : memref<64x128xf32, #tpu.memory_space<hbm>>)
    %dma_wait3A_1009 = arith.constant 0 : i32
    %dma_wait3A_1010 = tpu.memref_slice %arg3[%add3A_341, %dma_wait3A_1009] : memref<262144x128xf32, #tpu.memory_space<hbm>> -> memref<64x128xf32, #tpu.memory_space<hbm>>
    %dma_wait3A_1011 = arith.constant 0 : i32
    %dma_wait3A_1012 = tpu.memref_slice %arg3[%add3A_341, %dma_wait3A_1011] : memref<262144x128xf32, #tpu.memory_space<hbm>> -> memref<64x128xf32, #tpu.memory_space<hbm>>
    tpu.wait_dma2 semaphore(%arg5 : memref<!tpu.dma_semaphore, #tpu.memory_space<semaphore_mem>>) src(%arg4 : memref<64x128xf32, #tpu.memory_space<vmem>>) dst(%dma_wait3A_1012 : memref<64x128xf32, #tpu.memory_space<hbm>>)
    %dma_wait3A_1013 = arith.constant 0 : i32
    %dma_wait3A_1014 = tpu.memref_slice %arg3[%add3A_347, %dma_wait3A_1013] : memref<262144x128xf32, #tpu.memory_space<hbm>> -> memref<64x128xf32, #tpu.memory_space<hbm>>
    %dma_wait3A_1015 = arith.constant 0 : i32
    %dma_wait3A_1016 = tpu.memref_slice %arg3[%add3A_347, %dma_wait3A_1015] : memref<262144x128xf32, #tpu.memory_space<hbm>> -> memref<64x128xf32, #tpu.memory_space<hbm>>
    tpu.wait_dma2 semaphore(%arg5 : memref<!tpu.dma_semaphore, #tpu.memory_space<semaphore_mem>>) src(%arg4 : memref<64x128xf32, #tpu.memory_space<vmem>>) dst(%dma_wait3A_1016 : memref<64x128xf32, #tpu.memory_space<hbm>>)
    %dma_wait3A_1017 = arith.constant 0 : i32
    %dma_wait3A_1018 = tpu.memref_slice %arg3[%add3A_353, %dma_wait3A_1017] : memref<262144x128xf32, #tpu.memory_space<hbm>> -> memref<64x128xf32, #tpu.memory_space<hbm>>
    %dma_wait3A_1019 = arith.constant 0 : i32
    %dma_wait3A_1020 = tpu.memref_slice %arg3[%add3A_353, %dma_wait3A_1019] : memref<262144x128xf32, #tpu.memory_space<hbm>> -> memref<64x128xf32, #tpu.memory_space<hbm>>
    tpu.wait_dma2 semaphore(%arg5 : memref<!tpu.dma_semaphore, #tpu.memory_space<semaphore_mem>>) src(%arg4 : memref<64x128xf32, #tpu.memory_space<vmem>>) dst(%dma_wait3A_1020 : memref<64x128xf32, #tpu.memory_space<hbm>>)
    %dma_wait3A_1021 = arith.constant 0 : i32
    %dma_wait3A_1022 = tpu.memref_slice %arg3[%add3A_359, %dma_wait3A_1021] : memref<262144x128xf32, #tpu.memory_space<hbm>> -> memref<64x128xf32, #tpu.memory_space<hbm>>
    %dma_wait3A_1023 = arith.constant 0 : i32
    %dma_wait3A_1024 = tpu.memref_slice %arg3[%add3A_359, %dma_wait3A_1023] : memref<262144x128xf32, #tpu.memory_space<hbm>> -> memref<64x128xf32, #tpu.memory_space<hbm>>
    tpu.wait_dma2 semaphore(%arg5 : memref<!tpu.dma_semaphore, #tpu.memory_space<semaphore_mem>>) src(%arg4 : memref<64x128xf32, #tpu.memory_space<vmem>>) dst(%dma_wait3A_1024 : memref<64x128xf32, #tpu.memory_space<hbm>>)
    %dma_wait3A_1025 = arith.constant 0 : i32
    %dma_wait3A_1026 = tpu.memref_slice %arg3[%add3A_365, %dma_wait3A_1025] : memref<262144x128xf32, #tpu.memory_space<hbm>> -> memref<64x128xf32, #tpu.memory_space<hbm>>
    %dma_wait3A_1027 = arith.constant 0 : i32
    %dma_wait3A_1028 = tpu.memref_slice %arg3[%add3A_365, %dma_wait3A_1027] : memref<262144x128xf32, #tpu.memory_space<hbm>> -> memref<64x128xf32, #tpu.memory_space<hbm>>
    tpu.wait_dma2 semaphore(%arg5 : memref<!tpu.dma_semaphore, #tpu.memory_space<semaphore_mem>>) src(%arg4 : memref<64x128xf32, #tpu.memory_space<vmem>>) dst(%dma_wait3A_1028 : memref<64x128xf32, #tpu.memory_space<hbm>>)
    %dma_wait3A_1029 = arith.constant 0 : i32
    %dma_wait3A_1030 = tpu.memref_slice %arg3[%add3A_371, %dma_wait3A_1029] : memref<262144x128xf32, #tpu.memory_space<hbm>> -> memref<64x128xf32, #tpu.memory_space<hbm>>
    %dma_wait3A_1031 = arith.constant 0 : i32
    %dma_wait3A_1032 = tpu.memref_slice %arg3[%add3A_371, %dma_wait3A_1031] : memref<262144x128xf32, #tpu.memory_space<hbm>> -> memref<64x128xf32, #tpu.memory_space<hbm>>
    tpu.wait_dma2 semaphore(%arg5 : memref<!tpu.dma_semaphore, #tpu.memory_space<semaphore_mem>>) src(%arg4 : memref<64x128xf32, #tpu.memory_space<vmem>>) dst(%dma_wait3A_1032 : memref<64x128xf32, #tpu.memory_space<hbm>>)
    %dma_wait3A_1033 = arith.constant 0 : i32
    %dma_wait3A_1034 = tpu.memref_slice %arg3[%add3A_377, %dma_wait3A_1033] : memref<262144x128xf32, #tpu.memory_space<hbm>> -> memref<64x128xf32, #tpu.memory_space<hbm>>
    %dma_wait3A_1035 = arith.constant 0 : i32
    %dma_wait3A_1036 = tpu.memref_slice %arg3[%add3A_377, %dma_wait3A_1035] : memref<262144x128xf32, #tpu.memory_space<hbm>> -> memref<64x128xf32, #tpu.memory_space<hbm>>
    tpu.wait_dma2 semaphore(%arg5 : memref<!tpu.dma_semaphore, #tpu.memory_space<semaphore_mem>>) src(%arg4 : memref<64x128xf32, #tpu.memory_space<vmem>>) dst(%dma_wait3A_1036 : memref<64x128xf32, #tpu.memory_space<hbm>>)
    %dma_wait3A_1037 = arith.constant 0 : i32
    %dma_wait3A_1038 = tpu.memref_slice %arg3[%add3A_383, %dma_wait3A_1037] : memref<262144x128xf32, #tpu.memory_space<hbm>> -> memref<64x128xf32, #tpu.memory_space<hbm>>
    %dma_wait3A_1039 = arith.constant 0 : i32
    %dma_wait3A_1040 = tpu.memref_slice %arg3[%add3A_383, %dma_wait3A_1039] : memref<262144x128xf32, #tpu.memory_space<hbm>> -> memref<64x128xf32, #tpu.memory_space<hbm>>
    tpu.wait_dma2 semaphore(%arg5 : memref<!tpu.dma_semaphore, #tpu.memory_space<semaphore_mem>>) src(%arg4 : memref<64x128xf32, #tpu.memory_space<vmem>>) dst(%dma_wait3A_1040 : memref<64x128xf32, #tpu.memory_space<hbm>>)
    %dma_wait3A_1041 = arith.constant 0 : i32
    %dma_wait3A_1042 = tpu.memref_slice %arg3[%add3A_389, %dma_wait3A_1041] : memref<262144x128xf32, #tpu.memory_space<hbm>> -> memref<64x128xf32, #tpu.memory_space<hbm>>
    %dma_wait3A_1043 = arith.constant 0 : i32
    %dma_wait3A_1044 = tpu.memref_slice %arg3[%add3A_389, %dma_wait3A_1043] : memref<262144x128xf32, #tpu.memory_space<hbm>> -> memref<64x128xf32, #tpu.memory_space<hbm>>
    tpu.wait_dma2 semaphore(%arg5 : memref<!tpu.dma_semaphore, #tpu.memory_space<semaphore_mem>>) src(%arg4 : memref<64x128xf32, #tpu.memory_space<vmem>>) dst(%dma_wait3A_1044 : memref<64x128xf32, #tpu.memory_space<hbm>>)
    %dma_wait3A_1045 = arith.constant 0 : i32
    %dma_wait3A_1046 = tpu.memref_slice %arg3[%add3A_395, %dma_wait3A_1045] : memref<262144x128xf32, #tpu.memory_space<hbm>> -> memref<64x128xf32, #tpu.memory_space<hbm>>
    %dma_wait3A_1047 = arith.constant 0 : i32
    %dma_wait3A_1048 = tpu.memref_slice %arg3[%add3A_395, %dma_wait3A_1047] : memref<262144x128xf32, #tpu.memory_space<hbm>> -> memref<64x128xf32, #tpu.memory_space<hbm>>
    tpu.wait_dma2 semaphore(%arg5 : memref<!tpu.dma_semaphore, #tpu.memory_space<semaphore_mem>>) src(%arg4 : memref<64x128xf32, #tpu.memory_space<vmem>>) dst(%dma_wait3A_1048 : memref<64x128xf32, #tpu.memory_space<hbm>>)
    %dma_wait3A_1049 = arith.constant 0 : i32
    %dma_wait3A_1050 = tpu.memref_slice %arg3[%add3A_401, %dma_wait3A_1049] : memref<262144x128xf32, #tpu.memory_space<hbm>> -> memref<64x128xf32, #tpu.memory_space<hbm>>
    %dma_wait3A_1051 = arith.constant 0 : i32
    %dma_wait3A_1052 = tpu.memref_slice %arg3[%add3A_401, %dma_wait3A_1051] : memref<262144x128xf32, #tpu.memory_space<hbm>> -> memref<64x128xf32, #tpu.memory_space<hbm>>
    tpu.wait_dma2 semaphore(%arg5 : memref<!tpu.dma_semaphore, #tpu.memory_space<semaphore_mem>>) src(%arg4 : memref<64x128xf32, #tpu.memory_space<vmem>>) dst(%dma_wait3A_1052 : memref<64x128xf32, #tpu.memory_space<hbm>>)
    %dma_wait3A_1053 = arith.constant 0 : i32
    %dma_wait3A_1054 = tpu.memref_slice %arg3[%add3A_407, %dma_wait3A_1053] : memref<262144x128xf32, #tpu.memory_space<hbm>> -> memref<64x128xf32, #tpu.memory_space<hbm>>
    %dma_wait3A_1055 = arith.constant 0 : i32
    %dma_wait3A_1056 = tpu.memref_slice %arg3[%add3A_407, %dma_wait3A_1055] : memref<262144x128xf32, #tpu.memory_space<hbm>> -> memref<64x128xf32, #tpu.memory_space<hbm>>
    tpu.wait_dma2 semaphore(%arg5 : memref<!tpu.dma_semaphore, #tpu.memory_space<semaphore_mem>>) src(%arg4 : memref<64x128xf32, #tpu.memory_space<vmem>>) dst(%dma_wait3A_1056 : memref<64x128xf32, #tpu.memory_space<hbm>>)
    %dma_wait3A_1057 = arith.constant 0 : i32
    %dma_wait3A_1058 = tpu.memref_slice %arg3[%add3A_413, %dma_wait3A_1057] : memref<262144x128xf32, #tpu.memory_space<hbm>> -> memref<64x128xf32, #tpu.memory_space<hbm>>
    %dma_wait3A_1059 = arith.constant 0 : i32
    %dma_wait3A_1060 = tpu.memref_slice %arg3[%add3A_413, %dma_wait3A_1059] : memref<262144x128xf32, #tpu.memory_space<hbm>> -> memref<64x128xf32, #tpu.memory_space<hbm>>
    tpu.wait_dma2 semaphore(%arg5 : memref<!tpu.dma_semaphore, #tpu.memory_space<semaphore_mem>>) src(%arg4 : memref<64x128xf32, #tpu.memory_space<vmem>>) dst(%dma_wait3A_1060 : memref<64x128xf32, #tpu.memory_space<hbm>>)
    %dma_wait3A_1061 = arith.constant 0 : i32
    %dma_wait3A_1062 = tpu.memref_slice %arg3[%add3A_419, %dma_wait3A_1061] : memref<262144x128xf32, #tpu.memory_space<hbm>> -> memref<64x128xf32, #tpu.memory_space<hbm>>
    %dma_wait3A_1063 = arith.constant 0 : i32
    %dma_wait3A_1064 = tpu.memref_slice %arg3[%add3A_419, %dma_wait3A_1063] : memref<262144x128xf32, #tpu.memory_space<hbm>> -> memref<64x128xf32, #tpu.memory_space<hbm>>
    tpu.wait_dma2 semaphore(%arg5 : memref<!tpu.dma_semaphore, #tpu.memory_space<semaphore_mem>>) src(%arg4 : memref<64x128xf32, #tpu.memory_space<vmem>>) dst(%dma_wait3A_1064 : memref<64x128xf32, #tpu.memory_space<hbm>>)
    %dma_wait3A_1065 = arith.constant 0 : i32
    %dma_wait3A_1066 = tpu.memref_slice %arg3[%add3A_425, %dma_wait3A_1065] : memref<262144x128xf32, #tpu.memory_space<hbm>> -> memref<64x128xf32, #tpu.memory_space<hbm>>
    %dma_wait3A_1067 = arith.constant 0 : i32
    %dma_wait3A_1068 = tpu.memref_slice %arg3[%add3A_425, %dma_wait3A_1067] : memref<262144x128xf32, #tpu.memory_space<hbm>> -> memref<64x128xf32, #tpu.memory_space<hbm>>
    tpu.wait_dma2 semaphore(%arg5 : memref<!tpu.dma_semaphore, #tpu.memory_space<semaphore_mem>>) src(%arg4 : memref<64x128xf32, #tpu.memory_space<vmem>>) dst(%dma_wait3A_1068 : memref<64x128xf32, #tpu.memory_space<hbm>>)
    %dma_wait3A_1069 = arith.constant 0 : i32
    %dma_wait3A_1070 = tpu.memref_slice %arg3[%add3A_431, %dma_wait3A_1069] : memref<262144x128xf32, #tpu.memory_space<hbm>> -> memref<64x128xf32, #tpu.memory_space<hbm>>
    %dma_wait3A_1071 = arith.constant 0 : i32
    %dma_wait3A_1072 = tpu.memref_slice %arg3[%add3A_431, %dma_wait3A_1071] : memref<262144x128xf32, #tpu.memory_space<hbm>> -> memref<64x128xf32, #tpu.memory_space<hbm>>
    tpu.wait_dma2 semaphore(%arg5 : memref<!tpu.dma_semaphore, #tpu.memory_space<semaphore_mem>>) src(%arg4 : memref<64x128xf32, #tpu.memory_space<vmem>>) dst(%dma_wait3A_1072 : memref<64x128xf32, #tpu.memory_space<hbm>>)
    %dma_wait3A_1073 = arith.constant 0 : i32
    %dma_wait3A_1074 = tpu.memref_slice %arg3[%add3A_437, %dma_wait3A_1073] : memref<262144x128xf32, #tpu.memory_space<hbm>> -> memref<64x128xf32, #tpu.memory_space<hbm>>
    %dma_wait3A_1075 = arith.constant 0 : i32
    %dma_wait3A_1076 = tpu.memref_slice %arg3[%add3A_437, %dma_wait3A_1075] : memref<262144x128xf32, #tpu.memory_space<hbm>> -> memref<64x128xf32, #tpu.memory_space<hbm>>
    tpu.wait_dma2 semaphore(%arg5 : memref<!tpu.dma_semaphore, #tpu.memory_space<semaphore_mem>>) src(%arg4 : memref<64x128xf32, #tpu.memory_space<vmem>>) dst(%dma_wait3A_1076 : memref<64x128xf32, #tpu.memory_space<hbm>>)
    %dma_wait3A_1077 = arith.constant 0 : i32
    %dma_wait3A_1078 = tpu.memref_slice %arg3[%add3A_443, %dma_wait3A_1077] : memref<262144x128xf32, #tpu.memory_space<hbm>> -> memref<64x128xf32, #tpu.memory_space<hbm>>
    %dma_wait3A_1079 = arith.constant 0 : i32
    %dma_wait3A_1080 = tpu.memref_slice %arg3[%add3A_443, %dma_wait3A_1079] : memref<262144x128xf32, #tpu.memory_space<hbm>> -> memref<64x128xf32, #tpu.memory_space<hbm>>
    tpu.wait_dma2 semaphore(%arg5 : memref<!tpu.dma_semaphore, #tpu.memory_space<semaphore_mem>>) src(%arg4 : memref<64x128xf32, #tpu.memory_space<vmem>>) dst(%dma_wait3A_1080 : memref<64x128xf32, #tpu.memory_space<hbm>>)
    %dma_wait3A_1081 = arith.constant 0 : i32
    %dma_wait3A_1082 = tpu.memref_slice %arg3[%add3A_449, %dma_wait3A_1081] : memref<262144x128xf32, #tpu.memory_space<hbm>> -> memref<64x128xf32, #tpu.memory_space<hbm>>
    %dma_wait3A_1083 = arith.constant 0 : i32
    %dma_wait3A_1084 = tpu.memref_slice %arg3[%add3A_449, %dma_wait3A_1083] : memref<262144x128xf32, #tpu.memory_space<hbm>> -> memref<64x128xf32, #tpu.memory_space<hbm>>
    tpu.wait_dma2 semaphore(%arg5 : memref<!tpu.dma_semaphore, #tpu.memory_space<semaphore_mem>>) src(%arg4 : memref<64x128xf32, #tpu.memory_space<vmem>>) dst(%dma_wait3A_1084 : memref<64x128xf32, #tpu.memory_space<hbm>>)
    %dma_wait3A_1085 = arith.constant 0 : i32
    %dma_wait3A_1086 = tpu.memref_slice %arg3[%add3A_455, %dma_wait3A_1085] : memref<262144x128xf32, #tpu.memory_space<hbm>> -> memref<64x128xf32, #tpu.memory_space<hbm>>
    %dma_wait3A_1087 = arith.constant 0 : i32
    %dma_wait3A_1088 = tpu.memref_slice %arg3[%add3A_455, %dma_wait3A_1087] : memref<262144x128xf32, #tpu.memory_space<hbm>> -> memref<64x128xf32, #tpu.memory_space<hbm>>
    tpu.wait_dma2 semaphore(%arg5 : memref<!tpu.dma_semaphore, #tpu.memory_space<semaphore_mem>>) src(%arg4 : memref<64x128xf32, #tpu.memory_space<vmem>>) dst(%dma_wait3A_1088 : memref<64x128xf32, #tpu.memory_space<hbm>>)
    %dma_wait3A_1089 = arith.constant 0 : i32
    %dma_wait3A_1090 = tpu.memref_slice %arg3[%add3A_461, %dma_wait3A_1089] : memref<262144x128xf32, #tpu.memory_space<hbm>> -> memref<64x128xf32, #tpu.memory_space<hbm>>
    %dma_wait3A_1091 = arith.constant 0 : i32
    %dma_wait3A_1092 = tpu.memref_slice %arg3[%add3A_461, %dma_wait3A_1091] : memref<262144x128xf32, #tpu.memory_space<hbm>> -> memref<64x128xf32, #tpu.memory_space<hbm>>
    tpu.wait_dma2 semaphore(%arg5 : memref<!tpu.dma_semaphore, #tpu.memory_space<semaphore_mem>>) src(%arg4 : memref<64x128xf32, #tpu.memory_space<vmem>>) dst(%dma_wait3A_1092 : memref<64x128xf32, #tpu.memory_space<hbm>>)
    %dma_wait3A_1093 = arith.constant 0 : i32
    %dma_wait3A_1094 = tpu.memref_slice %arg3[%add3A_467, %dma_wait3A_1093] : memref<262144x128xf32, #tpu.memory_space<hbm>> -> memref<64x128xf32, #tpu.memory_space<hbm>>
    %dma_wait3A_1095 = arith.constant 0 : i32
    %dma_wait3A_1096 = tpu.memref_slice %arg3[%add3A_467, %dma_wait3A_1095] : memref<262144x128xf32, #tpu.memory_space<hbm>> -> memref<64x128xf32, #tpu.memory_space<hbm>>
    tpu.wait_dma2 semaphore(%arg5 : memref<!tpu.dma_semaphore, #tpu.memory_space<semaphore_mem>>) src(%arg4 : memref<64x128xf32, #tpu.memory_space<vmem>>) dst(%dma_wait3A_1096 : memref<64x128xf32, #tpu.memory_space<hbm>>)
    %dma_wait3A_1097 = arith.constant 0 : i32
    %dma_wait3A_1098 = tpu.memref_slice %arg3[%add3A_473, %dma_wait3A_1097] : memref<262144x128xf32, #tpu.memory_space<hbm>> -> memref<64x128xf32, #tpu.memory_space<hbm>>
    %dma_wait3A_1099 = arith.constant 0 : i32
    %dma_wait3A_1100 = tpu.memref_slice %arg3[%add3A_473, %dma_wait3A_1099] : memref<262144x128xf32, #tpu.memory_space<hbm>> -> memref<64x128xf32, #tpu.memory_space<hbm>>
    tpu.wait_dma2 semaphore(%arg5 : memref<!tpu.dma_semaphore, #tpu.memory_space<semaphore_mem>>) src(%arg4 : memref<64x128xf32, #tpu.memory_space<vmem>>) dst(%dma_wait3A_1100 : memref<64x128xf32, #tpu.memory_space<hbm>>)
    %dma_wait3A_1101 = arith.constant 0 : i32
    %dma_wait3A_1102 = tpu.memref_slice %arg3[%add3A_479, %dma_wait3A_1101] : memref<262144x128xf32, #tpu.memory_space<hbm>> -> memref<64x128xf32, #tpu.memory_space<hbm>>
    %dma_wait3A_1103 = arith.constant 0 : i32
    %dma_wait3A_1104 = tpu.memref_slice %arg3[%add3A_479, %dma_wait3A_1103] : memref<262144x128xf32, #tpu.memory_space<hbm>> -> memref<64x128xf32, #tpu.memory_space<hbm>>
    tpu.wait_dma2 semaphore(%arg5 : memref<!tpu.dma_semaphore, #tpu.memory_space<semaphore_mem>>) src(%arg4 : memref<64x128xf32, #tpu.memory_space<vmem>>) dst(%dma_wait3A_1104 : memref<64x128xf32, #tpu.memory_space<hbm>>)
    %dma_wait3A_1105 = arith.constant 0 : i32
    %dma_wait3A_1106 = tpu.memref_slice %arg3[%add3A_485, %dma_wait3A_1105] : memref<262144x128xf32, #tpu.memory_space<hbm>> -> memref<64x128xf32, #tpu.memory_space<hbm>>
    %dma_wait3A_1107 = arith.constant 0 : i32
    %dma_wait3A_1108 = tpu.memref_slice %arg3[%add3A_485, %dma_wait3A_1107] : memref<262144x128xf32, #tpu.memory_space<hbm>> -> memref<64x128xf32, #tpu.memory_space<hbm>>
    tpu.wait_dma2 semaphore(%arg5 : memref<!tpu.dma_semaphore, #tpu.memory_space<semaphore_mem>>) src(%arg4 : memref<64x128xf32, #tpu.memory_space<vmem>>) dst(%dma_wait3A_1108 : memref<64x128xf32, #tpu.memory_space<hbm>>)
    %dma_wait3A_1109 = arith.constant 0 : i32
    %dma_wait3A_1110 = tpu.memref_slice %arg3[%add3A_491, %dma_wait3A_1109] : memref<262144x128xf32, #tpu.memory_space<hbm>> -> memref<64x128xf32, #tpu.memory_space<hbm>>
    %dma_wait3A_1111 = arith.constant 0 : i32
    %dma_wait3A_1112 = tpu.memref_slice %arg3[%add3A_491, %dma_wait3A_1111] : memref<262144x128xf32, #tpu.memory_space<hbm>> -> memref<64x128xf32, #tpu.memory_space<hbm>>
    tpu.wait_dma2 semaphore(%arg5 : memref<!tpu.dma_semaphore, #tpu.memory_space<semaphore_mem>>) src(%arg4 : memref<64x128xf32, #tpu.memory_space<vmem>>) dst(%dma_wait3A_1112 : memref<64x128xf32, #tpu.memory_space<hbm>>)
    %dma_wait3A_1113 = arith.constant 0 : i32
    %dma_wait3A_1114 = tpu.memref_slice %arg3[%add3A_497, %dma_wait3A_1113] : memref<262144x128xf32, #tpu.memory_space<hbm>> -> memref<64x128xf32, #tpu.memory_space<hbm>>
    %dma_wait3A_1115 = arith.constant 0 : i32
    %dma_wait3A_1116 = tpu.memref_slice %arg3[%add3A_497, %dma_wait3A_1115] : memref<262144x128xf32, #tpu.memory_space<hbm>> -> memref<64x128xf32, #tpu.memory_space<hbm>>
    tpu.wait_dma2 semaphore(%arg5 : memref<!tpu.dma_semaphore, #tpu.memory_space<semaphore_mem>>) src(%arg4 : memref<64x128xf32, #tpu.memory_space<vmem>>) dst(%dma_wait3A_1116 : memref<64x128xf32, #tpu.memory_space<hbm>>)
    %dma_wait3A_1117 = arith.constant 0 : i32
    %dma_wait3A_1118 = tpu.memref_slice %arg3[%add3A_503, %dma_wait3A_1117] : memref<262144x128xf32, #tpu.memory_space<hbm>> -> memref<64x128xf32, #tpu.memory_space<hbm>>
    %dma_wait3A_1119 = arith.constant 0 : i32
    %dma_wait3A_1120 = tpu.memref_slice %arg3[%add3A_503, %dma_wait3A_1119] : memref<262144x128xf32, #tpu.memory_space<hbm>> -> memref<64x128xf32, #tpu.memory_space<hbm>>
    tpu.wait_dma2 semaphore(%arg5 : memref<!tpu.dma_semaphore, #tpu.memory_space<semaphore_mem>>) src(%arg4 : memref<64x128xf32, #tpu.memory_space<vmem>>) dst(%dma_wait3A_1120 : memref<64x128xf32, #tpu.memory_space<hbm>>)
    %dma_wait3A_1121 = arith.constant 0 : i32
    %dma_wait3A_1122 = tpu.memref_slice %arg3[%add3A_509, %dma_wait3A_1121] : memref<262144x128xf32, #tpu.memory_space<hbm>> -> memref<64x128xf32, #tpu.memory_space<hbm>>
    %dma_wait3A_1123 = arith.constant 0 : i32
    %dma_wait3A_1124 = tpu.memref_slice %arg3[%add3A_509, %dma_wait3A_1123] : memref<262144x128xf32, #tpu.memory_space<hbm>> -> memref<64x128xf32, #tpu.memory_space<hbm>>
    tpu.wait_dma2 semaphore(%arg5 : memref<!tpu.dma_semaphore, #tpu.memory_space<semaphore_mem>>) src(%arg4 : memref<64x128xf32, #tpu.memory_space<vmem>>) dst(%dma_wait3A_1124 : memref<64x128xf32, #tpu.memory_space<hbm>>)
    %dma_wait3A_1125 = arith.constant 0 : i32
    %dma_wait3A_1126 = tpu.memref_slice %arg3[%add3A_515, %dma_wait3A_1125] : memref<262144x128xf32, #tpu.memory_space<hbm>> -> memref<64x128xf32, #tpu.memory_space<hbm>>
    %dma_wait3A_1127 = arith.constant 0 : i32
    %dma_wait3A_1128 = tpu.memref_slice %arg3[%add3A_515, %dma_wait3A_1127] : memref<262144x128xf32, #tpu.memory_space<hbm>> -> memref<64x128xf32, #tpu.memory_space<hbm>>
    tpu.wait_dma2 semaphore(%arg5 : memref<!tpu.dma_semaphore, #tpu.memory_space<semaphore_mem>>) src(%arg4 : memref<64x128xf32, #tpu.memory_space<vmem>>) dst(%dma_wait3A_1128 : memref<64x128xf32, #tpu.memory_space<hbm>>)
    %dma_wait3A_1129 = arith.constant 0 : i32
    %dma_wait3A_1130 = tpu.memref_slice %arg3[%add3A_521, %dma_wait3A_1129] : memref<262144x128xf32, #tpu.memory_space<hbm>> -> memref<64x128xf32, #tpu.memory_space<hbm>>
    %dma_wait3A_1131 = arith.constant 0 : i32
    %dma_wait3A_1132 = tpu.memref_slice %arg3[%add3A_521, %dma_wait3A_1131] : memref<262144x128xf32, #tpu.memory_space<hbm>> -> memref<64x128xf32, #tpu.memory_space<hbm>>
    tpu.wait_dma2 semaphore(%arg5 : memref<!tpu.dma_semaphore, #tpu.memory_space<semaphore_mem>>) src(%arg4 : memref<64x128xf32, #tpu.memory_space<vmem>>) dst(%dma_wait3A_1132 : memref<64x128xf32, #tpu.memory_space<hbm>>)
    %dma_wait3A_1133 = arith.constant 0 : i32
    %dma_wait3A_1134 = tpu.memref_slice %arg3[%add3A_527, %dma_wait3A_1133] : memref<262144x128xf32, #tpu.memory_space<hbm>> -> memref<64x128xf32, #tpu.memory_space<hbm>>
    %dma_wait3A_1135 = arith.constant 0 : i32
    %dma_wait3A_1136 = tpu.memref_slice %arg3[%add3A_527, %dma_wait3A_1135] : memref<262144x128xf32, #tpu.memory_space<hbm>> -> memref<64x128xf32, #tpu.memory_space<hbm>>
    tpu.wait_dma2 semaphore(%arg5 : memref<!tpu.dma_semaphore, #tpu.memory_space<semaphore_mem>>) src(%arg4 : memref<64x128xf32, #tpu.memory_space<vmem>>) dst(%dma_wait3A_1136 : memref<64x128xf32, #tpu.memory_space<hbm>>)
    %dma_wait3A_1137 = arith.constant 0 : i32
    %dma_wait3A_1138 = tpu.memref_slice %arg3[%add3A_533, %dma_wait3A_1137] : memref<262144x128xf32, #tpu.memory_space<hbm>> -> memref<64x128xf32, #tpu.memory_space<hbm>>
    %dma_wait3A_1139 = arith.constant 0 : i32
    %dma_wait3A_1140 = tpu.memref_slice %arg3[%add3A_533, %dma_wait3A_1139] : memref<262144x128xf32, #tpu.memory_space<hbm>> -> memref<64x128xf32, #tpu.memory_space<hbm>>
    tpu.wait_dma2 semaphore(%arg5 : memref<!tpu.dma_semaphore, #tpu.memory_space<semaphore_mem>>) src(%arg4 : memref<64x128xf32, #tpu.memory_space<vmem>>) dst(%dma_wait3A_1140 : memref<64x128xf32, #tpu.memory_space<hbm>>)
    %dma_wait3A_1141 = arith.constant 0 : i32
    %dma_wait3A_1142 = tpu.memref_slice %arg3[%add3A_539, %dma_wait3A_1141] : memref<262144x128xf32, #tpu.memory_space<hbm>> -> memref<64x128xf32, #tpu.memory_space<hbm>>
    %dma_wait3A_1143 = arith.constant 0 : i32
    %dma_wait3A_1144 = tpu.memref_slice %arg3[%add3A_539, %dma_wait3A_1143] : memref<262144x128xf32, #tpu.memory_space<hbm>> -> memref<64x128xf32, #tpu.memory_space<hbm>>
    tpu.wait_dma2 semaphore(%arg5 : memref<!tpu.dma_semaphore, #tpu.memory_space<semaphore_mem>>) src(%arg4 : memref<64x128xf32, #tpu.memory_space<vmem>>) dst(%dma_wait3A_1144 : memref<64x128xf32, #tpu.memory_space<hbm>>)
    %dma_wait3A_1145 = arith.constant 0 : i32
    %dma_wait3A_1146 = tpu.memref_slice %arg3[%add3A_545, %dma_wait3A_1145] : memref<262144x128xf32, #tpu.memory_space<hbm>> -> memref<64x128xf32, #tpu.memory_space<hbm>>
    %dma_wait3A_1147 = arith.constant 0 : i32
    %dma_wait3A_1148 = tpu.memref_slice %arg3[%add3A_545, %dma_wait3A_1147] : memref<262144x128xf32, #tpu.memory_space<hbm>> -> memref<64x128xf32, #tpu.memory_space<hbm>>
    tpu.wait_dma2 semaphore(%arg5 : memref<!tpu.dma_semaphore, #tpu.memory_space<semaphore_mem>>) src(%arg4 : memref<64x128xf32, #tpu.memory_space<vmem>>) dst(%dma_wait3A_1148 : memref<64x128xf32, #tpu.memory_space<hbm>>)
    %dma_wait3A_1149 = arith.constant 0 : i32
    %dma_wait3A_1150 = tpu.memref_slice %arg3[%add3A_551, %dma_wait3A_1149] : memref<262144x128xf32, #tpu.memory_space<hbm>> -> memref<64x128xf32, #tpu.memory_space<hbm>>
    %dma_wait3A_1151 = arith.constant 0 : i32
    %dma_wait3A_1152 = tpu.memref_slice %arg3[%add3A_551, %dma_wait3A_1151] : memref<262144x128xf32, #tpu.memory_space<hbm>> -> memref<64x128xf32, #tpu.memory_space<hbm>>
    tpu.wait_dma2 semaphore(%arg5 : memref<!tpu.dma_semaphore, #tpu.memory_space<semaphore_mem>>) src(%arg4 : memref<64x128xf32, #tpu.memory_space<vmem>>) dst(%dma_wait3A_1152 : memref<64x128xf32, #tpu.memory_space<hbm>>)
    %dma_wait3A_1153 = arith.constant 0 : i32
    %dma_wait3A_1154 = tpu.memref_slice %arg3[%add3A_557, %dma_wait3A_1153] : memref<262144x128xf32, #tpu.memory_space<hbm>> -> memref<64x128xf32, #tpu.memory_space<hbm>>
    %dma_wait3A_1155 = arith.constant 0 : i32
    %dma_wait3A_1156 = tpu.memref_slice %arg3[%add3A_557, %dma_wait3A_1155] : memref<262144x128xf32, #tpu.memory_space<hbm>> -> memref<64x128xf32, #tpu.memory_space<hbm>>
    tpu.wait_dma2 semaphore(%arg5 : memref<!tpu.dma_semaphore, #tpu.memory_space<semaphore_mem>>) src(%arg4 : memref<64x128xf32, #tpu.memory_space<vmem>>) dst(%dma_wait3A_1156 : memref<64x128xf32, #tpu.memory_space<hbm>>)
    %dma_wait3A_1157 = arith.constant 0 : i32
    %dma_wait3A_1158 = tpu.memref_slice %arg3[%add3A_563, %dma_wait3A_1157] : memref<262144x128xf32, #tpu.memory_space<hbm>> -> memref<64x128xf32, #tpu.memory_space<hbm>>
    %dma_wait3A_1159 = arith.constant 0 : i32
    %dma_wait3A_1160 = tpu.memref_slice %arg3[%add3A_563, %dma_wait3A_1159] : memref<262144x128xf32, #tpu.memory_space<hbm>> -> memref<64x128xf32, #tpu.memory_space<hbm>>
    tpu.wait_dma2 semaphore(%arg5 : memref<!tpu.dma_semaphore, #tpu.memory_space<semaphore_mem>>) src(%arg4 : memref<64x128xf32, #tpu.memory_space<vmem>>) dst(%dma_wait3A_1160 : memref<64x128xf32, #tpu.memory_space<hbm>>)
    %dma_wait3A_1161 = arith.constant 0 : i32
    %dma_wait3A_1162 = tpu.memref_slice %arg3[%add3A_569, %dma_wait3A_1161] : memref<262144x128xf32, #tpu.memory_space<hbm>> -> memref<64x128xf32, #tpu.memory_space<hbm>>
    %dma_wait3A_1163 = arith.constant 0 : i32
    %dma_wait3A_1164 = tpu.memref_slice %arg3[%add3A_569, %dma_wait3A_1163] : memref<262144x128xf32, #tpu.memory_space<hbm>> -> memref<64x128xf32, #tpu.memory_space<hbm>>
    tpu.wait_dma2 semaphore(%arg5 : memref<!tpu.dma_semaphore, #tpu.memory_space<semaphore_mem>>) src(%arg4 : memref<64x128xf32, #tpu.memory_space<vmem>>) dst(%dma_wait3A_1164 : memref<64x128xf32, #tpu.memory_space<hbm>>)
    %dma_wait3A_1165 = arith.constant 0 : i32
    %dma_wait3A_1166 = tpu.memref_slice %arg3[%add3A_575, %dma_wait3A_1165] : memref<262144x128xf32, #tpu.memory_space<hbm>> -> memref<64x128xf32, #tpu.memory_space<hbm>>
    %dma_wait3A_1167 = arith.constant 0 : i32
    %dma_wait3A_1168 = tpu.memref_slice %arg3[%add3A_575, %dma_wait3A_1167] : memref<262144x128xf32, #tpu.memory_space<hbm>> -> memref<64x128xf32, #tpu.memory_space<hbm>>
    tpu.wait_dma2 semaphore(%arg5 : memref<!tpu.dma_semaphore, #tpu.memory_space<semaphore_mem>>) src(%arg4 : memref<64x128xf32, #tpu.memory_space<vmem>>) dst(%dma_wait3A_1168 : memref<64x128xf32, #tpu.memory_space<hbm>>)
    %dma_wait3A_1169 = arith.constant 0 : i32
    %dma_wait3A_1170 = tpu.memref_slice %arg3[%add3A_581, %dma_wait3A_1169] : memref<262144x128xf32, #tpu.memory_space<hbm>> -> memref<64x128xf32, #tpu.memory_space<hbm>>
    %dma_wait3A_1171 = arith.constant 0 : i32
    %dma_wait3A_1172 = tpu.memref_slice %arg3[%add3A_581, %dma_wait3A_1171] : memref<262144x128xf32, #tpu.memory_space<hbm>> -> memref<64x128xf32, #tpu.memory_space<hbm>>
    tpu.wait_dma2 semaphore(%arg5 : memref<!tpu.dma_semaphore, #tpu.memory_space<semaphore_mem>>) src(%arg4 : memref<64x128xf32, #tpu.memory_space<vmem>>) dst(%dma_wait3A_1172 : memref<64x128xf32, #tpu.memory_space<hbm>>)
    %dma_wait3A_1173 = arith.constant 0 : i32
    %dma_wait3A_1174 = tpu.memref_slice %arg3[%add3A_587, %dma_wait3A_1173] : memref<262144x128xf32, #tpu.memory_space<hbm>> -> memref<64x128xf32, #tpu.memory_space<hbm>>
    %dma_wait3A_1175 = arith.constant 0 : i32
    %dma_wait3A_1176 = tpu.memref_slice %arg3[%add3A_587, %dma_wait3A_1175] : memref<262144x128xf32, #tpu.memory_space<hbm>> -> memref<64x128xf32, #tpu.memory_space<hbm>>
    tpu.wait_dma2 semaphore(%arg5 : memref<!tpu.dma_semaphore, #tpu.memory_space<semaphore_mem>>) src(%arg4 : memref<64x128xf32, #tpu.memory_space<vmem>>) dst(%dma_wait3A_1176 : memref<64x128xf32, #tpu.memory_space<hbm>>)
    %dma_wait3A_1177 = arith.constant 0 : i32
    %dma_wait3A_1178 = tpu.memref_slice %arg3[%add3A_593, %dma_wait3A_1177] : memref<262144x128xf32, #tpu.memory_space<hbm>> -> memref<64x128xf32, #tpu.memory_space<hbm>>
    %dma_wait3A_1179 = arith.constant 0 : i32
    %dma_wait3A_1180 = tpu.memref_slice %arg3[%add3A_593, %dma_wait3A_1179] : memref<262144x128xf32, #tpu.memory_space<hbm>> -> memref<64x128xf32, #tpu.memory_space<hbm>>
    tpu.wait_dma2 semaphore(%arg5 : memref<!tpu.dma_semaphore, #tpu.memory_space<semaphore_mem>>) src(%arg4 : memref<64x128xf32, #tpu.memory_space<vmem>>) dst(%dma_wait3A_1180 : memref<64x128xf32, #tpu.memory_space<hbm>>)
    %dma_wait3A_1181 = arith.constant 0 : i32
    %dma_wait3A_1182 = tpu.memref_slice %arg3[%add3A_599, %dma_wait3A_1181] : memref<262144x128xf32, #tpu.memory_space<hbm>> -> memref<64x128xf32, #tpu.memory_space<hbm>>
    %dma_wait3A_1183 = arith.constant 0 : i32
    %dma_wait3A_1184 = tpu.memref_slice %arg3[%add3A_599, %dma_wait3A_1183] : memref<262144x128xf32, #tpu.memory_space<hbm>> -> memref<64x128xf32, #tpu.memory_space<hbm>>
    tpu.wait_dma2 semaphore(%arg5 : memref<!tpu.dma_semaphore, #tpu.memory_space<semaphore_mem>>) src(%arg4 : memref<64x128xf32, #tpu.memory_space<vmem>>) dst(%dma_wait3A_1184 : memref<64x128xf32, #tpu.memory_space<hbm>>)
    %dma_wait3A_1185 = arith.constant 0 : i32
    %dma_wait3A_1186 = tpu.memref_slice %arg3[%add3A_605, %dma_wait3A_1185] : memref<262144x128xf32, #tpu.memory_space<hbm>> -> memref<64x128xf32, #tpu.memory_space<hbm>>
    %dma_wait3A_1187 = arith.constant 0 : i32
    %dma_wait3A_1188 = tpu.memref_slice %arg3[%add3A_605, %dma_wait3A_1187] : memref<262144x128xf32, #tpu.memory_space<hbm>> -> memref<64x128xf32, #tpu.memory_space<hbm>>
    tpu.wait_dma2 semaphore(%arg5 : memref<!tpu.dma_semaphore, #tpu.memory_space<semaphore_mem>>) src(%arg4 : memref<64x128xf32, #tpu.memory_space<vmem>>) dst(%dma_wait3A_1188 : memref<64x128xf32, #tpu.memory_space<hbm>>)
    %dma_wait3A_1189 = arith.constant 0 : i32
    %dma_wait3A_1190 = tpu.memref_slice %arg3[%add3A_611, %dma_wait3A_1189] : memref<262144x128xf32, #tpu.memory_space<hbm>> -> memref<64x128xf32, #tpu.memory_space<hbm>>
    %dma_wait3A_1191 = arith.constant 0 : i32
    %dma_wait3A_1192 = tpu.memref_slice %arg3[%add3A_611, %dma_wait3A_1191] : memref<262144x128xf32, #tpu.memory_space<hbm>> -> memref<64x128xf32, #tpu.memory_space<hbm>>
    tpu.wait_dma2 semaphore(%arg5 : memref<!tpu.dma_semaphore, #tpu.memory_space<semaphore_mem>>) src(%arg4 : memref<64x128xf32, #tpu.memory_space<vmem>>) dst(%dma_wait3A_1192 : memref<64x128xf32, #tpu.memory_space<hbm>>)
    %dma_wait3A_1193 = arith.constant 0 : i32
    %dma_wait3A_1194 = tpu.memref_slice %arg3[%add3A_617, %dma_wait3A_1193] : memref<262144x128xf32, #tpu.memory_space<hbm>> -> memref<64x128xf32, #tpu.memory_space<hbm>>
    %dma_wait3A_1195 = arith.constant 0 : i32
    %dma_wait3A_1196 = tpu.memref_slice %arg3[%add3A_617, %dma_wait3A_1195] : memref<262144x128xf32, #tpu.memory_space<hbm>> -> memref<64x128xf32, #tpu.memory_space<hbm>>
    tpu.wait_dma2 semaphore(%arg5 : memref<!tpu.dma_semaphore, #tpu.memory_space<semaphore_mem>>) src(%arg4 : memref<64x128xf32, #tpu.memory_space<vmem>>) dst(%dma_wait3A_1196 : memref<64x128xf32, #tpu.memory_space<hbm>>)
    %dma_wait3A_1197 = arith.constant 0 : i32
    %dma_wait3A_1198 = tpu.memref_slice %arg3[%add3A_623, %dma_wait3A_1197] : memref<262144x128xf32, #tpu.memory_space<hbm>> -> memref<64x128xf32, #tpu.memory_space<hbm>>
    %dma_wait3A_1199 = arith.constant 0 : i32
    %dma_wait3A_1200 = tpu.memref_slice %arg3[%add3A_623, %dma_wait3A_1199] : memref<262144x128xf32, #tpu.memory_space<hbm>> -> memref<64x128xf32, #tpu.memory_space<hbm>>
    tpu.wait_dma2 semaphore(%arg5 : memref<!tpu.dma_semaphore, #tpu.memory_space<semaphore_mem>>) src(%arg4 : memref<64x128xf32, #tpu.memory_space<vmem>>) dst(%dma_wait3A_1200 : memref<64x128xf32, #tpu.memory_space<hbm>>)
    %dma_wait3A_1201 = arith.constant 0 : i32
    %dma_wait3A_1202 = tpu.memref_slice %arg3[%add3A_629, %dma_wait3A_1201] : memref<262144x128xf32, #tpu.memory_space<hbm>> -> memref<64x128xf32, #tpu.memory_space<hbm>>
    %dma_wait3A_1203 = arith.constant 0 : i32
    %dma_wait3A_1204 = tpu.memref_slice %arg3[%add3A_629, %dma_wait3A_1203] : memref<262144x128xf32, #tpu.memory_space<hbm>> -> memref<64x128xf32, #tpu.memory_space<hbm>>
    tpu.wait_dma2 semaphore(%arg5 : memref<!tpu.dma_semaphore, #tpu.memory_space<semaphore_mem>>) src(%arg4 : memref<64x128xf32, #tpu.memory_space<vmem>>) dst(%dma_wait3A_1204 : memref<64x128xf32, #tpu.memory_space<hbm>>)
    %dma_wait3A_1205 = arith.constant 0 : i32
    %dma_wait3A_1206 = tpu.memref_slice %arg3[%add3A_635, %dma_wait3A_1205] : memref<262144x128xf32, #tpu.memory_space<hbm>> -> memref<64x128xf32, #tpu.memory_space<hbm>>
    %dma_wait3A_1207 = arith.constant 0 : i32
    %dma_wait3A_1208 = tpu.memref_slice %arg3[%add3A_635, %dma_wait3A_1207] : memref<262144x128xf32, #tpu.memory_space<hbm>> -> memref<64x128xf32, #tpu.memory_space<hbm>>
    tpu.wait_dma2 semaphore(%arg5 : memref<!tpu.dma_semaphore, #tpu.memory_space<semaphore_mem>>) src(%arg4 : memref<64x128xf32, #tpu.memory_space<vmem>>) dst(%dma_wait3A_1208 : memref<64x128xf32, #tpu.memory_space<hbm>>)
    %dma_wait3A_1209 = arith.constant 0 : i32
    %dma_wait3A_1210 = tpu.memref_slice %arg3[%add3A_641, %dma_wait3A_1209] : memref<262144x128xf32, #tpu.memory_space<hbm>> -> memref<64x128xf32, #tpu.memory_space<hbm>>
    %dma_wait3A_1211 = arith.constant 0 : i32
    %dma_wait3A_1212 = tpu.memref_slice %arg3[%add3A_641, %dma_wait3A_1211] : memref<262144x128xf32, #tpu.memory_space<hbm>> -> memref<64x128xf32, #tpu.memory_space<hbm>>
    tpu.wait_dma2 semaphore(%arg5 : memref<!tpu.dma_semaphore, #tpu.memory_space<semaphore_mem>>) src(%arg4 : memref<64x128xf32, #tpu.memory_space<vmem>>) dst(%dma_wait3A_1212 : memref<64x128xf32, #tpu.memory_space<hbm>>)
    %dma_wait3A_1213 = arith.constant 0 : i32
    %dma_wait3A_1214 = tpu.memref_slice %arg3[%add3A_647, %dma_wait3A_1213] : memref<262144x128xf32, #tpu.memory_space<hbm>> -> memref<64x128xf32, #tpu.memory_space<hbm>>
    %dma_wait3A_1215 = arith.constant 0 : i32
    %dma_wait3A_1216 = tpu.memref_slice %arg3[%add3A_647, %dma_wait3A_1215] : memref<262144x128xf32, #tpu.memory_space<hbm>> -> memref<64x128xf32, #tpu.memory_space<hbm>>
    tpu.wait_dma2 semaphore(%arg5 : memref<!tpu.dma_semaphore, #tpu.memory_space<semaphore_mem>>) src(%arg4 : memref<64x128xf32, #tpu.memory_space<vmem>>) dst(%dma_wait3A_1216 : memref<64x128xf32, #tpu.memory_space<hbm>>)
    %dma_wait3A_1217 = arith.constant 0 : i32
    %dma_wait3A_1218 = tpu.memref_slice %arg3[%add3A_653, %dma_wait3A_1217] : memref<262144x128xf32, #tpu.memory_space<hbm>> -> memref<64x128xf32, #tpu.memory_space<hbm>>
    %dma_wait3A_1219 = arith.constant 0 : i32
    %dma_wait3A_1220 = tpu.memref_slice %arg3[%add3A_653, %dma_wait3A_1219] : memref<262144x128xf32, #tpu.memory_space<hbm>> -> memref<64x128xf32, #tpu.memory_space<hbm>>
    tpu.wait_dma2 semaphore(%arg5 : memref<!tpu.dma_semaphore, #tpu.memory_space<semaphore_mem>>) src(%arg4 : memref<64x128xf32, #tpu.memory_space<vmem>>) dst(%dma_wait3A_1220 : memref<64x128xf32, #tpu.memory_space<hbm>>)
    %dma_wait3A_1221 = arith.constant 0 : i32
    %dma_wait3A_1222 = tpu.memref_slice %arg3[%add3A_659, %dma_wait3A_1221] : memref<262144x128xf32, #tpu.memory_space<hbm>> -> memref<64x128xf32, #tpu.memory_space<hbm>>
    %dma_wait3A_1223 = arith.constant 0 : i32
    %dma_wait3A_1224 = tpu.memref_slice %arg3[%add3A_659, %dma_wait3A_1223] : memref<262144x128xf32, #tpu.memory_space<hbm>> -> memref<64x128xf32, #tpu.memory_space<hbm>>
    tpu.wait_dma2 semaphore(%arg5 : memref<!tpu.dma_semaphore, #tpu.memory_space<semaphore_mem>>) src(%arg4 : memref<64x128xf32, #tpu.memory_space<vmem>>) dst(%dma_wait3A_1224 : memref<64x128xf32, #tpu.memory_space<hbm>>)
    %dma_wait3A_1225 = arith.constant 0 : i32
    %dma_wait3A_1226 = tpu.memref_slice %arg3[%add3A_665, %dma_wait3A_1225] : memref<262144x128xf32, #tpu.memory_space<hbm>> -> memref<64x128xf32, #tpu.memory_space<hbm>>
    %dma_wait3A_1227 = arith.constant 0 : i32
    %dma_wait3A_1228 = tpu.memref_slice %arg3[%add3A_665, %dma_wait3A_1227] : memref<262144x128xf32, #tpu.memory_space<hbm>> -> memref<64x128xf32, #tpu.memory_space<hbm>>
    tpu.wait_dma2 semaphore(%arg5 : memref<!tpu.dma_semaphore, #tpu.memory_space<semaphore_mem>>) src(%arg4 : memref<64x128xf32, #tpu.memory_space<vmem>>) dst(%dma_wait3A_1228 : memref<64x128xf32, #tpu.memory_space<hbm>>)
    %dma_wait3A_1229 = arith.constant 0 : i32
    %dma_wait3A_1230 = tpu.memref_slice %arg3[%add3A_671, %dma_wait3A_1229] : memref<262144x128xf32, #tpu.memory_space<hbm>> -> memref<64x128xf32, #tpu.memory_space<hbm>>
    %dma_wait3A_1231 = arith.constant 0 : i32
    %dma_wait3A_1232 = tpu.memref_slice %arg3[%add3A_671, %dma_wait3A_1231] : memref<262144x128xf32, #tpu.memory_space<hbm>> -> memref<64x128xf32, #tpu.memory_space<hbm>>
    tpu.wait_dma2 semaphore(%arg5 : memref<!tpu.dma_semaphore, #tpu.memory_space<semaphore_mem>>) src(%arg4 : memref<64x128xf32, #tpu.memory_space<vmem>>) dst(%dma_wait3A_1232 : memref<64x128xf32, #tpu.memory_space<hbm>>)
    %dma_wait3A_1233 = arith.constant 0 : i32
    %dma_wait3A_1234 = tpu.memref_slice %arg3[%add3A_677, %dma_wait3A_1233] : memref<262144x128xf32, #tpu.memory_space<hbm>> -> memref<64x128xf32, #tpu.memory_space<hbm>>
    %dma_wait3A_1235 = arith.constant 0 : i32
    %dma_wait3A_1236 = tpu.memref_slice %arg3[%add3A_677, %dma_wait3A_1235] : memref<262144x128xf32, #tpu.memory_space<hbm>> -> memref<64x128xf32, #tpu.memory_space<hbm>>
    tpu.wait_dma2 semaphore(%arg5 : memref<!tpu.dma_semaphore, #tpu.memory_space<semaphore_mem>>) src(%arg4 : memref<64x128xf32, #tpu.memory_space<vmem>>) dst(%dma_wait3A_1236 : memref<64x128xf32, #tpu.memory_space<hbm>>)
    %dma_wait3A_1237 = arith.constant 0 : i32
    %dma_wait3A_1238 = tpu.memref_slice %arg3[%add3A_683, %dma_wait3A_1237] : memref<262144x128xf32, #tpu.memory_space<hbm>> -> memref<64x128xf32, #tpu.memory_space<hbm>>
    %dma_wait3A_1239 = arith.constant 0 : i32
    %dma_wait3A_1240 = tpu.memref_slice %arg3[%add3A_683, %dma_wait3A_1239] : memref<262144x128xf32, #tpu.memory_space<hbm>> -> memref<64x128xf32, #tpu.memory_space<hbm>>
    tpu.wait_dma2 semaphore(%arg5 : memref<!tpu.dma_semaphore, #tpu.memory_space<semaphore_mem>>) src(%arg4 : memref<64x128xf32, #tpu.memory_space<vmem>>) dst(%dma_wait3A_1240 : memref<64x128xf32, #tpu.memory_space<hbm>>)
    %dma_wait3A_1241 = arith.constant 0 : i32
    %dma_wait3A_1242 = tpu.memref_slice %arg3[%add3A_689, %dma_wait3A_1241] : memref<262144x128xf32, #tpu.memory_space<hbm>> -> memref<64x128xf32, #tpu.memory_space<hbm>>
    %dma_wait3A_1243 = arith.constant 0 : i32
    %dma_wait3A_1244 = tpu.memref_slice %arg3[%add3A_689, %dma_wait3A_1243] : memref<262144x128xf32, #tpu.memory_space<hbm>> -> memref<64x128xf32, #tpu.memory_space<hbm>>
    tpu.wait_dma2 semaphore(%arg5 : memref<!tpu.dma_semaphore, #tpu.memory_space<semaphore_mem>>) src(%arg4 : memref<64x128xf32, #tpu.memory_space<vmem>>) dst(%dma_wait3A_1244 : memref<64x128xf32, #tpu.memory_space<hbm>>)
    %dma_wait3A_1245 = arith.constant 0 : i32
    %dma_wait3A_1246 = tpu.memref_slice %arg3[%add3A_695, %dma_wait3A_1245] : memref<262144x128xf32, #tpu.memory_space<hbm>> -> memref<64x128xf32, #tpu.memory_space<hbm>>
    %dma_wait3A_1247 = arith.constant 0 : i32
    %dma_wait3A_1248 = tpu.memref_slice %arg3[%add3A_695, %dma_wait3A_1247] : memref<262144x128xf32, #tpu.memory_space<hbm>> -> memref<64x128xf32, #tpu.memory_space<hbm>>
    tpu.wait_dma2 semaphore(%arg5 : memref<!tpu.dma_semaphore, #tpu.memory_space<semaphore_mem>>) src(%arg4 : memref<64x128xf32, #tpu.memory_space<vmem>>) dst(%dma_wait3A_1248 : memref<64x128xf32, #tpu.memory_space<hbm>>)
    %dma_wait3A_1249 = arith.constant 0 : i32
    %dma_wait3A_1250 = tpu.memref_slice %arg3[%add3A_701, %dma_wait3A_1249] : memref<262144x128xf32, #tpu.memory_space<hbm>> -> memref<64x128xf32, #tpu.memory_space<hbm>>
    %dma_wait3A_1251 = arith.constant 0 : i32
    %dma_wait3A_1252 = tpu.memref_slice %arg3[%add3A_701, %dma_wait3A_1251] : memref<262144x128xf32, #tpu.memory_space<hbm>> -> memref<64x128xf32, #tpu.memory_space<hbm>>
    tpu.wait_dma2 semaphore(%arg5 : memref<!tpu.dma_semaphore, #tpu.memory_space<semaphore_mem>>) src(%arg4 : memref<64x128xf32, #tpu.memory_space<vmem>>) dst(%dma_wait3A_1252 : memref<64x128xf32, #tpu.memory_space<hbm>>)
    %dma_wait3A_1253 = arith.constant 0 : i32
    %dma_wait3A_1254 = tpu.memref_slice %arg3[%add3A_707, %dma_wait3A_1253] : memref<262144x128xf32, #tpu.memory_space<hbm>> -> memref<64x128xf32, #tpu.memory_space<hbm>>
    %dma_wait3A_1255 = arith.constant 0 : i32
    %dma_wait3A_1256 = tpu.memref_slice %arg3[%add3A_707, %dma_wait3A_1255] : memref<262144x128xf32, #tpu.memory_space<hbm>> -> memref<64x128xf32, #tpu.memory_space<hbm>>
    tpu.wait_dma2 semaphore(%arg5 : memref<!tpu.dma_semaphore, #tpu.memory_space<semaphore_mem>>) src(%arg4 : memref<64x128xf32, #tpu.memory_space<vmem>>) dst(%dma_wait3A_1256 : memref<64x128xf32, #tpu.memory_space<hbm>>)
    %dma_wait3A_1257 = arith.constant 0 : i32
    %dma_wait3A_1258 = tpu.memref_slice %arg3[%add3A_713, %dma_wait3A_1257] : memref<262144x128xf32, #tpu.memory_space<hbm>> -> memref<64x128xf32, #tpu.memory_space<hbm>>
    %dma_wait3A_1259 = arith.constant 0 : i32
    %dma_wait3A_1260 = tpu.memref_slice %arg3[%add3A_713, %dma_wait3A_1259] : memref<262144x128xf32, #tpu.memory_space<hbm>> -> memref<64x128xf32, #tpu.memory_space<hbm>>
    tpu.wait_dma2 semaphore(%arg5 : memref<!tpu.dma_semaphore, #tpu.memory_space<semaphore_mem>>) src(%arg4 : memref<64x128xf32, #tpu.memory_space<vmem>>) dst(%dma_wait3A_1260 : memref<64x128xf32, #tpu.memory_space<hbm>>)
    %dma_wait3A_1261 = arith.constant 0 : i32
    %dma_wait3A_1262 = tpu.memref_slice %arg3[%add3A_719, %dma_wait3A_1261] : memref<262144x128xf32, #tpu.memory_space<hbm>> -> memref<64x128xf32, #tpu.memory_space<hbm>>
    %dma_wait3A_1263 = arith.constant 0 : i32
    %dma_wait3A_1264 = tpu.memref_slice %arg3[%add3A_719, %dma_wait3A_1263] : memref<262144x128xf32, #tpu.memory_space<hbm>> -> memref<64x128xf32, #tpu.memory_space<hbm>>
    tpu.wait_dma2 semaphore(%arg5 : memref<!tpu.dma_semaphore, #tpu.memory_space<semaphore_mem>>) src(%arg4 : memref<64x128xf32, #tpu.memory_space<vmem>>) dst(%dma_wait3A_1264 : memref<64x128xf32, #tpu.memory_space<hbm>>)
    %dma_wait3A_1265 = arith.constant 0 : i32
    %dma_wait3A_1266 = tpu.memref_slice %arg3[%add3A_725, %dma_wait3A_1265] : memref<262144x128xf32, #tpu.memory_space<hbm>> -> memref<64x128xf32, #tpu.memory_space<hbm>>
    %dma_wait3A_1267 = arith.constant 0 : i32
    %dma_wait3A_1268 = tpu.memref_slice %arg3[%add3A_725, %dma_wait3A_1267] : memref<262144x128xf32, #tpu.memory_space<hbm>> -> memref<64x128xf32, #tpu.memory_space<hbm>>
    tpu.wait_dma2 semaphore(%arg5 : memref<!tpu.dma_semaphore, #tpu.memory_space<semaphore_mem>>) src(%arg4 : memref<64x128xf32, #tpu.memory_space<vmem>>) dst(%dma_wait3A_1268 : memref<64x128xf32, #tpu.memory_space<hbm>>)
    %dma_wait3A_1269 = arith.constant 0 : i32
    %dma_wait3A_1270 = tpu.memref_slice %arg3[%add3A_731, %dma_wait3A_1269] : memref<262144x128xf32, #tpu.memory_space<hbm>> -> memref<64x128xf32, #tpu.memory_space<hbm>>
    %dma_wait3A_1271 = arith.constant 0 : i32
    %dma_wait3A_1272 = tpu.memref_slice %arg3[%add3A_731, %dma_wait3A_1271] : memref<262144x128xf32, #tpu.memory_space<hbm>> -> memref<64x128xf32, #tpu.memory_space<hbm>>
    tpu.wait_dma2 semaphore(%arg5 : memref<!tpu.dma_semaphore, #tpu.memory_space<semaphore_mem>>) src(%arg4 : memref<64x128xf32, #tpu.memory_space<vmem>>) dst(%dma_wait3A_1272 : memref<64x128xf32, #tpu.memory_space<hbm>>)
    %dma_wait3A_1273 = arith.constant 0 : i32
    %dma_wait3A_1274 = tpu.memref_slice %arg3[%add3A_737, %dma_wait3A_1273] : memref<262144x128xf32, #tpu.memory_space<hbm>> -> memref<64x128xf32, #tpu.memory_space<hbm>>
    %dma_wait3A_1275 = arith.constant 0 : i32
    %dma_wait3A_1276 = tpu.memref_slice %arg3[%add3A_737, %dma_wait3A_1275] : memref<262144x128xf32, #tpu.memory_space<hbm>> -> memref<64x128xf32, #tpu.memory_space<hbm>>
    tpu.wait_dma2 semaphore(%arg5 : memref<!tpu.dma_semaphore, #tpu.memory_space<semaphore_mem>>) src(%arg4 : memref<64x128xf32, #tpu.memory_space<vmem>>) dst(%dma_wait3A_1276 : memref<64x128xf32, #tpu.memory_space<hbm>>)
    %dma_wait3A_1277 = arith.constant 0 : i32
    %dma_wait3A_1278 = tpu.memref_slice %arg3[%add3A_743, %dma_wait3A_1277] : memref<262144x128xf32, #tpu.memory_space<hbm>> -> memref<64x128xf32, #tpu.memory_space<hbm>>
    %dma_wait3A_1279 = arith.constant 0 : i32
    %dma_wait3A_1280 = tpu.memref_slice %arg3[%add3A_743, %dma_wait3A_1279] : memref<262144x128xf32, #tpu.memory_space<hbm>> -> memref<64x128xf32, #tpu.memory_space<hbm>>
    tpu.wait_dma2 semaphore(%arg5 : memref<!tpu.dma_semaphore, #tpu.memory_space<semaphore_mem>>) src(%arg4 : memref<64x128xf32, #tpu.memory_space<vmem>>) dst(%dma_wait3A_1280 : memref<64x128xf32, #tpu.memory_space<hbm>>)
    %dma_wait3A_1281 = arith.constant 0 : i32
    %dma_wait3A_1282 = tpu.memref_slice %arg3[%add3A_749, %dma_wait3A_1281] : memref<262144x128xf32, #tpu.memory_space<hbm>> -> memref<64x128xf32, #tpu.memory_space<hbm>>
    %dma_wait3A_1283 = arith.constant 0 : i32
    %dma_wait3A_1284 = tpu.memref_slice %arg3[%add3A_749, %dma_wait3A_1283] : memref<262144x128xf32, #tpu.memory_space<hbm>> -> memref<64x128xf32, #tpu.memory_space<hbm>>
    tpu.wait_dma2 semaphore(%arg5 : memref<!tpu.dma_semaphore, #tpu.memory_space<semaphore_mem>>) src(%arg4 : memref<64x128xf32, #tpu.memory_space<vmem>>) dst(%dma_wait3A_1284 : memref<64x128xf32, #tpu.memory_space<hbm>>)
    %dma_wait3A_1285 = arith.constant 0 : i32
    %dma_wait3A_1286 = tpu.memref_slice %arg3[%add3A_755, %dma_wait3A_1285] : memref<262144x128xf32, #tpu.memory_space<hbm>> -> memref<64x128xf32, #tpu.memory_space<hbm>>
    %dma_wait3A_1287 = arith.constant 0 : i32
    %dma_wait3A_1288 = tpu.memref_slice %arg3[%add3A_755, %dma_wait3A_1287] : memref<262144x128xf32, #tpu.memory_space<hbm>> -> memref<64x128xf32, #tpu.memory_space<hbm>>
    tpu.wait_dma2 semaphore(%arg5 : memref<!tpu.dma_semaphore, #tpu.memory_space<semaphore_mem>>) src(%arg4 : memref<64x128xf32, #tpu.memory_space<vmem>>) dst(%dma_wait3A_1288 : memref<64x128xf32, #tpu.memory_space<hbm>>)
    %dma_wait3A_1289 = arith.constant 0 : i32
    %dma_wait3A_1290 = tpu.memref_slice %arg3[%add3A_761, %dma_wait3A_1289] : memref<262144x128xf32, #tpu.memory_space<hbm>> -> memref<64x128xf32, #tpu.memory_space<hbm>>
    %dma_wait3A_1291 = arith.constant 0 : i32
    %dma_wait3A_1292 = tpu.memref_slice %arg3[%add3A_761, %dma_wait3A_1291] : memref<262144x128xf32, #tpu.memory_space<hbm>> -> memref<64x128xf32, #tpu.memory_space<hbm>>
    tpu.wait_dma2 semaphore(%arg5 : memref<!tpu.dma_semaphore, #tpu.memory_space<semaphore_mem>>) src(%arg4 : memref<64x128xf32, #tpu.memory_space<vmem>>) dst(%dma_wait3A_1292 : memref<64x128xf32, #tpu.memory_space<hbm>>)
    %dma_wait3A_1293 = arith.constant 0 : i32
    %dma_wait3A_1294 = tpu.memref_slice %arg3[%add3A_767, %dma_wait3A_1293] : memref<262144x128xf32, #tpu.memory_space<hbm>> -> memref<64x128xf32, #tpu.memory_space<hbm>>
    %dma_wait3A_1295 = arith.constant 0 : i32
    %dma_wait3A_1296 = tpu.memref_slice %arg3[%add3A_767, %dma_wait3A_1295] : memref<262144x128xf32, #tpu.memory_space<hbm>> -> memref<64x128xf32, #tpu.memory_space<hbm>>
    tpu.wait_dma2 semaphore(%arg5 : memref<!tpu.dma_semaphore, #tpu.memory_space<semaphore_mem>>) src(%arg4 : memref<64x128xf32, #tpu.memory_space<vmem>>) dst(%dma_wait3A_1296 : memref<64x128xf32, #tpu.memory_space<hbm>>)
    %dma_wait3A_1297 = arith.constant 0 : i32
    %dma_wait3A_1298 = tpu.memref_slice %arg3[%add3A_773, %dma_wait3A_1297] : memref<262144x128xf32, #tpu.memory_space<hbm>> -> memref<64x128xf32, #tpu.memory_space<hbm>>
    %dma_wait3A_1299 = arith.constant 0 : i32
    %dma_wait3A_1300 = tpu.memref_slice %arg3[%add3A_773, %dma_wait3A_1299] : memref<262144x128xf32, #tpu.memory_space<hbm>> -> memref<64x128xf32, #tpu.memory_space<hbm>>
    tpu.wait_dma2 semaphore(%arg5 : memref<!tpu.dma_semaphore, #tpu.memory_space<semaphore_mem>>) src(%arg4 : memref<64x128xf32, #tpu.memory_space<vmem>>) dst(%dma_wait3A_1300 : memref<64x128xf32, #tpu.memory_space<hbm>>)
    %dma_wait3A_1301 = arith.constant 0 : i32
    %dma_wait3A_1302 = tpu.memref_slice %arg3[%add3A_779, %dma_wait3A_1301] : memref<262144x128xf32, #tpu.memory_space<hbm>> -> memref<64x128xf32, #tpu.memory_space<hbm>>
    %dma_wait3A_1303 = arith.constant 0 : i32
    %dma_wait3A_1304 = tpu.memref_slice %arg3[%add3A_779, %dma_wait3A_1303] : memref<262144x128xf32, #tpu.memory_space<hbm>> -> memref<64x128xf32, #tpu.memory_space<hbm>>
    tpu.wait_dma2 semaphore(%arg5 : memref<!tpu.dma_semaphore, #tpu.memory_space<semaphore_mem>>) src(%arg4 : memref<64x128xf32, #tpu.memory_space<vmem>>) dst(%dma_wait3A_1304 : memref<64x128xf32, #tpu.memory_space<hbm>>)
    %dma_wait3A_1305 = arith.constant 0 : i32
    %dma_wait3A_1306 = tpu.memref_slice %arg3[%add3A_785, %dma_wait3A_1305] : memref<262144x128xf32, #tpu.memory_space<hbm>> -> memref<64x128xf32, #tpu.memory_space<hbm>>
    %dma_wait3A_1307 = arith.constant 0 : i32
    %dma_wait3A_1308 = tpu.memref_slice %arg3[%add3A_785, %dma_wait3A_1307] : memref<262144x128xf32, #tpu.memory_space<hbm>> -> memref<64x128xf32, #tpu.memory_space<hbm>>
    tpu.wait_dma2 semaphore(%arg5 : memref<!tpu.dma_semaphore, #tpu.memory_space<semaphore_mem>>) src(%arg4 : memref<64x128xf32, #tpu.memory_space<vmem>>) dst(%dma_wait3A_1308 : memref<64x128xf32, #tpu.memory_space<hbm>>)
    %dma_wait3A_1309 = arith.constant 0 : i32
    %dma_wait3A_1310 = tpu.memref_slice %arg3[%add3A_791, %dma_wait3A_1309] : memref<262144x128xf32, #tpu.memory_space<hbm>> -> memref<64x128xf32, #tpu.memory_space<hbm>>
    %dma_wait3A_1311 = arith.constant 0 : i32
    %dma_wait3A_1312 = tpu.memref_slice %arg3[%add3A_791, %dma_wait3A_1311] : memref<262144x128xf32, #tpu.memory_space<hbm>> -> memref<64x128xf32, #tpu.memory_space<hbm>>
    tpu.wait_dma2 semaphore(%arg5 : memref<!tpu.dma_semaphore, #tpu.memory_space<semaphore_mem>>) src(%arg4 : memref<64x128xf32, #tpu.memory_space<vmem>>) dst(%dma_wait3A_1312 : memref<64x128xf32, #tpu.memory_space<hbm>>)
    %dma_wait3A_1313 = arith.constant 0 : i32
    %dma_wait3A_1314 = tpu.memref_slice %arg3[%add3A_797, %dma_wait3A_1313] : memref<262144x128xf32, #tpu.memory_space<hbm>> -> memref<64x128xf32, #tpu.memory_space<hbm>>
    %dma_wait3A_1315 = arith.constant 0 : i32
    %dma_wait3A_1316 = tpu.memref_slice %arg3[%add3A_797, %dma_wait3A_1315] : memref<262144x128xf32, #tpu.memory_space<hbm>> -> memref<64x128xf32, #tpu.memory_space<hbm>>
    tpu.wait_dma2 semaphore(%arg5 : memref<!tpu.dma_semaphore, #tpu.memory_space<semaphore_mem>>) src(%arg4 : memref<64x128xf32, #tpu.memory_space<vmem>>) dst(%dma_wait3A_1316 : memref<64x128xf32, #tpu.memory_space<hbm>>)
    %dma_wait3A_1317 = arith.constant 0 : i32
    %dma_wait3A_1318 = tpu.memref_slice %arg3[%add3A_803, %dma_wait3A_1317] : memref<262144x128xf32, #tpu.memory_space<hbm>> -> memref<64x128xf32, #tpu.memory_space<hbm>>
    %dma_wait3A_1319 = arith.constant 0 : i32
    %dma_wait3A_1320 = tpu.memref_slice %arg3[%add3A_803, %dma_wait3A_1319] : memref<262144x128xf32, #tpu.memory_space<hbm>> -> memref<64x128xf32, #tpu.memory_space<hbm>>
    tpu.wait_dma2 semaphore(%arg5 : memref<!tpu.dma_semaphore, #tpu.memory_space<semaphore_mem>>) src(%arg4 : memref<64x128xf32, #tpu.memory_space<vmem>>) dst(%dma_wait3A_1320 : memref<64x128xf32, #tpu.memory_space<hbm>>)
    %dma_wait3A_1321 = arith.constant 0 : i32
    %dma_wait3A_1322 = tpu.memref_slice %arg3[%add3A_809, %dma_wait3A_1321] : memref<262144x128xf32, #tpu.memory_space<hbm>> -> memref<64x128xf32, #tpu.memory_space<hbm>>
    %dma_wait3A_1323 = arith.constant 0 : i32
    %dma_wait3A_1324 = tpu.memref_slice %arg3[%add3A_809, %dma_wait3A_1323] : memref<262144x128xf32, #tpu.memory_space<hbm>> -> memref<64x128xf32, #tpu.memory_space<hbm>>
    tpu.wait_dma2 semaphore(%arg5 : memref<!tpu.dma_semaphore, #tpu.memory_space<semaphore_mem>>) src(%arg4 : memref<64x128xf32, #tpu.memory_space<vmem>>) dst(%dma_wait3A_1324 : memref<64x128xf32, #tpu.memory_space<hbm>>)
    return
  }
}

</mosaic_0001>

<sc_bundles>
// kernel: kernel.3.cloned.1.call-start
scs
__scs_entry_jumppad:
0x0: {  	(pc) =	sbr.rel $0x88, $3  }
0x1: {  	(tag) =	ssettag $0x0;
	lr =	simm.s32 $0x1  }
0x2: {  	[smem:$0x3FA0] =	sst lr;
	_ =	strace $0xD0000000  }
0x3: {  	_ = 	snop  }
0x4: {  	_ = 	snop  }
0x5: {  	_ = 	snop  }
0x6: {  	_ = 	snop  }
0x7: {  	_ = 	snop  }
__scs_overlays_trampoline_lowered:
0x8: {  	[smem:$0x3FAF] =	sst s0  }
0x9: {  	[smem:$0x3FB0] =	sst s1  }
0xa: {  	[smem:$0x3FB1] =	sst s2  }
0xb: {  	[smem:$0x3FB2] =	sst s3  }
0xc: {  	[smem:$0x3FB3] =	sst s4  }
0xd: {  	[smem:$0x3FB4] =	sst s5  }
0xe: {  	[smem:$0x3FB5] =	sst s6  }
0xf: {  	[smem:$0x3FB6] =	sst s7  }
0x10: {  	[smem:$0x3FB7] =	sst s8  }
0x11: {  	[smem:$0x3FB8] =	sst s9;
	s0 =	simm.s32 @!p0 $0x0  }
0x12: {  	s1 =	sld [smem:$0x3F9E];
	s0 =	simm.s32 @p0 $0x1  }
0x13: {  	[smem:$0x3FB9] =	sst s0;
	s0 =	simm.s32 @!p1 $0x0  }
0x14: {  	s2 =	sld [smem:$0x3F9D];
	s0 =	simm.s32 @p1 $0x1  }
0x15: {  	[smem:$0x3FBA] =	sst s0;
	s0 =	simm.s32 @!p2 $0x0  }
0x16: {  	s3 =	sld [smem:$0x3FDB];
	s0 =	simm.s32 @p2 $0x1  }
0x17: {  	s4 =	simm.s32 $0x1BF5;
	[smem:$0x3FBC] =	sst s0  }
0x18: {  	s0 =	sld [smem:$0x3F9F];
	_ =	swait.ge [sflag:s4], $0x0  }
0x19: {  	s7 =	sld [smem:$0x3FA0]  }
0x1a: {  	s8 =	sadd.s32 $0xFFFFE003, lr  }
0x1b: {  	s9 =	sadd.s32 $0xFFFFFEF7, lr;
	s5 =	simm.s32 $0xFFFFFFFF;
	p2 =	slt.u32 s8, $0xFFFFF086  }
0x1c: {  	p1 =	slt.u32 s9, $0xF7A;
	s5 =	simm.s32 @!p2 $0x0  }
0x1d: {  	s5 =	simm.s32 @p1 $0x1;
	p0 =	seq.s32 s7, s2  }
0x1e: {  	s7 =	smul.u32 @!p0 $0xF7A, s2;
	p2 =	seq.s32 @!p0 s5, $0x0  }
0x1f: {  	s9 =	smul.u32 $0xF7A, s1;
	s8 =	simm.s32 @!p0 $0x1BF5;
	p2 =	por !p2, p0  }
0x20: {  	[sflag:s8] =	ssyncset.s32 @!p0 $0xFFFFF086;
	s6 =	sadd.s32 @!p0 s3, s7;
	s7 =	simm.s32 @!p0 $0x108  }
0x21: {  	s3 =	sadd.s32 s3, s9;
	s6 =	sadd.s32 @!p0 $0x88, s6;
	s7 =	simm.s32 @p2 $0x1082  }
0x22: {  	[simem:s7], [sflag:s8] =	dma.local @!p0 [hbm:s6], $0xF7A  }
0x23: {  	s9 =	sor.u32 $0xD0000000, s2;
	s6 =	simm.s32 $0x108;
	_ =	swait.ge @!p0 [sflag:s8], $0x0  }
0x24: {  	s3 =	sadd.s32 $0x88, s3;
	s6 =	simm.s32 @!p1 $0x1082;
	[sflag:s4] =	ssyncset.s32 $0xFFFFF086  }
0x25: {  	[simem:s6], [sflag:s4] =	dma.local [hbm:s3], $0xF7A  }
0x26: {  	[smem:$0x3FA0] =	sst s1;
	(tag) =	ssettag s2;
	_ =	strace s9  }
0x27: {  	s1 =	sld [smem:$0x3FB0]  }
0x28: {  	s2 =	sld [smem:$0x3FB1]  }
0x29: {  	s4 =	sld [smem:$0x3FB3]  }
0x2a: {  	p0 =	seq.s32 s5, $0x0;
	s5 =	sld [smem:$0x3FB4]  }
0x2b: {  	s6 =	sld [smem:$0x3FB5]  }
0x2c: {  	s7 =	sld [smem:$0x3FB6]  }
0x2d: {  	s3 =	simm.s32 $0x108;
	s8 =	sld [smem:$0x3FB7]  }
0x2e: {  	s3 =	simm.s32 @!p0 $0x1082;
	s9 =	sld [smem:$0x3FB8]  }
0x2f: {  	lr =	sadd.s32 s0, s3;
	s0 =	sld [smem:$0x3FAF]  }
0x30: {  	s3 =	sld [smem:$0x3FB2]  }
0x31: {  	[smem:$0x3FBB] =	sst s10  }
0x32: {  	s10 =	sld [smem:$0x3FB9];
	_ =	sdelay $0x3  }
0x33: {  	p0 =	seq.s32 s10, $0x1;
	s10 =	sld [smem:$0x3FBB];
	_ =	sdelay $0x3  }
0x34: {  	[smem:$0x3FBB] =	sst s10  }
0x35: {  	s10 =	sld [smem:$0x3FBA];
	_ =	sdelay $0x3  }
0x36: {  	p1 =	seq.s32 s10, $0x1;
	s10 =	sld [smem:$0x3FBB];
	_ =	sdelay $0x3  }
0x37: {  	[smem:$0x3FBB] =	sst s10  }
0x38: {  	s10 =	sld [smem:$0x3FBC]  }
0x39: {  	_ = 	snop;
	(pc) =	sbr.ind lr, $3  }
0x3a: {  	_ = 	snop  }
0x3b: {  	_ = 	snop  }
0x3c: {  	p2 =	seq.s32 s10, $0x1;
	s10 =	sld [smem:$0x3FBB]  }
0x3d: {  	_ =	shalt  }
0x3e: {  	_ =	shalt  }
0x3f: {  	_ =	shalt  }
0x40: {  	_ =	shalt  }
0x41: {  	_ =	shalt  }
0x42: {  	_ =	shalt  }
0x43: {  	_ =	shalt  }
0x44: {  	_ =	shalt  }
0x45: {  	_ =	shalt  }
0x46: {  	_ =	shalt  }
0x47: {  	_ =	shalt  }
0x48: {  	_ =	shalt  }
0x49: {  	_ =	shalt  }
0x4a: {  	_ =	shalt  }
0x4b: {  	_ =	shalt  }
0x4c: {  	_ =	shalt  }
0x4d: {  	_ =	shalt  }
0x4e: {  	_ =	shalt  }
0x4f: {  	_ =	shalt  }
0x50: {  	_ =	shalt  }
0x51: {  	_ =	shalt  }
0x52: {  	_ =	shalt  }
0x53: {  	_ =	shalt  }
0x54: {  	_ =	shalt  }
0x55: {  	_ =	shalt  }
0x56: {  	_ =	shalt  }
0x57: {  	_ =	shalt  }
0x58: {  	_ =	shalt  }
0x59: {  	_ =	shalt  }
0x5a: {  	_ =	shalt  }
0x5b: {  	_ =	shalt  }
0x5c: {  	_ =	shalt  }
0x5d: {  	_ =	shalt  }
0x5e: {  	_ =	shalt  }
0x5f: {  	_ =	shalt  }
0x60: {  	_ =	shalt  }
0x61: {  	_ =	shalt  }
0x62: {  	_ =	shalt  }
0x63: {  	_ =	shalt  }
0x64: {  	_ =	shalt  }
0x65: {  	_ =	shalt  }
0x66: {  	_ =	shalt  }
0x67: {  	_ =	shalt  }
0x68: {  	_ =	shalt  }
0x69: {  	_ =	shalt  }
0x6a: {  	_ =	shalt  }
0x6b: {  	_ =	shalt  }
0x6c: {  	_ =	shalt  }
0x6d: {  	_ =	shalt  }
0x6e: {  	_ =	shalt  }
0x6f: {  	_ =	shalt  }
0x70: {  	_ =	shalt  }
0x71: {  	_ =	shalt  }
0x72: {  	_ =	shalt  }
0x73: {  	_ =	shalt  }
0x74: {  	_ =	shalt  }
0x75: {  	_ =	shalt  }
0x76: {  	_ =	shalt  }
0x77: {  	_ =	shalt  }
0x78: {  	_ =	shalt  }
0x79: {  	_ =	shalt  }
0x7a: {  	_ =	shalt  }
0x7b: {  	_ =	shalt  }
0x7c: {  	_ =	shalt  }
0x7d: {  	_ =	shalt  }
0x7e: {  	_ =	shalt  }
0x7f: {  	_ =	shalt  }
0x80: {  	_ =	shalt  }
0x81: {  	_ =	shalt  }
0x82: {  	_ =	shalt  }
0x83: {  	_ =	shalt  }
0x84: {  	_ =	shalt  }
0x85: {  	_ =	shalt  }
0x86: {  	_ =	shalt  }
0x87: {  	_ =	shalt  }
.Lfunc_end0:
.L_simem_size_0:
called_computation_lowered:
.L_overlay_start_0:
0x88: {  	s2 =	sld [smem:$0x3FD9]  }
0x89: {  	s3 =	sld [smem:$0x3FFE];
	_ =	sdelay $0x1  }
0x8a: {  	s1 =	srdreg.scid  }
0x8b: {  	s0 =	sand.u32 $0x1, s1  }
0x8c: {  	s18 =	sshll.u32 s0, $0xA;
	s2 =	sadd.s32 s3, s2  }
0x8d: {  	s2 =	sadd.s32 s2, s18  }
0x8e: {  	[smem:$0x3FC7] =	sst s2  }
0x8f: {  	_ = 	snop  }
0x90: {  	s2 =	sld [smem:$0x3FC9]  }
0x91: {  	s19 =	sld [smem:$0x3FD0];
	(tm) =	ssettm $0x1  }
0x92: {  	s4 =	sld [smem:$0x3FFB];
	_ =	sdelay $0x3  }
0x93: {  	_ =	strace s4  }
0x94: {  	s4 =	sld [smem:$0x3FFC];
	_ =	sdelay $0x3  }
0x95: {  	_ =	strace s4  }
0x96: {  	s4 =	sld [smem:$0x3FFD];
	_ =	sdelay $0x3  }
0x97: {  	_ =	strace s4  }
0x98: {  	_ =	strace $0x8FFFFFFF  }
0x99: {  	s20 =	sld [smem:$0x3FDB];
	_ =	sdelay $0x1  }
0x9a: {  	s5 =	simm.s32 $_scs_section_size  }
0x9b: {  	s6 =	simm.s32 $_size__tile_overlayer_lowered;
	s7 =	simm.s32 $_tile_overlayer_lowered  }
0x9c: {  	s23 =	simm.s32 $0x1BFF;
	s22 =	sshll.u32 s7, $0x1;
	s4 =	sadd.s32 s5, s20  }
0x9d: {  	s8 =	simm.s32 $0x0;
	s21 =	sshll.u32 s6, $0x1;
	s6 =	sadd.s32 s22, s4  }
0x9e: {  	[timem:s8], [sflag:s23] =	dma.local [hbm:s6], s21  }
0x9f: {  	_ =	swait.ge [sflag:s23], s21  }
0xa0: {  	s5 =	ssub.s32 $0x0, s21;
	[sflag:s23] =	ssyncset.done $0x0  }
0xa1: {  	[sflag:s23] =	ssyncadd.s32 s5;
	_ =	sdelay $0x1  }
0xa2: {  	s24 =	simm.s32 $0x1B8B  }
0xa3: {  	_ =	swait.ge [sflag:s24], $0x1  }
0xa4: {  	[sflag:s24] =	ssyncset.done $0x0  }
0xa5: {  	s25 =	simm.s32 $0x1B8E;
	[sflag:s24] =	ssyncadd.s32 $0xFFFFFFFF  }
0xa6: {  	s26 =	simm.s32 $execute0_lowered;
	[smem:$0x3FD2] =	sst s25  }
0xa7: {  	s5 =	sshll.u32 s26, $0x1;
	_ =	strace $0x80000046;
	[dreg:$0x1] =	wrdreg $0xFFFFFFFF  }
0xa8: {  	s28 =	simm.s32 $_size_execute0_lowered;
	s4 =	sadd.s32 s4, s5;
	[dreg:$0x0] =	wrdreg $0x0  }
0xa9: {  	s5 =	sshll.u32 s28, $0x1;
	[dreg:$0x2] =	wrdreg s4  }
0xaa: {  	[dreg:$0x3] =	wrdreg s5  }
0xab: {  	[dreg:$0x4] =	wrdreg $0xC0  }
0xac: {  	_ =	task [dreg:s8], $0x5FFFF  }
0xad: {  	[dreg:$0x1] =	wrdreg $0xFFFFFFFF  }
0xae: {  	[dreg:$0x0] =	wrdreg $0x60  }
0xaf: {  	[dreg:$0x2] =	wrdreg s2  }
0xb0: {  	[dreg:$0x3] =	wrdreg s19  }
0xb1: {  	[dreg:$0x4] =	wrdreg $0x9  }
0xb2: {  	_ =	task.clear_ibuf [dreg:s8], $0x5FFFF;
	_ =	strace $0x90000046  }
0xb3: {  	s29 =	simm.s32 $0x9;
	_ =	strace $0x80000048  }
0xb4: {  	_ =	swait.ge [sflag:s29], $0x1  }
0xb5: {  	[sflag:s29] =	ssyncadd.s32 $0xFFFFFFFF  }
0xb6: {  	_ =	strace $0x90000048  }
0xb7: {  	_ =	sfence  }
0xb8: {  	s30 =	sld [smem:$0x0];
	_ =	sdelay $0x2  }
0xb9: {  	s31 =	sshll.u32 s1, $0xD;
	s1 =	sshrl.u32 s1, $0x2  }
0xba: {  	s3 =	sand.u32 $0x4000, s31;
	s1 =	sadd.s32 s1, s30  }
0xbb: {  	s0 =	sor.u32 s3, s0;
	s1 =	sshll.u32 s1, $0x11  }
0xbc: {  	s0 =	sor.u32 s1, s0  }
0xbd: {  	s0 =	sadd.s32 $0x8F2B, s0  }
0xbe: {  	[sflag:s0] =	ssyncadd.remote.s32 $0x1  }
0xbf: {  	_ =	sfence.sel $0xFFFF  }
0xc0: {  	[dreg:$0x0] =	wrdreg $0xFFFFFFFF;
	(pc) =	sbr.abs _section_cstart, $3  }
0xc1: {  	[dreg:$0x1] =	wrdreg $0xFFFFFFFF  }
0xc2: {  	_ =	task.clear_ibuf [dreg:s8], $0x2FFFF;
	_ =	strace $0x9FFFFFFF  }
0xc3: {  	(tm) =	ssettm $0x7FFFFFFF  }
tec
execute0_lowered:
.L_overlay_start_1:
0x0: {  	(tag) =	ssettag $0x1  }
0x1: {  	s1 =	srdreg.scid  }
0x2: {  	s4 =	stileid.u32;
	s1 =	sand.u32 $0x1, s1  }
0x3: {  	s4 =	sshll.u32 s4, $0x11;
	s2 =	sshll.u32 s1, $0x15  }
0x4: {  	s0 =	rddreg [dreg:$0x1];
	s2 =	sor.u32 s4, s2  }
0x5: {  	s3 =	simm.s32 $0x0;
	s4 =	sadd.s32 s0, s2  }
0x6: {  	[smem:$0x7FF] =	sst s3;
	s19 =	sadd.s32 $0x400, s4  }
0x7: {  	_ =	strace $0x80000047;
	s20 =	sadd.s32 $0x800, s4;
	[dreg:$0x3] =	wrdreg s19  }
0x8: {  	s21 =	sadd.s32 $0xC00, s4;
	[dreg:$0x4] =	wrdreg s20  }
0x9: {  	s22 =	sadd.s32 $0x1000, s4;
	[dreg:$0x5] =	wrdreg s21  }
0xa: {  	s23 =	sadd.s32 $0x1400, s4;
	[dreg:$0x6] =	wrdreg s22  }
0xb: {  	s24 =	sadd.s32 $0x1800, s4;
	[dreg:$0x7] =	wrdreg s23  }
0xc: {  	s25 =	sadd.s32 $0x1C00, s4;
	[dreg:$0x8] =	wrdreg s24  }
0xd: {  	s1 =	ssub.s32 $0x2, s1;
	s26 =	sadd.s32 $0x2000, s4;
	[dreg:$0x9] =	wrdreg s25  }
0xe: {  	s5 =	sshrl.u32 s1, $0x1;
	s2 =	sadd.s32 $0x2400, s4;
	[dreg:$0xa] =	wrdreg s26  }
0xf: {  	s18 =	ssub.s32 s1, s5;
	s5 =	sadd.s32 $0x2800, s4;
	[dreg:$0xb] =	wrdreg s2  }
0x10: {  	s6 =	sadd.s32 $0x2C00, s4;
	[dreg:$0xc] =	wrdreg s5  }
0x11: {  	s7 =	sadd.s32 $0x3000, s4;
	[dreg:$0xd] =	wrdreg s6  }
0x12: {  	s8 =	sadd.s32 $0x3400, s4;
	[dreg:$0xe] =	wrdreg s7  }
0x13: {  	s9 =	sadd.s32 $0x3800, s4;
	[dreg:$0xf] =	wrdreg s8  }
0x14: {  	s10 =	sadd.s32 $0x3C00, s4;
	[dreg:$0x10] =	wrdreg s9  }
0x15: {  	s11 =	sadd.s32 $0x4000, s4;
	[dreg:$0x11] =	wrdreg s10  }
0x16: {  	s12 =	sadd.s32 $0x4400, s4;
	[dreg:$0x12] =	wrdreg s11  }
0x17: {  	s13 =	sadd.s32 $0x4800, s4;
	[dreg:$0x13] =	wrdreg s12  }
0x18: {  	s14 =	sadd.s32 $0x4C00, s4;
	[dreg:$0x14] =	wrdreg s13  }
0x19: {  	s15 =	sadd.s32 $0x5000, s4;
	[dreg:$0x15] =	wrdreg s14  }
0x1a: {  	s0 =	smax.u32 s18, $0x1;
	[dreg:$0x16] =	wrdreg s15  }
0x1b: {  	s16 =	sadd.s32 $0x5400, s4;
	[dreg:$0x17] =	wrdreg s0  }
0x1c: {  	s17 =	sadd.s32 $0x5800, s4;
	[dreg:$0x18] =	wrdreg s16  }
0x1d: {  	s18 =	sadd.s32 $0x5C00, s4;
	[dreg:$0x19] =	wrdreg s17  }
0x1e: {  	s1 =	sadd.s32 $0x8000, s4;
	[dreg:$0x1a] =	wrdreg s18  }
0x1f: {  	s19 =	sadd.s32 $0x6000, s4;
	[smem:$0x7B6] =	sst s1  }
0x20: {  	s20 =	sadd.s32 $0x6400, s4;
	[dreg:$0x1b] =	wrdreg s19  }
0x21: {  	s21 =	sadd.s32 $0x6800, s4;
	[dreg:$0x1c] =	wrdreg s20  }
0x22: {  	s22 =	sadd.s32 $0x6C00, s4;
	[dreg:$0x1d] =	wrdreg s21  }
0x23: {  	s23 =	sadd.s32 $0x7000, s4;
	[dreg:$0x1e] =	wrdreg s22  }
0x24: {  	s24 =	sadd.s32 $0x7400, s4;
	[dreg:$0x1f] =	wrdreg s23  }
0x25: {  	s25 =	sadd.s32 $0x7800, s4;
	[smem:$0x7B3] =	sst s24  }
0x26: {  	s26 =	sadd.s32 $0x7C00, s4;
	[smem:$0x7B4] =	sst s25  }
0x27: {  	s2 =	sadd.s32 $0x8400, s4;
	[smem:$0x7B5] =	sst s26  }
0x28: {  	s5 =	sadd.s32 $0x8800, s4;
	[smem:$0x7B7] =	sst s2  }
0x29: {  	s6 =	sadd.s32 $0x8C00, s4;
	[smem:$0x7B8] =	sst s5  }
0x2a: {  	s7 =	sadd.s32 $0x9000, s4;
	[smem:$0x7B9] =	sst s6  }
0x2b: {  	s8 =	sadd.s32 $0x9400, s4;
	[smem:$0x7BA] =	sst s7  }
0x2c: {  	s9 =	sadd.s32 $0x9800, s4;
	[smem:$0x7BB] =	sst s8  }
0x2d: {  	s10 =	sadd.s32 $0x9C00, s4;
	[smem:$0x7BC] =	sst s9  }
0x2e: {  	s11 =	sadd.s32 $0xA000, s4;
	[smem:$0x7BD] =	sst s10  }
0x2f: {  	s12 =	sadd.s32 $0xA400, s4;
	[smem:$0x7BE] =	sst s11  }
0x30: {  	s13 =	sadd.s32 $0xA800, s4;
	[smem:$0x7BF] =	sst s12  }
0x31: {  	s14 =	sadd.s32 $0xAC00, s4;
	[smem:$0x7C0] =	sst s13  }
0x32: {  	s15 =	sadd.s32 $0xB000, s4;
	[smem:$0x7C1] =	sst s14  }
0x33: {  	s16 =	sadd.s32 $0xB400, s4;
	[smem:$0x7C2] =	sst s15  }
0x34: {  	s17 =	sadd.s32 $0xB800, s4;
	[smem:$0x7C3] =	sst s16  }
0x35: {  	s18 =	sadd.s32 $0xBC00, s4;
	[smem:$0x7C4] =	sst s17  }
0x36: {  	s1 =	sadd.s32 $0xE000, s4;
	[smem:$0x7C5] =	sst s18  }
0x37: {  	s19 =	sadd.s32 $0xC000, s4;
	[smem:$0x7CE] =	sst s1  }
0x38: {  	s20 =	sadd.s32 $0xC400, s4;
	[smem:$0x7C6] =	sst s19  }
0x39: {  	s21 =	sadd.s32 $0xC800, s4;
	[smem:$0x7C7] =	sst s20  }
0x3a: {  	s22 =	sadd.s32 $0xCC00, s4;
	[smem:$0x7C8] =	sst s21  }
0x3b: {  	s23 =	sadd.s32 $0xD000, s4;
	[smem:$0x7C9] =	sst s22  }
0x3c: {  	s24 =	sadd.s32 $0xD400, s4;
	[smem:$0x7CA] =	sst s23  }
0x3d: {  	s25 =	sadd.s32 $0xD800, s4;
	[smem:$0x7CB] =	sst s24  }
0x3e: {  	s26 =	sadd.s32 $0xDC00, s4;
	[smem:$0x7CC] =	sst s25  }
0x3f: {  	s2 =	sadd.s32 $0xE400, s4;
	[smem:$0x7CD] =	sst s26  }
0x40: {  	s5 =	sadd.s32 $0xE800, s4;
	[smem:$0x7CF] =	sst s2  }
0x41: {  	s6 =	sadd.s32 $0xEC00, s4;
	[smem:$0x7D0] =	sst s5  }
0x42: {  	s7 =	sadd.s32 $0xF000, s4;
	[smem:$0x7D1] =	sst s6  }
0x43: {  	s8 =	sadd.s32 $0xF400, s4;
	[smem:$0x7D2] =	sst s7  }
0x44: {  	s9 =	sadd.s32 $0xF800, s4;
	[smem:$0x7D3] =	sst s8  }
0x45: {  	s10 =	sadd.s32 $0xFC00, s4;
	[smem:$0x7D4] =	sst s9  }
0x46: {  	s11 =	sadd.s32 $0x10000, s4;
	[smem:$0x7D5] =	sst s10  }
0x47: {  	s12 =	sadd.s32 $0x10400, s4;
	[smem:$0x7D6] =	sst s11  }
0x48: {  	s13 =	sadd.s32 $0x10800, s4;
	[smem:$0x7D7] =	sst s12  }
0x49: {  	s14 =	sadd.s32 $0x10C00, s4;
	[smem:$0x7D8] =	sst s13  }
0x4a: {  	s15 =	sadd.s32 $0x11000, s4;
	[smem:$0x7D9] =	sst s14  }
0x4b: {  	s16 =	sadd.s32 $0x11400, s4;
	[smem:$0x7DA] =	sst s15  }
0x4c: {  	s17 =	sadd.s32 $0x11800, s4;
	[smem:$0x7DB] =	sst s16  }
0x4d: {  	s18 =	sadd.s32 $0x11C00, s4;
	[smem:$0x7DC] =	sst s17  }
0x4e: {  	s1 =	sadd.s32 $0x14000, s4;
	[smem:$0x7DD] =	sst s18  }
0x4f: {  	s19 =	sadd.s32 $0x12000, s4;
	[smem:$0x7E6] =	sst s1  }
0x50: {  	s20 =	sadd.s32 $0x12400, s4;
	[smem:$0x7DE] =	sst s19  }
0x51: {  	s21 =	sadd.s32 $0x12800, s4;
	[smem:$0x7DF] =	sst s20  }
0x52: {  	s22 =	sadd.s32 $0x12C00, s4;
	[smem:$0x7E0] =	sst s21  }
0x53: {  	s23 =	sadd.s32 $0x13000, s4;
	[smem:$0x7E1] =	sst s22  }
0x54: {  	s24 =	sadd.s32 $0x13400, s4;
	[smem:$0x7E2] =	sst s23  }
0x55: {  	s25 =	sadd.s32 $0x13800, s4;
	[smem:$0x7E3] =	sst s24  }
0x56: {  	s26 =	sadd.s32 $0x13C00, s4;
	[smem:$0x7E4] =	sst s25  }
0x57: {  	s2 =	sadd.s32 $0x14400, s4;
	[smem:$0x7E5] =	sst s26  }
0x58: {  	s5 =	sadd.s32 $0x14800, s4;
	[smem:$0x7E7] =	sst s2  }
0x59: {  	s6 =	sadd.s32 $0x14C00, s4;
	[smem:$0x7E8] =	sst s5  }
0x5a: {  	s7 =	sadd.s32 $0x15000, s4;
	[smem:$0x7E9] =	sst s6  }
0x5b: {  	s8 =	sadd.s32 $0x15400, s4;
	[smem:$0x7EA] =	sst s7  }
0x5c: {  	s9 =	sadd.s32 $0x15800, s4;
	[smem:$0x7EB] =	sst s8  }
0x5d: {  	s10 =	sadd.s32 $0x15C00, s4;
	[smem:$0x7EC] =	sst s9  }
0x5e: {  	s11 =	sadd.s32 $0x16000, s4;
	[smem:$0x7ED] =	sst s10  }
0x5f: {  	s12 =	sadd.s32 $0x16400, s4;
	[smem:$0x7EE] =	sst s11  }
0x60: {  	s13 =	sadd.s32 $0x16800, s4;
	[smem:$0x7EF] =	sst s12  }
0x61: {  	s28 =	sadd.s32 $0x1B400, s4;
	s14 =	sadd.s32 $0x16C00, s4;
	[smem:$0x7F0] =	sst s13  }
0x62: {  	s29 =	sadd.s32 $0x1B800, s4;
	s15 =	sadd.s32 $0x17000, s4;
	[smem:$0x7F1] =	sst s14  }
0x63: {  	s30 =	sadd.s32 $0x1BC00, s4;
	s16 =	sadd.s32 $0x17400, s4;
	[smem:$0x7F2] =	sst s15  }
0x64: {  	s31 =	sadd.s32 $0x1C000, s4;
	s17 =	sadd.s32 $0x17800, s4;
	[smem:$0x7F3] =	sst s16  }
0x65: {  	s0 =	sadd.s32 $0x1C400, s4;
	s18 =	sadd.s32 $0x17C00, s4;
	[smem:$0x7F4] =	sst s17  }
0x66: {  	s1 =	sadd.s32 $0x1C800, s4;
	[smem:$0x7F5] =	sst s18;
	s19 =	sadd.s32 $0x18000, s4  }
0x67: {  	s20 =	sadd.s32 $0x18400, s4;
	s21 =	sadd.s32 $0x18800, s4;
	s22 =	sadd.s32 $0x18C00, s4  }
0x68: {  	s23 =	sadd.s32 $0x19000, s4;
	s24 =	sadd.s32 $0x19400, s4;
	s25 =	sadd.s32 $0x19800, s4  }
0x69: {  	s26 =	sadd.s32 $0x19C00, s4;
	s2 =	sadd.s32 $0x1CC00, s4;
	[smem:$0x7F6] =	sst s19  }
0x6a: {  	s5 =	sadd.s32 $0x1D000, s4;
	s6 =	sadd.s32 $0x1D400, s4;
	[smem:$0x7F7] =	sst s20  }
0x6b: {  	s7 =	sadd.s32 $0x1D800, s4;
	s8 =	sadd.s32 $0x1DC00, s4;
	[smem:$0x7F8] =	sst s21  }
0x6c: {  	s9 =	sadd.s32 $0x1E000, s4;
	s10 =	sadd.s32 $0x1E400, s4;
	[smem:$0x7F9] =	sst s22  }
0x6d: {  	s11 =	sadd.s32 $0x1E800, s4;
	s12 =	sadd.s32 $0x1EC00, s4;
	[smem:$0x7FA] =	sst s23  }
0x6e: {  	s13 =	sadd.s32 $0x1F000, s4;
	s14 =	sadd.s32 $0x1F400, s4;
	[smem:$0x7FB] =	sst s24  }
0x6f: {  	s15 =	sadd.s32 $0x1F800, s4;
	s16 =	sadd.s32 $0x1FC00, s4;
	[smem:$0x7FC] =	sst s25  }
0x70: {  	s17 =	simm.s32 $0x2;
	s18 =	simm.s32 $0x1;
	[smem:$0x7FD] =	sst s26  }
0x71: {  	s22 =	sadd.s32 $0x1A000, s4;
	s23 =	sadd.s32 $0x1A400, s4;
	s24 =	sadd.s32 $0x1A800, s4  }
0x72: {  	s25 =	sadd.s32 $0x1AC00, s4;
	s26 =	sadd.s32 $0x1B000, s4;
	s19 =	simm.s32 $0x0  }
.LBB2_1:
0x73: {  	s20 =	rddreg [dreg:$0x0]  }
0x74: {  	[tilespmem:s3], [sflag:$0x2] =	stream.linear.gather [hbm4b:s20+s3], $0x80, $0x38;
	[tilespmem:$0x2000] =	vst v63  }
0x75: {  	_ =	swait.ge [sflag:s17], $0x80  }
0x76: {  	[sflag:s17] =	ssyncset.done $0x0  }
0x77: {  	[sflag:s17] =	ssyncadd.s32 $0xFFFFFF80  }
0x78: {  	v0 =	vld [tilespmem:$0x0]  }
0x79: {  	v1 =	vld [tilespmem:$0x10]  }
0x7a: {  	v2 =	vld [tilespmem:$0x20]  }
0x7b: {  	v7 =	vld [tilespmem:$0x70]  }
0x7c: {  	v3 =	vld [tilespmem:$0x30]  }
0x7d: {  	v4 =	vld [tilespmem:$0x40]  }
0x7e: {  	v5 =	vld [tilespmem:$0x50]  }
0x7f: {  	s21 =	simm.s32 $0x200;
	s20 =	simm.s32 $0x0;
	v6 =	vld [tilespmem:$0x60]  }
.LBB2_2:
0x80: {  	p0 =	sne.s32 s21, $0x7C00;
	[tilespmem:s20+$0xF0] =	vst v7  }
0x81: {  	[tilespmem:s20+$0x80] =	vst v0  }
0x82: {  	[tilespmem:s20+$0x90] =	vst v1  }
.Ltmp0:
0x83: {  	[tilespmem:s20+$0xA0] =	vst v2;
	(pc) =	sbr.rel @p0 .LBB2_2-.Ltmp0, $4  }
0x84: {  	[tilespmem:s20+$0xB0] =	vst v3  }
0x85: {  	[tilespmem:s20+$0xC0] =	vst v4  }
0x86: {  	[tilespmem:s20+$0xD0] =	vst v5  }
0x87: {  	[tilespmem:s20+$0xE0] =	vst v6;
	s20 =	sshra.s32 s21, $0x2;
	s21 =	sadd.s32 $0x200, s21  }
0x88: {  	[tilespmem:s20+$0xF0] =	vst v7  }
0x89: {  	[tilespmem:s20+$0x80] =	vst v0  }
0x8a: {  	[tilespmem:s20+$0x90] =	vst v1  }
0x8b: {  	[tilespmem:s20+$0xA0] =	vst v2  }
0x8c: {  	[tilespmem:s20+$0xB0] =	vst v3  }
0x8d: {  	[tilespmem:s20+$0xC0] =	vst v4  }
0x8e: {  	[tilespmem:s20+$0xD0] =	vst v5  }
0x8f: {  	[tilespmem:s20+$0xE0] =	vst v6  }
0x90: {  	[hbm4b:s4+s3] =	stream.linear.scatter [tilespmem:s3], [sflag:$0x1], $0x2000, $0x38;
	[tilespmem:$0x2000] =	vst v63  }
0x91: {  	s21 =	rddreg [dreg:$0x3]  }
0x92: {  	[hbm4b:s21+s3] =	stream.linear.scatter [tilespmem:s3], [sflag:$0x1], $0x2000, $0x38;
	[tilespmem:$0x2000] =	vst v63  }
0x93: {  	s21 =	rddreg [dreg:$0x4]  }
0x94: {  	[hbm4b:s21+s3] =	stream.linear.scatter [tilespmem:s3], [sflag:$0x1], $0x2000, $0x38;
	[tilespmem:$0x2000] =	vst v63  }
0x95: {  	s21 =	rddreg [dreg:$0x5]  }
0x96: {  	[hbm4b:s21+s3] =	stream.linear.scatter [tilespmem:s3], [sflag:$0x1], $0x2000, $0x38;
	[tilespmem:$0x2000] =	vst v63  }
0x97: {  	s21 =	rddreg [dreg:$0x6]  }
0x98: {  	[hbm4b:s21+s3] =	stream.linear.scatter [tilespmem:s3], [sflag:$0x1], $0x2000, $0x38;
	[tilespmem:$0x2000] =	vst v63  }
0x99: {  	s21 =	rddreg [dreg:$0x7]  }
0x9a: {  	[hbm4b:s21+s3] =	stream.linear.scatter [tilespmem:s3], [sflag:$0x1], $0x2000, $0x38;
	[tilespmem:$0x2000] =	vst v63  }
0x9b: {  	s21 =	rddreg [dreg:$0x8]  }
0x9c: {  	[hbm4b:s21+s3] =	stream.linear.scatter [tilespmem:s3], [sflag:$0x1], $0x2000, $0x38;
	[tilespmem:$0x2000] =	vst v63  }
0x9d: {  	s21 =	rddreg [dreg:$0x9]  }
0x9e: {  	[hbm4b:s21+s3] =	stream.linear.scatter [tilespmem:s3], [sflag:$0x1], $0x2000, $0x38;
	[tilespmem:$0x2000] =	vst v63  }
0x9f: {  	s21 =	rddreg [dreg:$0xa]  }
0xa0: {  	[hbm4b:s21+s3] =	stream.linear.scatter [tilespmem:s3], [sflag:$0x1], $0x2000, $0x38;
	[tilespmem:$0x2000] =	vst v63  }
0xa1: {  	s21 =	rddreg [dreg:$0xb]  }
0xa2: {  	[hbm4b:s21+s3] =	stream.linear.scatter [tilespmem:s3], [sflag:$0x1], $0x2000, $0x38;
	[tilespmem:$0x2000] =	vst v63  }
0xa3: {  	s21 =	rddreg [dreg:$0xc]  }
0xa4: {  	[hbm4b:s21+s3] =	stream.linear.scatter [tilespmem:s3], [sflag:$0x1], $0x2000, $0x38;
	[tilespmem:$0x2000] =	vst v63  }
0xa5: {  	s21 =	rddreg [dreg:$0xd]  }
0xa6: {  	[hbm4b:s21+s3] =	stream.linear.scatter [tilespmem:s3], [sflag:$0x1], $0x2000, $0x38;
	[tilespmem:$0x2000] =	vst v63  }
0xa7: {  	s21 =	rddreg [dreg:$0xe]  }
0xa8: {  	[hbm4b:s21+s3] =	stream.linear.scatter [tilespmem:s3], [sflag:$0x1], $0x2000, $0x38;
	[tilespmem:$0x2000] =	vst v63  }
0xa9: {  	s21 =	rddreg [dreg:$0xf]  }
0xaa: {  	[hbm4b:s21+s3] =	stream.linear.scatter [tilespmem:s3], [sflag:$0x1], $0x2000, $0x38;
	[tilespmem:$0x2000] =	vst v63  }
0xab: {  	s21 =	rddreg [dreg:$0x10]  }
0xac: {  	[hbm4b:s21+s3] =	stream.linear.scatter [tilespmem:s3], [sflag:$0x1], $0x2000, $0x38;
	[tilespmem:$0x2000] =	vst v63  }
0xad: {  	s21 =	rddreg [dreg:$0x11]  }
0xae: {  	[hbm4b:s21+s3] =	stream.linear.scatter [tilespmem:s3], [sflag:$0x1], $0x2000, $0x38;
	[tilespmem:$0x2000] =	vst v63  }
0xaf: {  	s21 =	rddreg [dreg:$0x12]  }
0xb0: {  	[hbm4b:s21+s3] =	stream.linear.scatter [tilespmem:s3], [sflag:$0x1], $0x2000, $0x38;
	[tilespmem:$0x2000] =	vst v63  }
0xb1: {  	s21 =	rddreg [dreg:$0x13]  }
0xb2: {  	[hbm4b:s21+s3] =	stream.linear.scatter [tilespmem:s3], [sflag:$0x1], $0x2000, $0x38;
	[tilespmem:$0x2000] =	vst v63  }
0xb3: {  	s21 =	rddreg [dreg:$0x14]  }
0xb4: {  	[hbm4b:s21+s3] =	stream.linear.scatter [tilespmem:s3], [sflag:$0x1], $0x2000, $0x38;
	[tilespmem:$0x2000] =	vst v63  }
0xb5: {  	s21 =	rddreg [dreg:$0x15]  }
0xb6: {  	[hbm4b:s21+s3] =	stream.linear.scatter [tilespmem:s3], [sflag:$0x1], $0x2000, $0x38;
	[tilespmem:$0x2000] =	vst v63  }
0xb7: {  	s21 =	rddreg [dreg:$0x16]  }
0xb8: {  	[hbm4b:s21+s3] =	stream.linear.scatter [tilespmem:s3], [sflag:$0x1], $0x2000, $0x38;
	[tilespmem:$0x2000] =	vst v63  }
0xb9: {  	s21 =	rddreg [dreg:$0x18]  }
0xba: {  	[hbm4b:s21+s3] =	stream.linear.scatter [tilespmem:s3], [sflag:$0x1], $0x2000, $0x38;
	[tilespmem:$0x2000] =	vst v63  }
0xbb: {  	s21 =	rddreg [dreg:$0x19]  }
0xbc: {  	[hbm4b:s21+s3] =	stream.linear.scatter [tilespmem:s3], [sflag:$0x1], $0x2000, $0x38;
	[tilespmem:$0x2000] =	vst v63  }
0xbd: {  	s21 =	rddreg [dreg:$0x1a]  }
0xbe: {  	[hbm4b:s21+s3] =	stream.linear.scatter [tilespmem:s3], [sflag:$0x1], $0x2000, $0x38;
	[tilespmem:$0x2000] =	vst v63  }
0xbf: {  	s21 =	rddreg [dreg:$0x1b]  }
0xc0: {  	[hbm4b:s21+s3] =	stream.linear.scatter [tilespmem:s3], [sflag:$0x1], $0x2000, $0x38;
	[tilespmem:$0x2000] =	vst v63  }
0xc1: {  	s21 =	rddreg [dreg:$0x1c]  }
0xc2: {  	[hbm4b:s21+s3] =	stream.linear.scatter [tilespmem:s3], [sflag:$0x1], $0x2000, $0x38;
	[tilespmem:$0x2000] =	vst v63  }
0xc3: {  	s21 =	rddreg [dreg:$0x1d]  }
0xc4: {  	[hbm4b:s21+s3] =	stream.linear.scatter [tilespmem:s3], [sflag:$0x1], $0x2000, $0x38;
	[tilespmem:$0x2000] =	vst v63  }
0xc5: {  	s21 =	rddreg [dreg:$0x1e]  }
0xc6: {  	[hbm4b:s21+s3] =	stream.linear.scatter [tilespmem:s3], [sflag:$0x1], $0x2000, $0x38;
	[tilespmem:$0x2000] =	vst v63  }
0xc7: {  	s21 =	rddreg [dreg:$0x1f]  }
0xc8: {  	[hbm4b:s21+s3] =	stream.linear.scatter [tilespmem:s3], [sflag:$0x1], $0x2000, $0x38;
	[tilespmem:$0x2000] =	vst v63  }
0xc9: {  	s21 =	sld [smem:$0x7B3];
	_ =	sdelay $0x2  }
0xca: {  	[hbm4b:s21+s3] =	stream.linear.scatter [tilespmem:s3], [sflag:$0x1], $0x2000, $0x38;
	[tilespmem:$0x2000] =	vst v63  }
0xcb: {  	s21 =	sld [smem:$0x7B4];
	_ =	sdelay $0x2  }
0xcc: {  	[hbm4b:s21+s3] =	stream.linear.scatter [tilespmem:s3], [sflag:$0x1], $0x2000, $0x38;
	[tilespmem:$0x2000] =	vst v63  }
0xcd: {  	s21 =	sld [smem:$0x7B5];
	_ =	sdelay $0x2  }
0xce: {  	[hbm4b:s21+s3] =	stream.linear.scatter [tilespmem:s3], [sflag:$0x1], $0x2000, $0x38;
	[tilespmem:$0x2000] =	vst v63  }
0xcf: {  	s21 =	sld [smem:$0x7B6];
	_ =	sdelay $0x2  }
0xd0: {  	[hbm4b:s21+s3] =	stream.linear.scatter [tilespmem:s3], [sflag:$0x1], $0x2000, $0x38;
	[tilespmem:$0x2000] =	vst v63  }
0xd1: {  	s21 =	sld [smem:$0x7B7];
	_ =	sdelay $0x2  }
0xd2: {  	[hbm4b:s21+s3] =	stream.linear.scatter [tilespmem:s3], [sflag:$0x1], $0x2000, $0x38;
	[tilespmem:$0x2000] =	vst v63  }
0xd3: {  	s21 =	sld [smem:$0x7B8];
	_ =	sdelay $0x2  }
0xd4: {  	[hbm4b:s21+s3] =	stream.linear.scatter [tilespmem:s3], [sflag:$0x1], $0x2000, $0x38;
	[tilespmem:$0x2000] =	vst v63  }
0xd5: {  	s21 =	sld [smem:$0x7B9];
	_ =	sdelay $0x2  }
0xd6: {  	[hbm4b:s21+s3] =	stream.linear.scatter [tilespmem:s3], [sflag:$0x1], $0x2000, $0x38;
	[tilespmem:$0x2000] =	vst v63  }
0xd7: {  	s21 =	sld [smem:$0x7BA];
	_ =	sdelay $0x2  }
0xd8: {  	[hbm4b:s21+s3] =	stream.linear.scatter [tilespmem:s3], [sflag:$0x1], $0x2000, $0x38;
	[tilespmem:$0x2000] =	vst v63  }
0xd9: {  	s21 =	sld [smem:$0x7BB];
	_ =	sdelay $0x2  }
0xda: {  	[hbm4b:s21+s3] =	stream.linear.scatter [tilespmem:s3], [sflag:$0x1], $0x2000, $0x38;
	[tilespmem:$0x2000] =	vst v63  }
0xdb: {  	s21 =	sld [smem:$0x7BC];
	_ =	sdelay $0x2  }
0xdc: {  	[hbm4b:s21+s3] =	stream.linear.scatter [tilespmem:s3], [sflag:$0x1], $0x2000, $0x38;
	[tilespmem:$0x2000] =	vst v63  }
0xdd: {  	s21 =	sld [smem:$0x7BD];
	_ =	sdelay $0x2  }
0xde: {  	[hbm4b:s21+s3] =	stream.linear.scatter [tilespmem:s3], [sflag:$0x1], $0x2000, $0x38;
	[tilespmem:$0x2000] =	vst v63  }
0xdf: {  	s21 =	sld [smem:$0x7BE];
	_ =	sdelay $0x2  }
0xe0: {  	[hbm4b:s21+s3] =	stream.linear.scatter [tilespmem:s3], [sflag:$0x1], $0x2000, $0x38;
	[tilespmem:$0x2000] =	vst v63  }
0xe1: {  	s21 =	sld [smem:$0x7BF];
	_ =	sdelay $0x2  }
0xe2: {  	[hbm4b:s21+s3] =	stream.linear.scatter [tilespmem:s3], [sflag:$0x1], $0x2000, $0x38;
	[tilespmem:$0x2000] =	vst v63  }
0xe3: {  	s21 =	sld [smem:$0x7C0];
	_ =	sdelay $0x2  }
0xe4: {  	[hbm4b:s21+s3] =	stream.linear.scatter [tilespmem:s3], [sflag:$0x1], $0x2000, $0x38;
	[tilespmem:$0x2000] =	vst v63  }
0xe5: {  	s21 =	sld [smem:$0x7C1];
	_ =	sdelay $0x2  }
0xe6: {  	[hbm4b:s21+s3] =	stream.linear.scatter [tilespmem:s3], [sflag:$0x1], $0x2000, $0x38;
	[tilespmem:$0x2000] =	vst v63  }
0xe7: {  	s21 =	sld [smem:$0x7C2];
	_ =	sdelay $0x2  }
0xe8: {  	[hbm4b:s21+s3] =	stream.linear.scatter [tilespmem:s3], [sflag:$0x1], $0x2000, $0x38;
	[tilespmem:$0x2000] =	vst v63  }
0xe9: {  	s21 =	sld [smem:$0x7C3];
	_ =	sdelay $0x2  }
0xea: {  	[hbm4b:s21+s3] =	stream.linear.scatter [tilespmem:s3], [sflag:$0x1], $0x2000, $0x38;
	[tilespmem:$0x2000] =	vst v63  }
0xeb: {  	s21 =	sld [smem:$0x7C4];
	_ =	sdelay $0x2  }
0xec: {  	[hbm4b:s21+s3] =	stream.linear.scatter [tilespmem:s3], [sflag:$0x1], $0x2000, $0x38;
	[tilespmem:$0x2000] =	vst v63  }
0xed: {  	s21 =	sld [smem:$0x7C5];
	_ =	sdelay $0x2  }
0xee: {  	[hbm4b:s21+s3] =	stream.linear.scatter [tilespmem:s3], [sflag:$0x1], $0x2000, $0x38;
	[tilespmem:$0x2000] =	vst v63  }
0xef: {  	s21 =	sld [smem:$0x7C6];
	_ =	sdelay $0x2  }
0xf0: {  	[hbm4b:s21+s3] =	stream.linear.scatter [tilespmem:s3], [sflag:$0x1], $0x2000, $0x38;
	[tilespmem:$0x2000] =	vst v63  }
0xf1: {  	s21 =	sld [smem:$0x7C7];
	_ =	sdelay $0x2  }
0xf2: {  	[hbm4b:s21+s3] =	stream.linear.scatter [tilespmem:s3], [sflag:$0x1], $0x2000, $0x38;
	[tilespmem:$0x2000] =	vst v63  }
0xf3: {  	s21 =	sld [smem:$0x7C8];
	_ =	sdelay $0x2  }
0xf4: {  	[hbm4b:s21+s3] =	stream.linear.scatter [tilespmem:s3], [sflag:$0x1], $0x2000, $0x38;
	[tilespmem:$0x2000] =	vst v63  }
0xf5: {  	s21 =	sld [smem:$0x7C9];
	_ =	sdelay $0x2  }
0xf6: {  	[hbm4b:s21+s3] =	stream.linear.scatter [tilespmem:s3], [sflag:$0x1], $0x2000, $0x38;
	[tilespmem:$0x2000] =	vst v63  }
0xf7: {  	s21 =	sld [smem:$0x7CA];
	_ =	sdelay $0x2  }
0xf8: {  	[hbm4b:s21+s3] =	stream.linear.scatter [tilespmem:s3], [sflag:$0x1], $0x2000, $0x38;
	[tilespmem:$0x2000] =	vst v63  }
0xf9: {  	s21 =	sld [smem:$0x7CB];
	_ =	sdelay $0x2  }
0xfa: {  	[hbm4b:s21+s3] =	stream.linear.scatter [tilespmem:s3], [sflag:$0x1], $0x2000, $0x38;
	[tilespmem:$0x2000] =	vst v63  }
0xfb: {  	s21 =	sld [smem:$0x7CC];
	_ =	sdelay $0x2  }
0xfc: {  	[hbm4b:s21+s3] =	stream.linear.scatter [tilespmem:s3], [sflag:$0x1], $0x2000, $0x38;
	[tilespmem:$0x2000] =	vst v63  }
0xfd: {  	s21 =	sld [smem:$0x7CD];
	_ =	sdelay $0x2  }
0xfe: {  	[hbm4b:s21+s3] =	stream.linear.scatter [tilespmem:s3], [sflag:$0x1], $0x2000, $0x38;
	[tilespmem:$0x2000] =	vst v63  }
0xff: {  	s21 =	sld [smem:$0x7CE];
	_ =	sdelay $0x2  }
0x100: {  	[hbm4b:s21+s3] =	stream.linear.scatter [tilespmem:s3], [sflag:$0x1], $0x2000, $0x38;
	[tilespmem:$0x2000] =	vst v63  }
0x101: {  	s21 =	sld [smem:$0x7CF];
	_ =	sdelay $0x2  }
0x102: {  	[hbm4b:s21+s3] =	stream.linear.scatter [tilespmem:s3], [sflag:$0x1], $0x2000, $0x38;
	[tilespmem:$0x2000] =	vst v63  }
0x103: {  	s21 =	sld [smem:$0x7D0];
	_ =	sdelay $0x2  }
0x104: {  	[hbm4b:s21+s3] =	stream.linear.scatter [tilespmem:s3], [sflag:$0x1], $0x2000, $0x38;
	[tilespmem:$0x2000] =	vst v63  }
0x105: {  	s21 =	sld [smem:$0x7D1];
	_ =	sdelay $0x2  }
0x106: {  	[hbm4b:s21+s3] =	stream.linear.scatter [tilespmem:s3], [sflag:$0x1], $0x2000, $0x38;
	[tilespmem:$0x2000] =	vst v63  }
0x107: {  	s21 =	sld [smem:$0x7D2];
	_ =	sdelay $0x2  }
0x108: {  	[hbm4b:s21+s3] =	stream.linear.scatter [tilespmem:s3], [sflag:$0x1], $0x2000, $0x38;
	[tilespmem:$0x2000] =	vst v63  }
0x109: {  	s21 =	sld [smem:$0x7D3];
	_ =	sdelay $0x2  }
0x10a: {  	[hbm4b:s21+s3] =	stream.linear.scatter [tilespmem:s3], [sflag:$0x1], $0x2000, $0x38;
	[tilespmem:$0x2000] =	vst v63  }
0x10b: {  	s21 =	sld [smem:$0x7D4];
	_ =	sdelay $0x2  }
0x10c: {  	[hbm4b:s21+s3] =	stream.linear.scatter [tilespmem:s3], [sflag:$0x1], $0x2000, $0x38;
	[tilespmem:$0x2000] =	vst v63  }
0x10d: {  	s21 =	sld [smem:$0x7D5];
	_ =	sdelay $0x2  }
0x10e: {  	[hbm4b:s21+s3] =	stream.linear.scatter [tilespmem:s3], [sflag:$0x1], $0x2000, $0x38;
	[tilespmem:$0x2000] =	vst v63  }
0x10f: {  	s21 =	sld [smem:$0x7D6];
	_ =	sdelay $0x2  }
0x110: {  	[hbm4b:s21+s3] =	stream.linear.scatter [tilespmem:s3], [sflag:$0x1], $0x2000, $0x38;
	[tilespmem:$0x2000] =	vst v63  }
0x111: {  	s21 =	sld [smem:$0x7D7];
	_ =	sdelay $0x2  }
0x112: {  	[hbm4b:s21+s3] =	stream.linear.scatter [tilespmem:s3], [sflag:$0x1], $0x2000, $0x38;
	[tilespmem:$0x2000] =	vst v63  }
0x113: {  	s21 =	sld [smem:$0x7D8];
	_ =	sdelay $0x2  }
0x114: {  	[hbm4b:s21+s3] =	stream.linear.scatter [tilespmem:s3], [sflag:$0x1], $0x2000, $0x38;
	[tilespmem:$0x2000] =	vst v63  }
0x115: {  	s21 =	sld [smem:$0x7D9];
	_ =	sdelay $0x2  }
0x116: {  	[hbm4b:s21+s3] =	stream.linear.scatter [tilespmem:s3], [sflag:$0x1], $0x2000, $0x38;
	[tilespmem:$0x2000] =	vst v63  }
0x117: {  	s21 =	sld [smem:$0x7DA];
	_ =	sdelay $0x2  }
0x118: {  	[hbm4b:s21+s3] =	stream.linear.scatter [tilespmem:s3], [sflag:$0x1], $0x2000, $0x38;
	[tilespmem:$0x2000] =	vst v63  }
0x119: {  	s21 =	sld [smem:$0x7DB];
	_ =	sdelay $0x2  }
0x11a: {  	[hbm4b:s21+s3] =	stream.linear.scatter [tilespmem:s3], [sflag:$0x1], $0x2000, $0x38;
	[tilespmem:$0x2000] =	vst v63  }
0x11b: {  	s21 =	sld [smem:$0x7DC];
	_ =	sdelay $0x2  }
0x11c: {  	[hbm4b:s21+s3] =	stream.linear.scatter [tilespmem:s3], [sflag:$0x1], $0x2000, $0x38;
	[tilespmem:$0x2000] =	vst v63  }
0x11d: {  	s21 =	sld [smem:$0x7DD];
	_ =	sdelay $0x2  }
0x11e: {  	[hbm4b:s21+s3] =	stream.linear.scatter [tilespmem:s3], [sflag:$0x1], $0x2000, $0x38;
	[tilespmem:$0x2000] =	vst v63  }
0x11f: {  	s21 =	sld [smem:$0x7DE];
	_ =	sdelay $0x2  }
0x120: {  	[hbm4b:s21+s3] =	stream.linear.scatter [tilespmem:s3], [sflag:$0x1], $0x2000, $0x38;
	[tilespmem:$0x2000] =	vst v63  }
0x121: {  	s21 =	sld [smem:$0x7DF];
	_ =	sdelay $0x2  }
0x122: {  	[hbm4b:s21+s3] =	stream.linear.scatter [tilespmem:s3], [sflag:$0x1], $0x2000, $0x38;
	[tilespmem:$0x2000] =	vst v63  }
0x123: {  	s21 =	sld [smem:$0x7E0];
	_ =	sdelay $0x2  }
0x124: {  	[hbm4b:s21+s3] =	stream.linear.scatter [tilespmem:s3], [sflag:$0x1], $0x2000, $0x38;
	[tilespmem:$0x2000] =	vst v63  }
0x125: {  	s21 =	sld [smem:$0x7E1];
	_ =	sdelay $0x2  }
0x126: {  	[hbm4b:s21+s3] =	stream.linear.scatter [tilespmem:s3], [sflag:$0x1], $0x2000, $0x38;
	[tilespmem:$0x2000] =	vst v63  }
0x127: {  	s21 =	sld [smem:$0x7E2];
	_ =	sdelay $0x2  }
0x128: {  	[hbm4b:s21+s3] =	stream.linear.scatter [tilespmem:s3], [sflag:$0x1], $0x2000, $0x38;
	[tilespmem:$0x2000] =	vst v63  }
0x129: {  	s21 =	sld [smem:$0x7E3];
	_ =	sdelay $0x2  }
0x12a: {  	[hbm4b:s21+s3] =	stream.linear.scatter [tilespmem:s3], [sflag:$0x1], $0x2000, $0x38;
	[tilespmem:$0x2000] =	vst v63  }
0x12b: {  	s21 =	sld [smem:$0x7E4];
	_ =	sdelay $0x2  }
0x12c: {  	[hbm4b:s21+s3] =	stream.linear.scatter [tilespmem:s3], [sflag:$0x1], $0x2000, $0x38;
	[tilespmem:$0x2000] =	vst v63  }
0x12d: {  	s21 =	sld [smem:$0x7E5];
	_ =	sdelay $0x2  }
0x12e: {  	[hbm4b:s21+s3] =	stream.linear.scatter [tilespmem:s3], [sflag:$0x1], $0x2000, $0x38;
	[tilespmem:$0x2000] =	vst v63  }
0x12f: {  	s21 =	sld [smem:$0x7E6];
	_ =	sdelay $0x2  }
0x130: {  	[hbm4b:s21+s3] =	stream.linear.scatter [tilespmem:s3], [sflag:$0x1], $0x2000, $0x38;
	[tilespmem:$0x2000] =	vst v63  }
0x131: {  	s21 =	sld [smem:$0x7E7];
	_ =	sdelay $0x2  }
0x132: {  	[hbm4b:s21+s3] =	stream.linear.scatter [tilespmem:s3], [sflag:$0x1], $0x2000, $0x38;
	[tilespmem:$0x2000] =	vst v63  }
0x133: {  	s21 =	sld [smem:$0x7E8];
	_ =	sdelay $0x2  }
0x134: {  	[hbm4b:s21+s3] =	stream.linear.scatter [tilespmem:s3], [sflag:$0x1], $0x2000, $0x38;
	[tilespmem:$0x2000] =	vst v63  }
0x135: {  	s21 =	sld [smem:$0x7E9];
	_ =	sdelay $0x2  }
0x136: {  	[hbm4b:s21+s3] =	stream.linear.scatter [tilespmem:s3], [sflag:$0x1], $0x2000, $0x38;
	[tilespmem:$0x2000] =	vst v63  }
0x137: {  	s21 =	sld [smem:$0x7EA];
	_ =	sdelay $0x2  }
0x138: {  	[hbm4b:s21+s3] =	stream.linear.scatter [tilespmem:s3], [sflag:$0x1], $0x2000, $0x38;
	[tilespmem:$0x2000] =	vst v63  }
0x139: {  	s21 =	sld [smem:$0x7EB];
	_ =	sdelay $0x2  }
0x13a: {  	[hbm4b:s21+s3] =	stream.linear.scatter [tilespmem:s3], [sflag:$0x1], $0x2000, $0x38;
	[tilespmem:$0x2000] =	vst v63  }
0x13b: {  	s21 =	sld [smem:$0x7EC];
	_ =	sdelay $0x2  }
0x13c: {  	[hbm4b:s21+s3] =	stream.linear.scatter [tilespmem:s3], [sflag:$0x1], $0x2000, $0x38;
	[tilespmem:$0x2000] =	vst v63  }
0x13d: {  	s21 =	sld [smem:$0x7ED];
	_ =	sdelay $0x2  }
0x13e: {  	[hbm4b:s21+s3] =	stream.linear.scatter [tilespmem:s3], [sflag:$0x1], $0x2000, $0x38;
	[tilespmem:$0x2000] =	vst v63  }
0x13f: {  	s21 =	sld [smem:$0x7EE];
	_ =	sdelay $0x2  }
0x140: {  	[hbm4b:s21+s3] =	stream.linear.scatter [tilespmem:s3], [sflag:$0x1], $0x2000, $0x38;
	[tilespmem:$0x2000] =	vst v63  }
0x141: {  	s21 =	sld [smem:$0x7EF];
	_ =	sdelay $0x2  }
0x142: {  	[hbm4b:s21+s3] =	stream.linear.scatter [tilespmem:s3], [sflag:$0x1], $0x2000, $0x38;
	[tilespmem:$0x2000] =	vst v63  }
0x143: {  	s21 =	sld [smem:$0x7F0];
	_ =	sdelay $0x2  }
0x144: {  	[hbm4b:s21+s3] =	stream.linear.scatter [tilespmem:s3], [sflag:$0x1], $0x2000, $0x38;
	[tilespmem:$0x2000] =	vst v63  }
0x145: {  	s21 =	sld [smem:$0x7F1];
	_ =	sdelay $0x2  }
0x146: {  	[hbm4b:s21+s3] =	stream.linear.scatter [tilespmem:s3], [sflag:$0x1], $0x2000, $0x38;
	[tilespmem:$0x2000] =	vst v63  }
0x147: {  	s21 =	sld [smem:$0x7F2];
	_ =	sdelay $0x2  }
0x148: {  	[hbm4b:s21+s3] =	stream.linear.scatter [tilespmem:s3], [sflag:$0x1], $0x2000, $0x38;
	[tilespmem:$0x2000] =	vst v63  }
0x149: {  	s21 =	sld [smem:$0x7F3];
	_ =	sdelay $0x2  }
0x14a: {  	[hbm4b:s21+s3] =	stream.linear.scatter [tilespmem:s3], [sflag:$0x1], $0x2000, $0x38;
	[tilespmem:$0x2000] =	vst v63  }
0x14b: {  	s21 =	sld [smem:$0x7F4];
	_ =	sdelay $0x2  }
0x14c: {  	[hbm4b:s21+s3] =	stream.linear.scatter [tilespmem:s3], [sflag:$0x1], $0x2000, $0x38;
	[tilespmem:$0x2000] =	vst v63  }
0x14d: {  	s21 =	sld [smem:$0x7F5];
	_ =	sdelay $0x2  }
0x14e: {  	[hbm4b:s21+s3] =	stream.linear.scatter [tilespmem:s3], [sflag:$0x1], $0x2000, $0x38;
	[tilespmem:$0x2000] =	vst v63  }
0x14f: {  	s21 =	sld [smem:$0x7F6];
	_ =	sdelay $0x2  }
0x150: {  	[hbm4b:s21+s3] =	stream.linear.scatter [tilespmem:s3], [sflag:$0x1], $0x2000, $0x38;
	[tilespmem:$0x2000] =	vst v63  }
0x151: {  	s21 =	sld [smem:$0x7F7];
	_ =	sdelay $0x2  }
0x152: {  	[hbm4b:s21+s3] =	stream.linear.scatter [tilespmem:s3], [sflag:$0x1], $0x2000, $0x38;
	[tilespmem:$0x2000] =	vst v63  }
0x153: {  	s21 =	sld [smem:$0x7F8];
	_ =	sdelay $0x2  }
0x154: {  	[hbm4b:s21+s3] =	stream.linear.scatter [tilespmem:s3], [sflag:$0x1], $0x2000, $0x38;
	[tilespmem:$0x2000] =	vst v63  }
0x155: {  	s21 =	sld [smem:$0x7F9];
	_ =	sdelay $0x2  }
0x156: {  	[hbm4b:s21+s3] =	stream.linear.scatter [tilespmem:s3], [sflag:$0x1], $0x2000, $0x38;
	[tilespmem:$0x2000] =	vst v63  }
0x157: {  	s21 =	sld [smem:$0x7FA];
	_ =	sdelay $0x2  }
0x158: {  	[hbm4b:s21+s3] =	stream.linear.scatter [tilespmem:s3], [sflag:$0x1], $0x2000, $0x38;
	[tilespmem:$0x2000] =	vst v63  }
0x159: {  	s21 =	sld [smem:$0x7FB];
	_ =	sdelay $0x2  }
0x15a: {  	[hbm4b:s21+s3] =	stream.linear.scatter [tilespmem:s3], [sflag:$0x1], $0x2000, $0x38;
	[tilespmem:$0x2000] =	vst v63  }
0x15b: {  	s21 =	sld [smem:$0x7FC];
	_ =	sdelay $0x2  }
0x15c: {  	[hbm4b:s21+s3] =	stream.linear.scatter [tilespmem:s3], [sflag:$0x1], $0x2000, $0x38;
	[tilespmem:$0x2000] =	vst v63  }
0x15d: {  	s21 =	sld [smem:$0x7FD];
	_ =	sdelay $0x2  }
0x15e: {  	[hbm4b:s21+s3] =	stream.linear.scatter [tilespmem:s3], [sflag:$0x1], $0x2000, $0x38;
	[tilespmem:$0x2000] =	vst v63  }
0x15f: {  	_ = 	snop  }
0x160: {  	[hbm4b:s22+s3] =	stream.linear.scatter [tilespmem:s3], [sflag:$0x1], $0x2000, $0x38;
	[tilespmem:$0x2000] =	vst v63  }
0x161: {  	_ = 	snop  }
0x162: {  	[hbm4b:s23+s3] =	stream.linear.scatter [tilespmem:s3], [sflag:$0x1], $0x2000, $0x38;
	[tilespmem:$0x2000] =	vst v63  }
0x163: {  	_ = 	snop  }
0x164: {  	[hbm4b:s24+s3] =	stream.linear.scatter [tilespmem:s3], [sflag:$0x1], $0x2000, $0x38;
	[tilespmem:$0x2000] =	vst v63  }
0x165: {  	_ = 	snop  }
0x166: {  	[hbm4b:s25+s3] =	stream.linear.scatter [tilespmem:s3], [sflag:$0x1], $0x2000, $0x38;
	[tilespmem:$0x2000] =	vst v63  }
0x167: {  	_ = 	snop  }
0x168: {  	[hbm4b:s26+s3] =	stream.linear.scatter [tilespmem:s3], [sflag:$0x1], $0x2000, $0x38;
	[tilespmem:$0x2000] =	vst v63  }
0x169: {  	_ = 	snop  }
0x16a: {  	[hbm4b:s28+s3] =	stream.linear.scatter [tilespmem:s3], [sflag:$0x1], $0x2000, $0x38;
	[tilespmem:$0x2000] =	vst v63  }
0x16b: {  	_ = 	snop  }
0x16c: {  	[hbm4b:s29+s3] =	stream.linear.scatter [tilespmem:s3], [sflag:$0x1], $0x2000, $0x38;
	[tilespmem:$0x2000] =	vst v63  }
0x16d: {  	_ = 	snop  }
0x16e: {  	[hbm4b:s30+s3] =	stream.linear.scatter [tilespmem:s3], [sflag:$0x1], $0x2000, $0x38;
	[tilespmem:$0x2000] =	vst v63  }
0x16f: {  	_ = 	snop  }
0x170: {  	[hbm4b:s31+s3] =	stream.linear.scatter [tilespmem:s3], [sflag:$0x1], $0x2000, $0x38;
	[tilespmem:$0x2000] =	vst v63  }
0x171: {  	_ = 	snop  }
0x172: {  	[hbm4b:s0+s3] =	stream.linear.scatter [tilespmem:s3], [sflag:$0x1], $0x2000, $0x38;
	[tilespmem:$0x2000] =	vst v63  }
0x173: {  	_ = 	snop  }
0x174: {  	[hbm4b:s1+s3] =	stream.linear.scatter [tilespmem:s3], [sflag:$0x1], $0x2000, $0x38;
	[tilespmem:$0x2000] =	vst v63  }
0x175: {  	_ = 	snop  }
0x176: {  	[hbm4b:s2+s3] =	stream.linear.scatter [tilespmem:s3], [sflag:$0x1], $0x2000, $0x38;
	[tilespmem:$0x2000] =	vst v63  }
0x177: {  	_ = 	snop  }
0x178: {  	[hbm4b:s5+s3] =	stream.linear.scatter [tilespmem:s3], [sflag:$0x1], $0x2000, $0x38;
	[tilespmem:$0x2000] =	vst v63  }
0x179: {  	_ = 	snop  }
0x17a: {  	[hbm4b:s6+s3] =	stream.linear.scatter [tilespmem:s3], [sflag:$0x1], $0x2000, $0x38;
	[tilespmem:$0x2000] =	vst v63  }
0x17b: {  	_ = 	snop  }
0x17c: {  	[hbm4b:s7+s3] =	stream.linear.scatter [tilespmem:s3], [sflag:$0x1], $0x2000, $0x38;
	[tilespmem:$0x2000] =	vst v63  }
0x17d: {  	_ = 	snop  }
0x17e: {  	[hbm4b:s8+s3] =	stream.linear.scatter [tilespmem:s3], [sflag:$0x1], $0x2000, $0x38;
	[tilespmem:$0x2000] =	vst v63  }
0x17f: {  	_ = 	snop  }
0x180: {  	[hbm4b:s9+s3] =	stream.linear.scatter [tilespmem:s3], [sflag:$0x1], $0x2000, $0x38;
	[tilespmem:$0x2000] =	vst v63  }
0x181: {  	_ = 	snop  }
0x182: {  	[hbm4b:s10+s3] =	stream.linear.scatter [tilespmem:s3], [sflag:$0x1], $0x2000, $0x38;
	[tilespmem:$0x2000] =	vst v63  }
0x183: {  	_ = 	snop  }
0x184: {  	[hbm4b:s11+s3] =	stream.linear.scatter [tilespmem:s3], [sflag:$0x1], $0x2000, $0x38;
	[tilespmem:$0x2000] =	vst v63  }
0x185: {  	_ = 	snop  }
0x186: {  	[hbm4b:s12+s3] =	stream.linear.scatter [tilespmem:s3], [sflag:$0x1], $0x2000, $0x38;
	[tilespmem:$0x2000] =	vst v63  }
0x187: {  	_ = 	snop  }
0x188: {  	[hbm4b:s13+s3] =	stream.linear.scatter [tilespmem:s3], [sflag:$0x1], $0x2000, $0x38;
	[tilespmem:$0x2000] =	vst v63  }
0x189: {  	_ = 	snop  }
0x18a: {  	[hbm4b:s14+s3] =	stream.linear.scatter [tilespmem:s3], [sflag:$0x1], $0x2000, $0x38;
	[tilespmem:$0x2000] =	vst v63  }
0x18b: {  	_ = 	snop  }
0x18c: {  	[hbm4b:s15+s3] =	stream.linear.scatter [tilespmem:s3], [sflag:$0x1], $0x2000, $0x38;
	[tilespmem:$0x2000] =	vst v63  }
0x18d: {  	_ = 	snop  }
0x18e: {  	[hbm4b:s16+s3] =	stream.linear.scatter [tilespmem:s3], [sflag:$0x1], $0x2000, $0x38;
	[tilespmem:$0x2000] =	vst v63  }
0x18f: {  	_ =	swait.ge [sflag:s18], $0x2000  }
0x190: {  	[sflag:s18] =	ssyncset.done $0x0  }
0x191: {  	[sflag:s18] =	ssyncadd.s32 $0xFFFFE000  }
0x192: {  	_ =	swait.ge [sflag:s18], $0x2000  }
0x193: {  	[sflag:s18] =	ssyncset.done $0x0  }
0x194: {  	[sflag:s18] =	ssyncadd.s32 $0xFFFFE000  }
0x195: {  	_ =	swait.ge [sflag:s18], $0x2000  }
0x196: {  	[sflag:s18] =	ssyncset.done $0x0  }
0x197: {  	[sflag:s18] =	ssyncadd.s32 $0xFFFFE000  }
0x198: {  	_ =	swait.ge [sflag:s18], $0x2000  }
0x199: {  	[sflag:s18] =	ssyncset.done $0x0  }
0x19a: {  	[sflag:s18] =	ssyncadd.s32 $0xFFFFE000  }
0x19b: {  	_ =	swait.ge [sflag:s18], $0x2000  }
0x19c: {  	[sflag:s18] =	ssyncset.done $0x0  }
0x19d: {  	[sflag:s18] =	ssyncadd.s32 $0xFFFFE000  }
0x19e: {  	_ =	swait.ge [sflag:s18], $0x2000  }
0x19f: {  	[sflag:s18] =	ssyncset.done $0x0  }
0x1a0: {  	[sflag:s18] =	ssyncadd.s32 $0xFFFFE000  }
0x1a1: {  	_ =	swait.ge [sflag:s18], $0x2000  }
0x1a2: {  	[sflag:s18] =	ssyncset.done $0x0  }
0x1a3: {  	[sflag:s18] =	ssyncadd.s32 $0xFFFFE000  }
0x1a4: {  	_ =	swait.ge [sflag:s18], $0x2000  }
0x1a5: {  	[sflag:s18] =	ssyncset.done $0x0  }
0x1a6: {  	[sflag:s18] =	ssyncadd.s32 $0xFFFFE000  }
0x1a7: {  	_ =	swait.ge [sflag:s18], $0x2000  }
0x1a8: {  	[sflag:s18] =	ssyncset.done $0x0  }
0x1a9: {  	[sflag:s18] =	ssyncadd.s32 $0xFFFFE000  }
0x1aa: {  	_ =	swait.ge [sflag:s18], $0x2000  }
0x1ab: {  	[sflag:s18] =	ssyncset.done $0x0  }
0x1ac: {  	[sflag:s18] =	ssyncadd.s32 $0xFFFFE000  }
0x1ad: {  	_ =	swait.ge [sflag:s18], $0x2000  }
0x1ae: {  	[sflag:s18] =	ssyncset.done $0x0  }
0x1af: {  	[sflag:s18] =	ssyncadd.s32 $0xFFFFE000  }
0x1b0: {  	_ =	swait.ge [sflag:s18], $0x2000  }
0x1b1: {  	[sflag:s18] =	ssyncset.done $0x0  }
0x1b2: {  	[sflag:s18] =	ssyncadd.s32 $0xFFFFE000  }
0x1b3: {  	_ =	swait.ge [sflag:s18], $0x2000  }
0x1b4: {  	[sflag:s18] =	ssyncset.done $0x0  }
0x1b5: {  	[sflag:s18] =	ssyncadd.s32 $0xFFFFE000  }
0x1b6: {  	_ =	swait.ge [sflag:s18], $0x2000  }
0x1b7: {  	[sflag:s18] =	ssyncset.done $0x0  }
0x1b8: {  	[sflag:s18] =	ssyncadd.s32 $0xFFFFE000  }
0x1b9: {  	_ =	swait.ge [sflag:s18], $0x2000  }
0x1ba: {  	[sflag:s18] =	ssyncset.done $0x0  }
0x1bb: {  	[sflag:s18] =	ssyncadd.s32 $0xFFFFE000  }
0x1bc: {  	_ =	swait.ge [sflag:s18], $0x2000  }
0x1bd: {  	[sflag:s18] =	ssyncset.done $0x0  }
0x1be: {  	[sflag:s18] =	ssyncadd.s32 $0xFFFFE000  }
0x1bf: {  	_ =	swait.ge [sflag:s18], $0x2000  }
0x1c0: {  	[sflag:s18] =	ssyncset.done $0x0  }
0x1c1: {  	[sflag:s18] =	ssyncadd.s32 $0xFFFFE000  }
0x1c2: {  	_ =	swait.ge [sflag:s18], $0x2000  }
0x1c3: {  	[sflag:s18] =	ssyncset.done $0x0  }
0x1c4: {  	[sflag:s18] =	ssyncadd.s32 $0xFFFFE000  }
0x1c5: {  	_ =	swait.ge [sflag:s18], $0x2000  }
0x1c6: {  	[sflag:s18] =	ssyncset.done $0x0  }
0x1c7: {  	[sflag:s18] =	ssyncadd.s32 $0xFFFFE000  }
0x1c8: {  	_ =	swait.ge [sflag:s18], $0x2000  }
0x1c9: {  	[sflag:s18] =	ssyncset.done $0x0  }
0x1ca: {  	[sflag:s18] =	ssyncadd.s32 $0xFFFFE000  }
0x1cb: {  	_ =	swait.ge [sflag:s18], $0x2000  }
0x1cc: {  	[sflag:s18] =	ssyncset.done $0x0  }
0x1cd: {  	[sflag:s18] =	ssyncadd.s32 $0xFFFFE000  }
0x1ce: {  	_ =	swait.ge [sflag:s18], $0x2000  }
0x1cf: {  	[sflag:s18] =	ssyncset.done $0x0  }
0x1d0: {  	[sflag:s18] =	ssyncadd.s32 $0xFFFFE000  }
0x1d1: {  	_ =	swait.ge [sflag:s18], $0x2000  }
0x1d2: {  	[sflag:s18] =	ssyncset.done $0x0  }
0x1d3: {  	[sflag:s18] =	ssyncadd.s32 $0xFFFFE000  }
0x1d4: {  	_ =	swait.ge [sflag:s18], $0x2000  }
0x1d5: {  	[sflag:s18] =	ssyncset.done $0x0  }
0x1d6: {  	[sflag:s18] =	ssyncadd.s32 $0xFFFFE000  }
0x1d7: {  	_ =	swait.ge [sflag:s18], $0x2000  }
0x1d8: {  	[sflag:s18] =	ssyncset.done $0x0  }
0x1d9: {  	[sflag:s18] =	ssyncadd.s32 $0xFFFFE000  }
0x1da: {  	_ =	swait.ge [sflag:s18], $0x2000  }
0x1db: {  	[sflag:s18] =	ssyncset.done $0x0  }
0x1dc: {  	[sflag:s18] =	ssyncadd.s32 $0xFFFFE000  }
0x1dd: {  	_ =	swait.ge [sflag:s18], $0x2000  }
0x1de: {  	[sflag:s18] =	ssyncset.done $0x0  }
0x1df: {  	[sflag:s18] =	ssyncadd.s32 $0xFFFFE000  }
0x1e0: {  	_ =	swait.ge [sflag:s18], $0x2000  }
0x1e1: {  	[sflag:s18] =	ssyncset.done $0x0  }
0x1e2: {  	[sflag:s18] =	ssyncadd.s32 $0xFFFFE000  }
0x1e3: {  	_ =	swait.ge [sflag:s18], $0x2000  }
0x1e4: {  	[sflag:s18] =	ssyncset.done $0x0  }
0x1e5: {  	[sflag:s18] =	ssyncadd.s32 $0xFFFFE000  }
0x1e6: {  	_ =	swait.ge [sflag:s18], $0x2000  }
0x1e7: {  	[sflag:s18] =	ssyncset.done $0x0  }
0x1e8: {  	[sflag:s18] =	ssyncadd.s32 $0xFFFFE000  }
0x1e9: {  	_ =	swait.ge [sflag:s18], $0x2000  }
0x1ea: {  	[sflag:s18] =	ssyncset.done $0x0  }
0x1eb: {  	[sflag:s18] =	ssyncadd.s32 $0xFFFFE000  }
0x1ec: {  	_ =	swait.ge [sflag:s18], $0x2000  }
0x1ed: {  	[sflag:s18] =	ssyncset.done $0x0  }
0x1ee: {  	[sflag:s18] =	ssyncadd.s32 $0xFFFFE000  }
0x1ef: {  	_ =	swait.ge [sflag:s18], $0x2000  }
0x1f0: {  	[sflag:s18] =	ssyncset.done $0x0  }
0x1f1: {  	[sflag:s18] =	ssyncadd.s32 $0xFFFFE000  }
0x1f2: {  	_ =	swait.ge [sflag:s18], $0x2000  }
0x1f3: {  	[sflag:s18] =	ssyncset.done $0x0  }
0x1f4: {  	[sflag:s18] =	ssyncadd.s32 $0xFFFFE000  }
0x1f5: {  	_ =	swait.ge [sflag:s18], $0x2000  }
0x1f6: {  	[sflag:s18] =	ssyncset.done $0x0  }
0x1f7: {  	[sflag:s18] =	ssyncadd.s32 $0xFFFFE000  }
0x1f8: {  	_ =	swait.ge [sflag:s18], $0x2000  }
0x1f9: {  	[sflag:s18] =	ssyncset.done $0x0  }
0x1fa: {  	[sflag:s18] =	ssyncadd.s32 $0xFFFFE000  }
0x1fb: {  	_ =	swait.ge [sflag:s18], $0x2000  }
0x1fc: {  	[sflag:s18] =	ssyncset.done $0x0  }
0x1fd: {  	[sflag:s18] =	ssyncadd.s32 $0xFFFFE000  }
0x1fe: {  	_ =	swait.ge [sflag:s18], $0x2000  }
0x1ff: {  	[sflag:s18] =	ssyncset.done $0x0  }
0x200: {  	[sflag:s18] =	ssyncadd.s32 $0xFFFFE000  }
0x201: {  	_ =	swait.ge [sflag:s18], $0x2000  }
0x202: {  	[sflag:s18] =	ssyncset.done $0x0  }
0x203: {  	[sflag:s18] =	ssyncadd.s32 $0xFFFFE000  }
0x204: {  	_ =	swait.ge [sflag:s18], $0x2000  }
0x205: {  	[sflag:s18] =	ssyncset.done $0x0  }
0x206: {  	[sflag:s18] =	ssyncadd.s32 $0xFFFFE000  }
0x207: {  	_ =	swait.ge [sflag:s18], $0x2000  }
0x208: {  	[sflag:s18] =	ssyncset.done $0x0  }
0x209: {  	[sflag:s18] =	ssyncadd.s32 $0xFFFFE000  }
0x20a: {  	_ =	swait.ge [sflag:s18], $0x2000  }
0x20b: {  	[sflag:s18] =	ssyncset.done $0x0  }
0x20c: {  	[sflag:s18] =	ssyncadd.s32 $0xFFFFE000  }
0x20d: {  	_ =	swait.ge [sflag:s18], $0x2000  }
0x20e: {  	[sflag:s18] =	ssyncset.done $0x0  }
0x20f: {  	[sflag:s18] =	ssyncadd.s32 $0xFFFFE000  }
0x210: {  	_ =	swait.ge [sflag:s18], $0x2000  }
0x211: {  	[sflag:s18] =	ssyncset.done $0x0  }
0x212: {  	[sflag:s18] =	ssyncadd.s32 $0xFFFFE000  }
0x213: {  	_ =	swait.ge [sflag:s18], $0x2000  }
0x214: {  	[sflag:s18] =	ssyncset.done $0x0  }
0x215: {  	[sflag:s18] =	ssyncadd.s32 $0xFFFFE000  }
0x216: {  	_ =	swait.ge [sflag:s18], $0x2000  }
0x217: {  	[sflag:s18] =	ssyncset.done $0x0  }
0x218: {  	[sflag:s18] =	ssyncadd.s32 $0xFFFFE000  }
0x219: {  	_ =	swait.ge [sflag:s18], $0x2000  }
0x21a: {  	[sflag:s18] =	ssyncset.done $0x0  }
0x21b: {  	[sflag:s18] =	ssyncadd.s32 $0xFFFFE000  }
0x21c: {  	_ =	swait.ge [sflag:s18], $0x2000  }
0x21d: {  	[sflag:s18] =	ssyncset.done $0x0  }
0x21e: {  	[sflag:s18] =	ssyncadd.s32 $0xFFFFE000  }
0x21f: {  	_ =	swait.ge [sflag:s18], $0x2000  }
0x220: {  	[sflag:s18] =	ssyncset.done $0x0  }
0x221: {  	[sflag:s18] =	ssyncadd.s32 $0xFFFFE000  }
0x222: {  	_ =	swait.ge [sflag:s18], $0x2000  }
0x223: {  	[sflag:s18] =	ssyncset.done $0x0  }
0x224: {  	[sflag:s18] =	ssyncadd.s32 $0xFFFFE000  }
0x225: {  	_ =	swait.ge [sflag:s18], $0x2000  }
0x226: {  	[sflag:s18] =	ssyncset.done $0x0  }
0x227: {  	[sflag:s18] =	ssyncadd.s32 $0xFFFFE000  }
0x228: {  	_ =	swait.ge [sflag:s18], $0x2000  }
0x229: {  	[sflag:s18] =	ssyncset.done $0x0  }
0x22a: {  	[sflag:s18] =	ssyncadd.s32 $0xFFFFE000  }
0x22b: {  	_ =	swait.ge [sflag:s18], $0x2000  }
0x22c: {  	[sflag:s18] =	ssyncset.done $0x0  }
0x22d: {  	[sflag:s18] =	ssyncadd.s32 $0xFFFFE000  }
0x22e: {  	_ =	swait.ge [sflag:s18], $0x2000  }
0x22f: {  	[sflag:s18] =	ssyncset.done $0x0  }
0x230: {  	[sflag:s18] =	ssyncadd.s32 $0xFFFFE000  }
0x231: {  	_ =	swait.ge [sflag:s18], $0x2000  }
0x232: {  	[sflag:s18] =	ssyncset.done $0x0  }
0x233: {  	[sflag:s18] =	ssyncadd.s32 $0xFFFFE000  }
0x234: {  	_ =	swait.ge [sflag:s18], $0x2000  }
0x235: {  	[sflag:s18] =	ssyncset.done $0x0  }
0x236: {  	[sflag:s18] =	ssyncadd.s32 $0xFFFFE000  }
0x237: {  	_ =	swait.ge [sflag:s18], $0x2000  }
0x238: {  	[sflag:s18] =	ssyncset.done $0x0  }
0x239: {  	[sflag:s18] =	ssyncadd.s32 $0xFFFFE000  }
0x23a: {  	_ =	swait.ge [sflag:s18], $0x2000  }
0x23b: {  	[sflag:s18] =	ssyncset.done $0x0  }
0x23c: {  	[sflag:s18] =	ssyncadd.s32 $0xFFFFE000  }
0x23d: {  	_ =	swait.ge [sflag:s18], $0x2000  }
0x23e: {  	[sflag:s18] =	ssyncset.done $0x0  }
0x23f: {  	[sflag:s18] =	ssyncadd.s32 $0xFFFFE000  }
0x240: {  	_ =	swait.ge [sflag:s18], $0x2000  }
0x241: {  	[sflag:s18] =	ssyncset.done $0x0  }
0x242: {  	[sflag:s18] =	ssyncadd.s32 $0xFFFFE000  }
0x243: {  	_ =	swait.ge [sflag:s18], $0x2000  }
0x244: {  	[sflag:s18] =	ssyncset.done $0x0  }
0x245: {  	[sflag:s18] =	ssyncadd.s32 $0xFFFFE000  }
0x246: {  	_ =	swait.ge [sflag:s18], $0x2000  }
0x247: {  	[sflag:s18] =	ssyncset.done $0x0  }
0x248: {  	[sflag:s18] =	ssyncadd.s32 $0xFFFFE000  }
0x249: {  	_ =	swait.ge [sflag:s18], $0x2000  }
0x24a: {  	[sflag:s18] =	ssyncset.done $0x0  }
0x24b: {  	[sflag:s18] =	ssyncadd.s32 $0xFFFFE000  }
0x24c: {  	_ =	swait.ge [sflag:s18], $0x2000  }
0x24d: {  	[sflag:s18] =	ssyncset.done $0x0  }
0x24e: {  	[sflag:s18] =	ssyncadd.s32 $0xFFFFE000  }
0x24f: {  	_ =	swait.ge [sflag:s18], $0x2000  }
0x250: {  	[sflag:s18] =	ssyncset.done $0x0  }
0x251: {  	[sflag:s18] =	ssyncadd.s32 $0xFFFFE000  }
0x252: {  	_ =	swait.ge [sflag:s18], $0x2000  }
0x253: {  	[sflag:s18] =	ssyncset.done $0x0  }
0x254: {  	[sflag:s18] =	ssyncadd.s32 $0xFFFFE000  }
0x255: {  	_ =	swait.ge [sflag:s18], $0x2000  }
0x256: {  	[sflag:s18] =	ssyncset.done $0x0  }
0x257: {  	[sflag:s18] =	ssyncadd.s32 $0xFFFFE000  }
0x258: {  	_ =	swait.ge [sflag:s18], $0x2000  }
0x259: {  	[sflag:s18] =	ssyncset.done $0x0  }
0x25a: {  	[sflag:s18] =	ssyncadd.s32 $0xFFFFE000  }
0x25b: {  	_ =	swait.ge [sflag:s18], $0x2000  }
0x25c: {  	[sflag:s18] =	ssyncset.done $0x0  }
0x25d: {  	[sflag:s18] =	ssyncadd.s32 $0xFFFFE000  }
0x25e: {  	_ =	swait.ge [sflag:s18], $0x2000  }
0x25f: {  	[sflag:s18] =	ssyncset.done $0x0  }
0x260: {  	[sflag:s18] =	ssyncadd.s32 $0xFFFFE000  }
0x261: {  	_ =	swait.ge [sflag:s18], $0x2000  }
0x262: {  	[sflag:s18] =	ssyncset.done $0x0  }
0x263: {  	[sflag:s18] =	ssyncadd.s32 $0xFFFFE000  }
0x264: {  	_ =	swait.ge [sflag:s18], $0x2000  }
0x265: {  	[sflag:s18] =	ssyncset.done $0x0  }
0x266: {  	[sflag:s18] =	ssyncadd.s32 $0xFFFFE000  }
0x267: {  	_ =	swait.ge [sflag:s18], $0x2000  }
0x268: {  	[sflag:s18] =	ssyncset.done $0x0  }
0x269: {  	[sflag:s18] =	ssyncadd.s32 $0xFFFFE000  }
0x26a: {  	_ =	swait.ge [sflag:s18], $0x2000  }
0x26b: {  	[sflag:s18] =	ssyncset.done $0x0  }
0x26c: {  	[sflag:s18] =	ssyncadd.s32 $0xFFFFE000  }
0x26d: {  	_ =	swait.ge [sflag:s18], $0x2000  }
0x26e: {  	[sflag:s18] =	ssyncset.done $0x0  }
0x26f: {  	[sflag:s18] =	ssyncadd.s32 $0xFFFFE000  }
0x270: {  	_ =	swait.ge [sflag:s18], $0x2000  }
0x271: {  	[sflag:s18] =	ssyncset.done $0x0  }
0x272: {  	[sflag:s18] =	ssyncadd.s32 $0xFFFFE000  }
0x273: {  	_ =	swait.ge [sflag:s18], $0x2000  }
0x274: {  	[sflag:s18] =	ssyncset.done $0x0  }
0x275: {  	[sflag:s18] =	ssyncadd.s32 $0xFFFFE000  }
0x276: {  	_ =	swait.ge [sflag:s18], $0x2000  }
0x277: {  	[sflag:s18] =	ssyncset.done $0x0  }
0x278: {  	[sflag:s18] =	ssyncadd.s32 $0xFFFFE000  }
0x279: {  	_ =	swait.ge [sflag:s18], $0x2000  }
0x27a: {  	[sflag:s18] =	ssyncset.done $0x0  }
0x27b: {  	[sflag:s18] =	ssyncadd.s32 $0xFFFFE000  }
0x27c: {  	_ =	swait.ge [sflag:s18], $0x2000  }
0x27d: {  	[sflag:s18] =	ssyncset.done $0x0  }
0x27e: {  	[sflag:s18] =	ssyncadd.s32 $0xFFFFE000  }
0x27f: {  	_ =	swait.ge [sflag:s18], $0x2000  }
0x280: {  	[sflag:s18] =	ssyncset.done $0x0  }
0x281: {  	[sflag:s18] =	ssyncadd.s32 $0xFFFFE000  }
0x282: {  	_ =	swait.ge [sflag:s18], $0x2000  }
0x283: {  	[sflag:s18] =	ssyncset.done $0x0  }
0x284: {  	[sflag:s18] =	ssyncadd.s32 $0xFFFFE000  }
0x285: {  	_ =	swait.ge [sflag:s18], $0x2000  }
0x286: {  	[sflag:s18] =	ssyncset.done $0x0  }
0x287: {  	[sflag:s18] =	ssyncadd.s32 $0xFFFFE000  }
0x288: {  	_ =	swait.ge [sflag:s18], $0x2000  }
0x289: {  	[sflag:s18] =	ssyncset.done $0x0  }
0x28a: {  	[sflag:s18] =	ssyncadd.s32 $0xFFFFE000  }
0x28b: {  	_ =	swait.ge [sflag:s18], $0x2000  }
0x28c: {  	[sflag:s18] =	ssyncset.done $0x0  }
0x28d: {  	[sflag:s18] =	ssyncadd.s32 $0xFFFFE000  }
0x28e: {  	_ =	swait.ge [sflag:s18], $0x2000  }
0x28f: {  	[sflag:s18] =	ssyncset.done $0x0  }
0x290: {  	[sflag:s18] =	ssyncadd.s32 $0xFFFFE000  }
0x291: {  	_ =	swait.ge [sflag:s18], $0x2000  }
0x292: {  	[sflag:s18] =	ssyncset.done $0x0  }
0x293: {  	[sflag:s18] =	ssyncadd.s32 $0xFFFFE000  }
0x294: {  	_ =	swait.ge [sflag:s18], $0x2000  }
0x295: {  	[sflag:s18] =	ssyncset.done $0x0  }
0x296: {  	[sflag:s18] =	ssyncadd.s32 $0xFFFFE000  }
0x297: {  	_ =	swait.ge [sflag:s18], $0x2000  }
0x298: {  	[sflag:s18] =	ssyncset.done $0x0  }
0x299: {  	[sflag:s18] =	ssyncadd.s32 $0xFFFFE000  }
0x29a: {  	_ =	swait.ge [sflag:s18], $0x2000  }
0x29b: {  	[sflag:s18] =	ssyncset.done $0x0  }
0x29c: {  	[sflag:s18] =	ssyncadd.s32 $0xFFFFE000  }
0x29d: {  	_ =	swait.ge [sflag:s18], $0x2000  }
0x29e: {  	[sflag:s18] =	ssyncset.done $0x0  }
0x29f: {  	[sflag:s18] =	ssyncadd.s32 $0xFFFFE000  }
0x2a0: {  	_ =	swait.ge [sflag:s18], $0x2000  }
0x2a1: {  	[sflag:s18] =	ssyncset.done $0x0  }
0x2a2: {  	[sflag:s18] =	ssyncadd.s32 $0xFFFFE000  }
0x2a3: {  	_ =	swait.ge [sflag:s18], $0x2000  }
0x2a4: {  	[sflag:s18] =	ssyncset.done $0x0  }
0x2a5: {  	[sflag:s18] =	ssyncadd.s32 $0xFFFFE000  }
0x2a6: {  	_ =	swait.ge [sflag:s18], $0x2000  }
0x2a7: {  	[sflag:s18] =	ssyncset.done $0x0  }
0x2a8: {  	[sflag:s18] =	ssyncadd.s32 $0xFFFFE000  }
0x2a9: {  	_ =	swait.ge [sflag:s18], $0x2000  }
0x2aa: {  	[sflag:s18] =	ssyncset.done $0x0  }
0x2ab: {  	[sflag:s18] =	ssyncadd.s32 $0xFFFFE000  }
0x2ac: {  	_ =	swait.ge [sflag:s18], $0x2000  }
0x2ad: {  	[sflag:s18] =	ssyncset.done $0x0  }
0x2ae: {  	[sflag:s18] =	ssyncadd.s32 $0xFFFFE000  }
0x2af: {  	_ =	swait.ge [sflag:s18], $0x2000  }
0x2b0: {  	[sflag:s18] =	ssyncset.done $0x0  }
0x2b1: {  	[sflag:s18] =	ssyncadd.s32 $0xFFFFE000  }
0x2b2: {  	_ =	swait.ge [sflag:s18], $0x2000  }
0x2b3: {  	[sflag:s18] =	ssyncset.done $0x0  }
0x2b4: {  	[sflag:s18] =	ssyncadd.s32 $0xFFFFE000  }
0x2b5: {  	_ =	swait.ge [sflag:s18], $0x2000  }
0x2b6: {  	[sflag:s18] =	ssyncset.done $0x0  }
0x2b7: {  	[sflag:s18] =	ssyncadd.s32 $0xFFFFE000  }
0x2b8: {  	_ =	swait.ge [sflag:s18], $0x2000  }
0x2b9: {  	[sflag:s18] =	ssyncset.done $0x0  }
0x2ba: {  	[sflag:s18] =	ssyncadd.s32 $0xFFFFE000  }
0x2bb: {  	_ =	swait.ge [sflag:s18], $0x2000  }
0x2bc: {  	[sflag:s18] =	ssyncset.done $0x0  }
0x2bd: {  	[sflag:s18] =	ssyncadd.s32 $0xFFFFE000  }
0x2be: {  	_ =	swait.ge [sflag:s18], $0x2000  }
0x2bf: {  	[sflag:s18] =	ssyncset.done $0x0  }
0x2c0: {  	[sflag:s18] =	ssyncadd.s32 $0xFFFFE000  }
0x2c1: {  	_ =	swait.ge [sflag:s18], $0x2000  }
0x2c2: {  	[sflag:s18] =	ssyncset.done $0x0  }
0x2c3: {  	[sflag:s18] =	ssyncadd.s32 $0xFFFFE000  }
0x2c4: {  	_ =	swait.ge [sflag:s18], $0x2000  }
0x2c5: {  	[sflag:s18] =	ssyncset.done $0x0  }
0x2c6: {  	[sflag:s18] =	ssyncadd.s32 $0xFFFFE000  }
0x2c7: {  	_ =	swait.ge [sflag:s18], $0x2000  }
0x2c8: {  	[sflag:s18] =	ssyncset.done $0x0  }
0x2c9: {  	[sflag:s18] =	ssyncadd.s32 $0xFFFFE000  }
0x2ca: {  	_ =	swait.ge [sflag:s18], $0x2000  }
0x2cb: {  	[sflag:s18] =	ssyncset.done $0x0  }
0x2cc: {  	[sflag:s18] =	ssyncadd.s32 $0xFFFFE000  }
0x2cd: {  	_ =	swait.ge [sflag:s18], $0x2000  }
0x2ce: {  	[sflag:s18] =	ssyncset.done $0x0  }
0x2cf: {  	[sflag:s18] =	ssyncadd.s32 $0xFFFFE000  }
0x2d0: {  	_ =	swait.ge [sflag:s18], $0x2000  }
0x2d1: {  	[sflag:s18] =	ssyncset.done $0x0  }
0x2d2: {  	[sflag:s18] =	ssyncadd.s32 $0xFFFFE000  }
0x2d3: {  	_ =	swait.ge [sflag:s18], $0x2000  }
0x2d4: {  	[sflag:s18] =	ssyncset.done $0x0  }
0x2d5: {  	[sflag:s18] =	ssyncadd.s32 $0xFFFFE000  }
0x2d6: {  	_ =	swait.ge [sflag:s18], $0x2000  }
0x2d7: {  	[sflag:s18] =	ssyncset.done $0x0  }
0x2d8: {  	[sflag:s18] =	ssyncadd.s32 $0xFFFFE000  }
0x2d9: {  	_ =	swait.ge [sflag:s18], $0x2000  }
0x2da: {  	[sflag:s18] =	ssyncset.done $0x0  }
0x2db: {  	[sflag:s18] =	ssyncadd.s32 $0xFFFFE000  }
0x2dc: {  	_ =	swait.ge [sflag:s18], $0x2000  }
0x2dd: {  	[sflag:s18] =	ssyncset.done $0x0  }
0x2de: {  	[sflag:s18] =	ssyncadd.s32 $0xFFFFE000  }
0x2df: {  	_ =	swait.ge [sflag:s18], $0x2000  }
0x2e0: {  	[sflag:s18] =	ssyncset.done $0x0  }
0x2e1: {  	[sflag:s18] =	ssyncadd.s32 $0xFFFFE000  }
0x2e2: {  	_ =	swait.ge [sflag:s18], $0x2000  }
0x2e3: {  	[sflag:s18] =	ssyncset.done $0x0  }
0x2e4: {  	[sflag:s18] =	ssyncadd.s32 $0xFFFFE000  }
0x2e5: {  	_ =	swait.ge [sflag:s18], $0x2000  }
0x2e6: {  	[sflag:s18] =	ssyncset.done $0x0  }
0x2e7: {  	[sflag:s18] =	ssyncadd.s32 $0xFFFFE000  }
0x2e8: {  	_ =	swait.ge [sflag:s18], $0x2000  }
0x2e9: {  	[sflag:s18] =	ssyncset.done $0x0  }
0x2ea: {  	[sflag:s18] =	ssyncadd.s32 $0xFFFFE000  }
0x2eb: {  	_ =	swait.ge [sflag:s18], $0x2000  }
0x2ec: {  	[sflag:s18] =	ssyncset.done $0x0  }
0x2ed: {  	[sflag:s18] =	ssyncadd.s32 $0xFFFFE000  }
0x2ee: {  	_ =	swait.ge [sflag:s18], $0x2000  }
0x2ef: {  	[sflag:s18] =	ssyncset.done $0x0  }
0x2f0: {  	[sflag:s18] =	ssyncadd.s32 $0xFFFFE000  }
0x2f1: {  	_ =	swait.ge [sflag:s18], $0x2000  }
0x2f2: {  	[sflag:s18] =	ssyncset.done $0x0  }
0x2f3: {  	[sflag:s18] =	ssyncadd.s32 $0xFFFFE000  }
0x2f4: {  	_ =	swait.ge [sflag:s18], $0x2000  }
0x2f5: {  	[sflag:s18] =	ssyncset.done $0x0  }
0x2f6: {  	[sflag:s18] =	ssyncadd.s32 $0xFFFFE000  }
0x2f7: {  	_ =	swait.ge [sflag:s18], $0x2000  }
0x2f8: {  	[sflag:s18] =	ssyncset.done $0x0  }
0x2f9: {  	[sflag:s18] =	ssyncadd.s32 $0xFFFFE000  }
0x2fa: {  	_ =	swait.ge [sflag:s18], $0x2000  }
0x2fb: {  	[sflag:s18] =	ssyncset.done $0x0  }
0x2fc: {  	[sflag:s18] =	ssyncadd.s32 $0xFFFFE000  }
0x2fd: {  	_ =	swait.ge [sflag:s18], $0x2000  }
0x2fe: {  	[sflag:s18] =	ssyncset.done $0x0  }
0x2ff: {  	[sflag:s18] =	ssyncadd.s32 $0xFFFFE000  }
0x300: {  	_ =	swait.ge [sflag:s18], $0x2000  }
0x301: {  	[sflag:s18] =	ssyncset.done $0x0  }
0x302: {  	[sflag:s18] =	ssyncadd.s32 $0xFFFFE000  }
0x303: {  	_ =	swait.ge [sflag:s18], $0x2000  }
0x304: {  	[sflag:s18] =	ssyncset.done $0x0  }
0x305: {  	[sflag:s18] =	ssyncadd.s32 $0xFFFFE000  }
0x306: {  	_ =	swait.ge [sflag:s18], $0x2000  }
0x307: {  	[sflag:s18] =	ssyncset.done $0x0  }
0x308: {  	[sflag:s18] =	ssyncadd.s32 $0xFFFFE000  }
0x309: {  	_ =	swait.ge [sflag:s18], $0x2000  }
0x30a: {  	[sflag:s18] =	ssyncset.done $0x0  }
0x30b: {  	[sflag:s18] =	ssyncadd.s32 $0xFFFFE000  }
0x30c: {  	_ =	swait.ge [sflag:s18], $0x2000  }
0x30d: {  	s19 =	sadd.s32 $0x1, s19;
	s21 =	rddreg [dreg:$0x17]  }
0x30e: {  	p0 =	sne.s32 s19, s21  }
.Ltmp1:
0x30f: {  	_ = 	snop;
	(pc) =	sbr.rel @p0 .LBB2_1-.Ltmp1, $3  }
0x310: {  	_ =	sdelay $0x1  }
0x311: {  	[sflag:s18] =	ssyncset.done $0x0  }
0x312: {  	[sflag:s18] =	ssyncadd.s32 $0xFFFFE000  }
0x313: {  	_ =	sfence.sel $0x180000  }
0x314: {  	[bflag:$0x0] =	sbarrier.arrive $0xFFFF  }
0x315: {  	_ =	strace $0x90000047  }
0x316: {  	s0 =	stileid.u32;
	[bflag:$0x2] =	sbarrier.arrive $0xFFFF  }
0x317: {  	p0 =	sne.s32 s0, $0x0;
	s0 =	rddreg [dreg:$0x2]  }
0x318: {  	s0 =	sadd.s32 @!p0 $0x100000, s0  }
0x319: {  	[sflag:s0] =	ssyncadd.tile.s32 @!p0 $0x1;
	_ =	shalt  }
.Lfunc_end2:
_tile_overlayer_lowered:
.L_overlay_start_2:
0x31a: {  	(tag) =	ssettag $0x2  }
0x31b: {  	s0 =	rddreg [dreg:$0x0];
	s2 =	stileid.u32  }
0x31c: {  	s1 =	rddreg [dreg:$0x1];
	p0 =	sne.s32 s2, $0x0  }
0x31d: {  	s3 =	rddreg [dreg:$0x2];
	[bflag:$0x3] =	sbarrier.arrive $0xFFFF;
	s2 =	simm.s32 @!p0 $0x1C02  }
0x31e: {  	[timem:s3], [sflag:s2] =	dma.local @!p0 [hbm:s0], s1  }
0x31f: {  	s0 =	simm.s32 @!p0 $0x2  }
0x320: {  	_ =	swait.ge @!p0 [sflag:s0], s1  }
0x321: {  	s1 =	ssub.s32 @!p0 $0x0, s1;
	[sflag:s0] =	ssyncset.done @!p0 $0x0  }
0x322: {  	[sflag:s0] =	ssyncadd.s32 @!p0 s1  }
0x323: {  	[bflag:$0x3] =	sbarrier.arrive $0xFFFF  }
0x324: {  	_ =	shalt  }

</sc_bundles>
